<compile_context>
chip_gen: v7x
topology: tpu7x:2x2x1
jax: 0.10.2.dev20260603
libtpu: 0.0.44.dev20260713+nightly
codegen_flags: <defaults>
</compile_context>

<pallas_src>
import functools

import jax
import jax.numpy as jnp
from jax import lax
from jax.experimental import pallas as pl
from jax.experimental.pallas import tpu as pltpu
from jax.experimental.pallas import tpu_sc as plsc

_B = 16384
_F = 26
_V = 2
_D = 128

_NC = 2
_NS = 16
_NW = _NC * _NS

_REPS = 256
_N = _B * _F
_PER_W = _N // _NW
_CH = 128
_NCH = _PER_W // _CH
_NBUF = 4


def _lookup(xf, table2):
    mesh = plsc.VectorSubcoreMesh(core_axis_name="c", subcore_axis_name="s")

    @functools.partial(
        pl.kernel,
        out_type=jax.ShapeDtypeStruct((_N, _D), jnp.float32),
        mesh=mesh,
        scratch_types=[
            pltpu.VMEM((_PER_W,), jnp.int32),
            pltpu.VMEM((_NBUF, _CH), jnp.int32),
            pltpu.VMEM((_NBUF, _CH, _D), jnp.float32),
            pltpu.SemaphoreType.DMA,
            pltpu.SemaphoreType.DMA,
            pltpu.SemaphoreType.DMA,
            pltpu.SemaphoreType.DMA,
            pltpu.SemaphoreType.DMA,
            pltpu.SemaphoreType.DMA,
            pltpu.SemaphoreType.DMA,
            pltpu.SemaphoreType.DMA,
        ],
    )
    def body(xf_hbm, tab_hbm, out_hbm, xall, idxs, rows,
             g0, g1, g2, g3, s0, s1, s2, s3):
        gsem = (g0, g1, g2, g3)
        osem = (s0, s1, s2, s3)
        wid = lax.axis_index("s") * _NC + lax.axis_index("c")
        wbase = wid * _PER_W
        pltpu.sync_copy(xf_hbm.at[pl.ds(wbase, _PER_W)], xall)

        lanes = lax.iota(jnp.int32, 16)

        def compute_idx(j, b):
            base = j * _CH
            for g in range(_CH // 16):
                off = base + g * 16
                pos = (wbase + off) + lanes
                f = lax.rem(pos, _F)
                rep = lax.bitwise_and(pos, _REPS - 1) * (_F * _V)
                idxs[b, pl.ds(g * 16, 16)] = (
                    xall[pl.ds(off, 16)] + 2 * f + rep)

        def fire_gather(b):
            pltpu.async_copy(tab_hbm.at[idxs.at[b]], rows.at[b], gsem[b])

        def wait_gather(b):
            pltpu.make_async_copy(
                tab_hbm.at[idxs.at[b]], rows.at[b], gsem[b]).wait()

        def fire_scatter(j, b):
            pltpu.async_copy(
                rows.at[b], out_hbm.at[pl.ds(wbase + j * _CH, _CH)], osem[b])

        def wait_scatter(b):
            pltpu.make_async_copy(
                rows.at[b], out_hbm.at[pl.ds(wbase, _CH)], osem[b]).wait()

        for j in range(2):
            compute_idx(j, j)
            fire_gather(j)
        for j in range(2):
            wait_gather(j)
            fire_scatter(j, j)
            compute_idx(j + 2, j + 2)
            fire_gather(j + 2)

        def outer(s, carry):
            for k in range(_NBUF):
                j = 2 + s * _NBUF + k
                b = (2 + k) % _NBUF
                bg = (k) % _NBUF
                wait_gather(b)
                fire_scatter(j, b)
                wait_scatter(bg)
                compute_idx(j + 2, bg)
                fire_gather(bg)
            return carry

        lax.fori_loop(0, (_NCH - 4) // _NBUF, outer, 0)

        for j in range(_NCH - 2, _NCH):
            b = j % _NBUF
            wait_gather(b)
            fire_scatter(j, b)
        for b in range(_NBUF):
            wait_scatter(b)

    return body(xf, table2)


def kernel(X, tables):
    xf = X.reshape(_N)
    table2 = jnp.tile(tables.reshape(_F * _V, _D), (_REPS, 1))
    out = _lookup(xf, table2)
    return out.reshape(_B, _F, 1, _D)

# --- scband reference (transcript-rebuilt; emitter-appended) ---
"""Pipeline reference for scband-categorical-embedding-generator-17471926960668 (READ-ONLY COPY).

The authoritative reference and input builder live on the scoring server;
editing this copy changes nothing except your own understanding.
"""

import jax, jax.numpy as jnp
import numpy as np

B = 16384
F = 26
V = 2
D = 128
TIME_CODE = [list(range(F)), []]

def setup_inputs(seed: int = 0) -> dict:
    key = jax.random.key(seed)
    kx, kw = jax.random.split(key)
    X = jax.random.randint(kx, (B, F), 0, V, dtype=jnp.int32)
    # one embedding table per feature, stacked: [F, V, D] (matches nn.ModuleList of nn.Embedding(V, D))
    tables = jax.random.normal(kw, (F, V, D), dtype=jnp.float32)
    return {"X": X, "tables": tables}

def reference(X, tables):
    # time_code = [[0..25], []]; the loop over time_code[1:] contributes nothing
    # since time_code[1] is empty, mirroring the only well-defined configuration.
    embs = [tables[t][X[:, t][:, None]] for t in TIME_CODE[0]]  # each [B, 1, D]
    return jnp.stack(embs, axis=1)  # [B, F, 1, D]

if __name__ == "__main__":
    import jax
    _d = setup_inputs()
    print(jax.jit(kernel)(*tuple(_d.values())))

</pallas_src>

<mosaic_0001>
#map = affine_map<(d0, d1) -> (0)>
#map1 = affine_map<(d0, d1) -> (0, 0)>
module attributes {stable_mosaic.version = 14 : i64} {
  func.func @body(%arg0: i32, %arg1: i32, %arg2: memref<425984xi32, #tpu.memory_space<hbm>>, %arg3: memref<13312x128xf32, #tpu.memory_space<hbm>>, %arg4: memref<425984x128xf32, #tpu.memory_space<hbm>>, %arg5: memref<13312xi32, #tpu.memory_space<vmem>>, %arg6: memref<4x128xi32, #tpu.memory_space<vmem>>, %arg7: memref<4x128x128xf32, #tpu.memory_space<vmem>>, %arg8: memref<!tpu.dma_semaphore, #tpu.memory_space<semaphore_mem>>, %arg9: memref<!tpu.dma_semaphore, #tpu.memory_space<semaphore_mem>>, %arg10: memref<!tpu.dma_semaphore, #tpu.memory_space<semaphore_mem>>, %arg11: memref<!tpu.dma_semaphore, #tpu.memory_space<semaphore_mem>>, %arg12: memref<!tpu.dma_semaphore, #tpu.memory_space<semaphore_mem>>, %arg13: memref<!tpu.dma_semaphore, #tpu.memory_space<semaphore_mem>>, %arg14: memref<!tpu.dma_semaphore, #tpu.memory_space<semaphore_mem>>, %arg15: memref<!tpu.dma_semaphore, #tpu.memory_space<semaphore_mem>>) attributes {dimension_semantics = [#tpu.dimension_semantics<core_parallel>, #tpu.dimension_semantics<subcore_parallel>], iteration_bounds = array<i64: 2, 16>, scalar_prefetch = 0 : i64, scratch_operands = 11 : i64, tpu.core_type = #tpu.core_type<sc_vector_subcore>, window_params = [{transform_indices = #map}, {transform_indices = #map1}, {transform_indices = #map1}]} {
    %mul3A = arith.constant 2 : i32
    %mul3A_0 = arith.muli %arg1, %mul3A : i32
    %add3A = arith.addi %mul3A_0, %arg0 : i32
    %mul3A_1 = arith.constant 13312 : i32
    %mul3A_2 = arith.muli %add3A, %mul3A_1 : i32
    "tpu.region"() ({
      %run_scoped3A = tpu.sem_alloc : memref<!tpu.dma_semaphore, #tpu.memory_space<semaphore_mem>>
      %dma_start3A_1074 = tpu.memref_slice %arg2[%mul3A_2] : memref<425984xi32, #tpu.memory_space<hbm>> -> memref<13312xi32, #tpu.memory_space<hbm>>
      %dma_start3A_1075 = tpu.memref_slice %arg2[%mul3A_2] : memref<425984xi32, #tpu.memory_space<hbm>> -> memref<13312xi32, #tpu.memory_space<hbm>>
      tpu.enqueue_dma source(%dma_start3A_1075 : memref<13312xi32, #tpu.memory_space<hbm>>) target(%arg5 : memref<13312xi32, #tpu.memory_space<vmem>>) target_semaphore(%run_scoped3A : memref<!tpu.dma_semaphore, #tpu.memory_space<semaphore_mem>>)
      %dma_wait3A_1076 = tpu.memref_slice %arg2[%mul3A_2] : memref<425984xi32, #tpu.memory_space<hbm>> -> memref<13312xi32, #tpu.memory_space<hbm>>
      %dma_wait3A_1077 = tpu.memref_slice %arg2[%mul3A_2] : memref<425984xi32, #tpu.memory_space<hbm>> -> memref<13312xi32, #tpu.memory_space<hbm>>
      tpu.wait_dma2 semaphore(%run_scoped3A : memref<!tpu.dma_semaphore, #tpu.memory_space<semaphore_mem>>) src(%dma_wait3A_1077 : memref<13312xi32, #tpu.memory_space<hbm>>) dst(%arg5 : memref<13312xi32, #tpu.memory_space<vmem>>)
      tpu.yield
    }) : () -> ()
    %iota3A = tpu.iota {dimensions = array<i32: 0>} : vector<16xi32>
    %add3A_3 = arith.constant 0 : i32
    %add3A_4 = arith.addi %mul3A_2, %add3A_3 : i32
    %add3A_5 = vector.broadcast %add3A_4 : i32 to vector<16xi32>
    %add3A_6 = arith.addi %add3A_5, %iota3A : vector<16xi32>
    %rem3A = arith.constant 26 : i32
    %rem3A_7 = vector.broadcast %rem3A : i32 to vector<16xi32>
    %rem3A_8 = arith.remsi %add3A_6, %rem3A_7 : vector<16xi32>
    %and3A = arith.constant 255 : i32
    %and3A_9 = vector.broadcast %and3A : i32 to vector<16xi32>
    %and3A_10 = arith.andi %add3A_6, %and3A_9 : vector<16xi32>
    %mul3A_11 = arith.constant 52 : i32
    %mul3A_12 = vector.broadcast %mul3A_11 : i32 to vector<16xi32>
    %mul3A_13 = arith.muli %and3A_10, %mul3A_12 : vector<16xi32>
    %get3A = arith.constant 0 : index
    %get3A_14 = tpu.vector_load %arg5[%get3A] {strides = array<i32>} : memref<13312xi32, #tpu.memory_space<vmem>>, vector<16xi32>,
    %get3A_15 = vector.shape_cast %get3A_14 : vector<16xi32> to vector<16xi32>
    %mul3A_16 = arith.constant 2 : i32
    %mul3A_17 = vector.broadcast %mul3A_16 : i32 to vector<16xi32>
    %mul3A_18 = arith.muli %mul3A_17, %rem3A_8 : vector<16xi32>
    %add3A_19 = arith.addi %get3A_15, %mul3A_18 : vector<16xi32>
    %add3A_20 = arith.addi %add3A_19, %mul3A_13 : vector<16xi32>
    %swap3A = arith.constant 0 : i32
    %swap3A_21 = arith.index_cast %swap3A : i32 to index
    %swap3A_22 = arith.constant 0 : index
    %swap3A_23 = tpu.vector_load %arg6[%swap3A_21, %swap3A_22] {strides = array<i32>} : memref<4x128xi32, #tpu.memory_space<vmem>>, vector<1x16xi32>,
    %swap3A_24 = vector.shape_cast %swap3A_23 : vector<1x16xi32> to vector<16xi32>
    %swap3A_25 = vector.shape_cast %add3A_20 : vector<16xi32> to vector<1x16xi32>
    tpu.vector_store %arg6[%swap3A_21, %swap3A_22], %swap3A_25 {strides = array<i32>} : memref<4x128xi32, #tpu.memory_space<vmem>>, vector<1x16xi32>,
    %add3A_26 = arith.constant 16 : i32
    %add3A_27 = arith.addi %mul3A_2, %add3A_26 : i32
    %add3A_28 = vector.broadcast %add3A_27 : i32 to vector<16xi32>
    %add3A_29 = arith.addi %add3A_28, %iota3A : vector<16xi32>
    %rem3A_30 = arith.constant 26 : i32
    %rem3A_31 = vector.broadcast %rem3A_30 : i32 to vector<16xi32>
    %rem3A_32 = arith.remsi %add3A_29, %rem3A_31 : vector<16xi32>
    %and3A_33 = arith.constant 255 : i32
    %and3A_34 = vector.broadcast %and3A_33 : i32 to vector<16xi32>
    %and3A_35 = arith.andi %add3A_29, %and3A_34 : vector<16xi32>
    %mul3A_36 = arith.constant 52 : i32
    %mul3A_37 = vector.broadcast %mul3A_36 : i32 to vector<16xi32>
    %mul3A_38 = arith.muli %and3A_35, %mul3A_37 : vector<16xi32>
    %get3A_39 = arith.constant 16 : index
    %get3A_40 = tpu.vector_load %arg5[%get3A_39] {strides = array<i32>} : memref<13312xi32, #tpu.memory_space<vmem>>, vector<16xi32>,
    %get3A_41 = vector.shape_cast %get3A_40 : vector<16xi32> to vector<16xi32>
    %mul3A_42 = arith.constant 2 : i32
    %mul3A_43 = vector.broadcast %mul3A_42 : i32 to vector<16xi32>
    %mul3A_44 = arith.muli %mul3A_43, %rem3A_32 : vector<16xi32>
    %add3A_45 = arith.addi %get3A_41, %mul3A_44 : vector<16xi32>
    %add3A_46 = arith.addi %add3A_45, %mul3A_38 : vector<16xi32>
    %swap3A_47 = arith.constant 0 : i32
    %swap3A_48 = arith.index_cast %swap3A_47 : i32 to index
    %swap3A_49 = arith.constant 16 : index
    %swap3A_50 = tpu.vector_load %arg6[%swap3A_48, %swap3A_49] {strides = array<i32>} : memref<4x128xi32, #tpu.memory_space<vmem>>, vector<1x16xi32>,
    %swap3A_51 = vector.shape_cast %swap3A_50 : vector<1x16xi32> to vector<16xi32>
    %swap3A_52 = vector.shape_cast %add3A_46 : vector<16xi32> to vector<1x16xi32>
    tpu.vector_store %arg6[%swap3A_48, %swap3A_49], %swap3A_52 {strides = array<i32>} : memref<4x128xi32, #tpu.memory_space<vmem>>, vector<1x16xi32>,
    %add3A_53 = arith.constant 32 : i32
    %add3A_54 = arith.addi %mul3A_2, %add3A_53 : i32
    %add3A_55 = vector.broadcast %add3A_54 : i32 to vector<16xi32>
    %add3A_56 = arith.addi %add3A_55, %iota3A : vector<16xi32>
    %rem3A_57 = arith.constant 26 : i32
    %rem3A_58 = vector.broadcast %rem3A_57 : i32 to vector<16xi32>
    %rem3A_59 = arith.remsi %add3A_56, %rem3A_58 : vector<16xi32>
    %and3A_60 = arith.constant 255 : i32
    %and3A_61 = vector.broadcast %and3A_60 : i32 to vector<16xi32>
    %and3A_62 = arith.andi %add3A_56, %and3A_61 : vector<16xi32>
    %mul3A_63 = arith.constant 52 : i32
    %mul3A_64 = vector.broadcast %mul3A_63 : i32 to vector<16xi32>
    %mul3A_65 = arith.muli %and3A_62, %mul3A_64 : vector<16xi32>
    %get3A_66 = arith.constant 32 : index
    %get3A_67 = tpu.vector_load %arg5[%get3A_66] {strides = array<i32>} : memref<13312xi32, #tpu.memory_space<vmem>>, vector<16xi32>,
    %get3A_68 = vector.shape_cast %get3A_67 : vector<16xi32> to vector<16xi32>
    %mul3A_69 = arith.constant 2 : i32
    %mul3A_70 = vector.broadcast %mul3A_69 : i32 to vector<16xi32>
    %mul3A_71 = arith.muli %mul3A_70, %rem3A_59 : vector<16xi32>
    %add3A_72 = arith.addi %get3A_68, %mul3A_71 : vector<16xi32>
    %add3A_73 = arith.addi %add3A_72, %mul3A_65 : vector<16xi32>
    %swap3A_74 = arith.constant 0 : i32
    %swap3A_75 = arith.index_cast %swap3A_74 : i32 to index
    %swap3A_76 = arith.constant 32 : index
    %swap3A_77 = tpu.vector_load %arg6[%swap3A_75, %swap3A_76] {strides = array<i32>} : memref<4x128xi32, #tpu.memory_space<vmem>>, vector<1x16xi32>,
    %swap3A_78 = vector.shape_cast %swap3A_77 : vector<1x16xi32> to vector<16xi32>
    %swap3A_79 = vector.shape_cast %add3A_73 : vector<16xi32> to vector<1x16xi32>
    tpu.vector_store %arg6[%swap3A_75, %swap3A_76], %swap3A_79 {strides = array<i32>} : memref<4x128xi32, #tpu.memory_space<vmem>>, vector<1x16xi32>,
    %add3A_80 = arith.constant 48 : i32
    %add3A_81 = arith.addi %mul3A_2, %add3A_80 : i32
    %add3A_82 = vector.broadcast %add3A_81 : i32 to vector<16xi32>
    %add3A_83 = arith.addi %add3A_82, %iota3A : vector<16xi32>
    %rem3A_84 = arith.constant 26 : i32
    %rem3A_85 = vector.broadcast %rem3A_84 : i32 to vector<16xi32>
    %rem3A_86 = arith.remsi %add3A_83, %rem3A_85 : vector<16xi32>
    %and3A_87 = arith.constant 255 : i32
    %and3A_88 = vector.broadcast %and3A_87 : i32 to vector<16xi32>
    %and3A_89 = arith.andi %add3A_83, %and3A_88 : vector<16xi32>
    %mul3A_90 = arith.constant 52 : i32
    %mul3A_91 = vector.broadcast %mul3A_90 : i32 to vector<16xi32>
    %mul3A_92 = arith.muli %and3A_89, %mul3A_91 : vector<16xi32>
    %get3A_93 = arith.constant 48 : index
    %get3A_94 = tpu.vector_load %arg5[%get3A_93] {strides = array<i32>} : memref<13312xi32, #tpu.memory_space<vmem>>, vector<16xi32>,
    %get3A_95 = vector.shape_cast %get3A_94 : vector<16xi32> to vector<16xi32>
    %mul3A_96 = arith.constant 2 : i32
    %mul3A_97 = vector.broadcast %mul3A_96 : i32 to vector<16xi32>
    %mul3A_98 = arith.muli %mul3A_97, %rem3A_86 : vector<16xi32>
    %add3A_99 = arith.addi %get3A_95, %mul3A_98 : vector<16xi32>
    %add3A_100 = arith.addi %add3A_99, %mul3A_92 : vector<16xi32>
    %swap3A_101 = arith.constant 0 : i32
    %swap3A_102 = arith.index_cast %swap3A_101 : i32 to index
    %swap3A_103 = arith.constant 48 : index
    %swap3A_104 = tpu.vector_load %arg6[%swap3A_102, %swap3A_103] {strides = array<i32>} : memref<4x128xi32, #tpu.memory_space<vmem>>, vector<1x16xi32>,
    %swap3A_105 = vector.shape_cast %swap3A_104 : vector<1x16xi32> to vector<16xi32>
    %swap3A_106 = vector.shape_cast %add3A_100 : vector<16xi32> to vector<1x16xi32>
    tpu.vector_store %arg6[%swap3A_102, %swap3A_103], %swap3A_106 {strides = array<i32>} : memref<4x128xi32, #tpu.memory_space<vmem>>, vector<1x16xi32>,
    %add3A_107 = arith.constant 64 : i32
    %add3A_108 = arith.addi %mul3A_2, %add3A_107 : i32
    %add3A_109 = vector.broadcast %add3A_108 : i32 to vector<16xi32>
    %add3A_110 = arith.addi %add3A_109, %iota3A : vector<16xi32>
    %rem3A_111 = arith.constant 26 : i32
    %rem3A_112 = vector.broadcast %rem3A_111 : i32 to vector<16xi32>
    %rem3A_113 = arith.remsi %add3A_110, %rem3A_112 : vector<16xi32>
    %and3A_114 = arith.constant 255 : i32
    %and3A_115 = vector.broadcast %and3A_114 : i32 to vector<16xi32>
    %and3A_116 = arith.andi %add3A_110, %and3A_115 : vector<16xi32>
    %mul3A_117 = arith.constant 52 : i32
    %mul3A_118 = vector.broadcast %mul3A_117 : i32 to vector<16xi32>
    %mul3A_119 = arith.muli %and3A_116, %mul3A_118 : vector<16xi32>
    %get3A_120 = arith.constant 64 : index
    %get3A_121 = tpu.vector_load %arg5[%get3A_120] {strides = array<i32>} : memref<13312xi32, #tpu.memory_space<vmem>>, vector<16xi32>,
    %get3A_122 = vector.shape_cast %get3A_121 : vector<16xi32> to vector<16xi32>
    %mul3A_123 = arith.constant 2 : i32
    %mul3A_124 = vector.broadcast %mul3A_123 : i32 to vector<16xi32>
    %mul3A_125 = arith.muli %mul3A_124, %rem3A_113 : vector<16xi32>
    %add3A_126 = arith.addi %get3A_122, %mul3A_125 : vector<16xi32>
    %add3A_127 = arith.addi %add3A_126, %mul3A_119 : vector<16xi32>
    %swap3A_128 = arith.constant 0 : i32
    %swap3A_129 = arith.index_cast %swap3A_128 : i32 to index
    %swap3A_130 = arith.constant 64 : index
    %swap3A_131 = tpu.vector_load %arg6[%swap3A_129, %swap3A_130] {strides = array<i32>} : memref<4x128xi32, #tpu.memory_space<vmem>>, vector<1x16xi32>,
    %swap3A_132 = vector.shape_cast %swap3A_131 : vector<1x16xi32> to vector<16xi32>
    %swap3A_133 = vector.shape_cast %add3A_127 : vector<16xi32> to vector<1x16xi32>
    tpu.vector_store %arg6[%swap3A_129, %swap3A_130], %swap3A_133 {strides = array<i32>} : memref<4x128xi32, #tpu.memory_space<vmem>>, vector<1x16xi32>,
    %add3A_134 = arith.constant 80 : i32
    %add3A_135 = arith.addi %mul3A_2, %add3A_134 : i32
    %add3A_136 = vector.broadcast %add3A_135 : i32 to vector<16xi32>
    %add3A_137 = arith.addi %add3A_136, %iota3A : vector<16xi32>
    %rem3A_138 = arith.constant 26 : i32
    %rem3A_139 = vector.broadcast %rem3A_138 : i32 to vector<16xi32>
    %rem3A_140 = arith.remsi %add3A_137, %rem3A_139 : vector<16xi32>
    %and3A_141 = arith.constant 255 : i32
    %and3A_142 = vector.broadcast %and3A_141 : i32 to vector<16xi32>
    %and3A_143 = arith.andi %add3A_137, %and3A_142 : vector<16xi32>
    %mul3A_144 = arith.constant 52 : i32
    %mul3A_145 = vector.broadcast %mul3A_144 : i32 to vector<16xi32>
    %mul3A_146 = arith.muli %and3A_143, %mul3A_145 : vector<16xi32>
    %get3A_147 = arith.constant 80 : index
    %get3A_148 = tpu.vector_load %arg5[%get3A_147] {strides = array<i32>} : memref<13312xi32, #tpu.memory_space<vmem>>, vector<16xi32>,
    %get3A_149 = vector.shape_cast %get3A_148 : vector<16xi32> to vector<16xi32>
    %mul3A_150 = arith.constant 2 : i32
    %mul3A_151 = vector.broadcast %mul3A_150 : i32 to vector<16xi32>
    %mul3A_152 = arith.muli %mul3A_151, %rem3A_140 : vector<16xi32>
    %add3A_153 = arith.addi %get3A_149, %mul3A_152 : vector<16xi32>
    %add3A_154 = arith.addi %add3A_153, %mul3A_146 : vector<16xi32>
    %swap3A_155 = arith.constant 0 : i32
    %swap3A_156 = arith.index_cast %swap3A_155 : i32 to index
    %swap3A_157 = arith.constant 80 : index
    %swap3A_158 = tpu.vector_load %arg6[%swap3A_156, %swap3A_157] {strides = array<i32>} : memref<4x128xi32, #tpu.memory_space<vmem>>, vector<1x16xi32>,
    %swap3A_159 = vector.shape_cast %swap3A_158 : vector<1x16xi32> to vector<16xi32>
    %swap3A_160 = vector.shape_cast %add3A_154 : vector<16xi32> to vector<1x16xi32>
    tpu.vector_store %arg6[%swap3A_156, %swap3A_157], %swap3A_160 {strides = array<i32>} : memref<4x128xi32, #tpu.memory_space<vmem>>, vector<1x16xi32>,
    %add3A_161 = arith.constant 96 : i32
    %add3A_162 = arith.addi %mul3A_2, %add3A_161 : i32
    %add3A_163 = vector.broadcast %add3A_162 : i32 to vector<16xi32>
    %add3A_164 = arith.addi %add3A_163, %iota3A : vector<16xi32>
    %rem3A_165 = arith.constant 26 : i32
    %rem3A_166 = vector.broadcast %rem3A_165 : i32 to vector<16xi32>
    %rem3A_167 = arith.remsi %add3A_164, %rem3A_166 : vector<16xi32>
    %and3A_168 = arith.constant 255 : i32
    %and3A_169 = vector.broadcast %and3A_168 : i32 to vector<16xi32>
    %and3A_170 = arith.andi %add3A_164, %and3A_169 : vector<16xi32>
    %mul3A_171 = arith.constant 52 : i32
    %mul3A_172 = vector.broadcast %mul3A_171 : i32 to vector<16xi32>
    %mul3A_173 = arith.muli %and3A_170, %mul3A_172 : vector<16xi32>
    %get3A_174 = arith.constant 96 : index
    %get3A_175 = tpu.vector_load %arg5[%get3A_174] {strides = array<i32>} : memref<13312xi32, #tpu.memory_space<vmem>>, vector<16xi32>,
    %get3A_176 = vector.shape_cast %get3A_175 : vector<16xi32> to vector<16xi32>
    %mul3A_177 = arith.constant 2 : i32
    %mul3A_178 = vector.broadcast %mul3A_177 : i32 to vector<16xi32>
    %mul3A_179 = arith.muli %mul3A_178, %rem3A_167 : vector<16xi32>
    %add3A_180 = arith.addi %get3A_176, %mul3A_179 : vector<16xi32>
    %add3A_181 = arith.addi %add3A_180, %mul3A_173 : vector<16xi32>
    %swap3A_182 = arith.constant 0 : i32
    %swap3A_183 = arith.index_cast %swap3A_182 : i32 to index
    %swap3A_184 = arith.constant 96 : index
    %swap3A_185 = tpu.vector_load %arg6[%swap3A_183, %swap3A_184] {strides = array<i32>} : memref<4x128xi32, #tpu.memory_space<vmem>>, vector<1x16xi32>,
    %swap3A_186 = vector.shape_cast %swap3A_185 : vector<1x16xi32> to vector<16xi32>
    %swap3A_187 = vector.shape_cast %add3A_181 : vector<16xi32> to vector<1x16xi32>
    tpu.vector_store %arg6[%swap3A_183, %swap3A_184], %swap3A_187 {strides = array<i32>} : memref<4x128xi32, #tpu.memory_space<vmem>>, vector<1x16xi32>,
    %add3A_188 = arith.constant 112 : i32
    %add3A_189 = arith.addi %mul3A_2, %add3A_188 : i32
    %add3A_190 = vector.broadcast %add3A_189 : i32 to vector<16xi32>
    %add3A_191 = arith.addi %add3A_190, %iota3A : vector<16xi32>
    %rem3A_192 = arith.constant 26 : i32
    %rem3A_193 = vector.broadcast %rem3A_192 : i32 to vector<16xi32>
    %rem3A_194 = arith.remsi %add3A_191, %rem3A_193 : vector<16xi32>
    %and3A_195 = arith.constant 255 : i32
    %and3A_196 = vector.broadcast %and3A_195 : i32 to vector<16xi32>
    %and3A_197 = arith.andi %add3A_191, %and3A_196 : vector<16xi32>
    %mul3A_198 = arith.constant 52 : i32
    %mul3A_199 = vector.broadcast %mul3A_198 : i32 to vector<16xi32>
    %mul3A_200 = arith.muli %and3A_197, %mul3A_199 : vector<16xi32>
    %get3A_201 = arith.constant 112 : index
    %get3A_202 = tpu.vector_load %arg5[%get3A_201] {strides = array<i32>} : memref<13312xi32, #tpu.memory_space<vmem>>, vector<16xi32>,
    %get3A_203 = vector.shape_cast %get3A_202 : vector<16xi32> to vector<16xi32>
    %mul3A_204 = arith.constant 2 : i32
    %mul3A_205 = vector.broadcast %mul3A_204 : i32 to vector<16xi32>
    %mul3A_206 = arith.muli %mul3A_205, %rem3A_194 : vector<16xi32>
    %add3A_207 = arith.addi %get3A_203, %mul3A_206 : vector<16xi32>
    %add3A_208 = arith.addi %add3A_207, %mul3A_200 : vector<16xi32>
    %swap3A_209 = arith.constant 0 : i32
    %swap3A_210 = arith.index_cast %swap3A_209 : i32 to index
    %swap3A_211 = arith.constant 112 : index
    %swap3A_212 = tpu.vector_load %arg6[%swap3A_210, %swap3A_211] {strides = array<i32>} : memref<4x128xi32, #tpu.memory_space<vmem>>, vector<1x16xi32>,
    %swap3A_213 = vector.shape_cast %swap3A_212 : vector<1x16xi32> to vector<16xi32>
    %swap3A_214 = vector.shape_cast %add3A_208 : vector<16xi32> to vector<1x16xi32>
    tpu.vector_store %arg6[%swap3A_210, %swap3A_211], %swap3A_214 {strides = array<i32>} : memref<4x128xi32, #tpu.memory_space<vmem>>, vector<1x16xi32>,
    %dma_start3A = arith.constant 0 : i32
    %dma_start3A_215 = arith.constant 0 : i32
    %dma_start3A_216 = arith.constant 0 : i32
    %dma_start3A_217 = arith.constant 0 : i32
    %dma_start3A_218 = tpu.memref_slice %arg7[%dma_start3A_215, %dma_start3A_216, %dma_start3A_217] : memref<4x128x128xf32, #tpu.memory_space<vmem>> -> memref<1x128x128xf32, #tpu.memory_space<vmem>>
    %dma_start3A_219 = tpu.memref_squeeze %dma_start3A_218 : memref<1x128x128xf32, #tpu.memory_space<vmem>> -> memref<128x128xf32, #tpu.memory_space<vmem>>
    %dma_start3A_220 = arith.constant 0 : i32
    %dma_start3A_221 = tpu.memref_slice %arg6[%dma_start3A, %dma_start3A_220] : memref<4x128xi32, #tpu.memory_space<vmem>> -> memref<1x128xi32, #tpu.memory_space<vmem>>
    %dma_start3A_222 = tpu.memref_squeeze %dma_start3A_221 : memref<1x128xi32, #tpu.memory_space<vmem>> -> memref<128xi32, #tpu.memory_space<vmem>>
    %dma_start3A_223 = arith.constant 0 : i32
    %dma_start3A_224 = arith.constant 0 : i32
    %dma_start3A_225 = tpu.memref_slice %arg3[%dma_start3A_223, %dma_start3A_224] : memref<13312x128xf32, #tpu.memory_space<hbm>> -> memref<13312x128xf32, #tpu.memory_space<hbm>>
    tpu.enqueue_indirect_dma source(%dma_start3A_225 : memref<13312x128xf32, #tpu.memory_space<hbm>>) target(%dma_start3A_219 : memref<128x128xf32, #tpu.memory_space<vmem>>) offsets(%dma_start3A_222 : memref<128xi32, #tpu.memory_space<vmem>>) semaphore(%arg8 : memref<!tpu.dma_semaphore, #tpu.memory_space<semaphore_mem>>)
    %add3A_226 = arith.constant 128 : i32
    %add3A_227 = arith.addi %mul3A_2, %add3A_226 : i32
    %add3A_228 = vector.broadcast %add3A_227 : i32 to vector<16xi32>
    %add3A_229 = arith.addi %add3A_228, %iota3A : vector<16xi32>
    %rem3A_230 = arith.constant 26 : i32
    %rem3A_231 = vector.broadcast %rem3A_230 : i32 to vector<16xi32>
    %rem3A_232 = arith.remsi %add3A_229, %rem3A_231 : vector<16xi32>
    %and3A_233 = arith.constant 255 : i32
    %and3A_234 = vector.broadcast %and3A_233 : i32 to vector<16xi32>
    %and3A_235 = arith.andi %add3A_229, %and3A_234 : vector<16xi32>
    %mul3A_236 = arith.constant 52 : i32
    %mul3A_237 = vector.broadcast %mul3A_236 : i32 to vector<16xi32>
    %mul3A_238 = arith.muli %and3A_235, %mul3A_237 : vector<16xi32>
    %get3A_239 = arith.constant 128 : index
    %get3A_240 = tpu.vector_load %arg5[%get3A_239] {strides = array<i32>} : memref<13312xi32, #tpu.memory_space<vmem>>, vector<16xi32>,
    %get3A_241 = vector.shape_cast %get3A_240 : vector<16xi32> to vector<16xi32>
    %mul3A_242 = arith.constant 2 : i32
    %mul3A_243 = vector.broadcast %mul3A_242 : i32 to vector<16xi32>
    %mul3A_244 = arith.muli %mul3A_243, %rem3A_232 : vector<16xi32>
    %add3A_245 = arith.addi %get3A_241, %mul3A_244 : vector<16xi32>
    %add3A_246 = arith.addi %add3A_245, %mul3A_238 : vector<16xi32>
    %swap3A_247 = arith.constant 1 : i32
    %swap3A_248 = arith.index_cast %swap3A_247 : i32 to index
    %swap3A_249 = arith.constant 0 : index
    %swap3A_250 = tpu.vector_load %arg6[%swap3A_248, %swap3A_249] {strides = array<i32>} : memref<4x128xi32, #tpu.memory_space<vmem>>, vector<1x16xi32>,
    %swap3A_251 = vector.shape_cast %swap3A_250 : vector<1x16xi32> to vector<16xi32>
    %swap3A_252 = vector.shape_cast %add3A_246 : vector<16xi32> to vector<1x16xi32>
    tpu.vector_store %arg6[%swap3A_248, %swap3A_249], %swap3A_252 {strides = array<i32>} : memref<4x128xi32, #tpu.memory_space<vmem>>, vector<1x16xi32>,
    %add3A_253 = arith.constant 144 : i32
    %add3A_254 = arith.addi %mul3A_2, %add3A_253 : i32
    %add3A_255 = vector.broadcast %add3A_254 : i32 to vector<16xi32>
    %add3A_256 = arith.addi %add3A_255, %iota3A : vector<16xi32>
    %rem3A_257 = arith.constant 26 : i32
    %rem3A_258 = vector.broadcast %rem3A_257 : i32 to vector<16xi32>
    %rem3A_259 = arith.remsi %add3A_256, %rem3A_258 : vector<16xi32>
    %and3A_260 = arith.constant 255 : i32
    %and3A_261 = vector.broadcast %and3A_260 : i32 to vector<16xi32>
    %and3A_262 = arith.andi %add3A_256, %and3A_261 : vector<16xi32>
    %mul3A_263 = arith.constant 52 : i32
    %mul3A_264 = vector.broadcast %mul3A_263 : i32 to vector<16xi32>
    %mul3A_265 = arith.muli %and3A_262, %mul3A_264 : vector<16xi32>
    %get3A_266 = arith.constant 144 : index
    %get3A_267 = tpu.vector_load %arg5[%get3A_266] {strides = array<i32>} : memref<13312xi32, #tpu.memory_space<vmem>>, vector<16xi32>,
    %get3A_268 = vector.shape_cast %get3A_267 : vector<16xi32> to vector<16xi32>
    %mul3A_269 = arith.constant 2 : i32
    %mul3A_270 = vector.broadcast %mul3A_269 : i32 to vector<16xi32>
    %mul3A_271 = arith.muli %mul3A_270, %rem3A_259 : vector<16xi32>
    %add3A_272 = arith.addi %get3A_268, %mul3A_271 : vector<16xi32>
    %add3A_273 = arith.addi %add3A_272, %mul3A_265 : vector<16xi32>
    %swap3A_274 = arith.constant 1 : i32
    %swap3A_275 = arith.index_cast %swap3A_274 : i32 to index
    %swap3A_276 = arith.constant 16 : index
    %swap3A_277 = tpu.vector_load %arg6[%swap3A_275, %swap3A_276] {strides = array<i32>} : memref<4x128xi32, #tpu.memory_space<vmem>>, vector<1x16xi32>,
    %swap3A_278 = vector.shape_cast %swap3A_277 : vector<1x16xi32> to vector<16xi32>
    %swap3A_279 = vector.shape_cast %add3A_273 : vector<16xi32> to vector<1x16xi32>
    tpu.vector_store %arg6[%swap3A_275, %swap3A_276], %swap3A_279 {strides = array<i32>} : memref<4x128xi32, #tpu.memory_space<vmem>>, vector<1x16xi32>,
    %add3A_280 = arith.constant 160 : i32
    %add3A_281 = arith.addi %mul3A_2, %add3A_280 : i32
    %add3A_282 = vector.broadcast %add3A_281 : i32 to vector<16xi32>
    %add3A_283 = arith.addi %add3A_282, %iota3A : vector<16xi32>
    %rem3A_284 = arith.constant 26 : i32
    %rem3A_285 = vector.broadcast %rem3A_284 : i32 to vector<16xi32>
    %rem3A_286 = arith.remsi %add3A_283, %rem3A_285 : vector<16xi32>
    %and3A_287 = arith.constant 255 : i32
    %and3A_288 = vector.broadcast %and3A_287 : i32 to vector<16xi32>
    %and3A_289 = arith.andi %add3A_283, %and3A_288 : vector<16xi32>
    %mul3A_290 = arith.constant 52 : i32
    %mul3A_291 = vector.broadcast %mul3A_290 : i32 to vector<16xi32>
    %mul3A_292 = arith.muli %and3A_289, %mul3A_291 : vector<16xi32>
    %get3A_293 = arith.constant 160 : index
    %get3A_294 = tpu.vector_load %arg5[%get3A_293] {strides = array<i32>} : memref<13312xi32, #tpu.memory_space<vmem>>, vector<16xi32>,
    %get3A_295 = vector.shape_cast %get3A_294 : vector<16xi32> to vector<16xi32>
    %mul3A_296 = arith.constant 2 : i32
    %mul3A_297 = vector.broadcast %mul3A_296 : i32 to vector<16xi32>
    %mul3A_298 = arith.muli %mul3A_297, %rem3A_286 : vector<16xi32>
    %add3A_299 = arith.addi %get3A_295, %mul3A_298 : vector<16xi32>
    %add3A_300 = arith.addi %add3A_299, %mul3A_292 : vector<16xi32>
    %swap3A_301 = arith.constant 1 : i32
    %swap3A_302 = arith.index_cast %swap3A_301 : i32 to index
    %swap3A_303 = arith.constant 32 : index
    %swap3A_304 = tpu.vector_load %arg6[%swap3A_302, %swap3A_303] {strides = array<i32>} : memref<4x128xi32, #tpu.memory_space<vmem>>, vector<1x16xi32>,
    %swap3A_305 = vector.shape_cast %swap3A_304 : vector<1x16xi32> to vector<16xi32>
    %swap3A_306 = vector.shape_cast %add3A_300 : vector<16xi32> to vector<1x16xi32>
    tpu.vector_store %arg6[%swap3A_302, %swap3A_303], %swap3A_306 {strides = array<i32>} : memref<4x128xi32, #tpu.memory_space<vmem>>, vector<1x16xi32>,
    %add3A_307 = arith.constant 176 : i32
    %add3A_308 = arith.addi %mul3A_2, %add3A_307 : i32
    %add3A_309 = vector.broadcast %add3A_308 : i32 to vector<16xi32>
    %add3A_310 = arith.addi %add3A_309, %iota3A : vector<16xi32>
    %rem3A_311 = arith.constant 26 : i32
    %rem3A_312 = vector.broadcast %rem3A_311 : i32 to vector<16xi32>
    %rem3A_313 = arith.remsi %add3A_310, %rem3A_312 : vector<16xi32>
    %and3A_314 = arith.constant 255 : i32
    %and3A_315 = vector.broadcast %and3A_314 : i32 to vector<16xi32>
    %and3A_316 = arith.andi %add3A_310, %and3A_315 : vector<16xi32>
    %mul3A_317 = arith.constant 52 : i32
    %mul3A_318 = vector.broadcast %mul3A_317 : i32 to vector<16xi32>
    %mul3A_319 = arith.muli %and3A_316, %mul3A_318 : vector<16xi32>
    %get3A_320 = arith.constant 176 : index
    %get3A_321 = tpu.vector_load %arg5[%get3A_320] {strides = array<i32>} : memref<13312xi32, #tpu.memory_space<vmem>>, vector<16xi32>,
    %get3A_322 = vector.shape_cast %get3A_321 : vector<16xi32> to vector<16xi32>
    %mul3A_323 = arith.constant 2 : i32
    %mul3A_324 = vector.broadcast %mul3A_323 : i32 to vector<16xi32>
    %mul3A_325 = arith.muli %mul3A_324, %rem3A_313 : vector<16xi32>
    %add3A_326 = arith.addi %get3A_322, %mul3A_325 : vector<16xi32>
    %add3A_327 = arith.addi %add3A_326, %mul3A_319 : vector<16xi32>
    %swap3A_328 = arith.constant 1 : i32
    %swap3A_329 = arith.index_cast %swap3A_328 : i32 to index
    %swap3A_330 = arith.constant 48 : index
    %swap3A_331 = tpu.vector_load %arg6[%swap3A_329, %swap3A_330] {strides = array<i32>} : memref<4x128xi32, #tpu.memory_space<vmem>>, vector<1x16xi32>,
    %swap3A_332 = vector.shape_cast %swap3A_331 : vector<1x16xi32> to vector<16xi32>
    %swap3A_333 = vector.shape_cast %add3A_327 : vector<16xi32> to vector<1x16xi32>
    tpu.vector_store %arg6[%swap3A_329, %swap3A_330], %swap3A_333 {strides = array<i32>} : memref<4x128xi32, #tpu.memory_space<vmem>>, vector<1x16xi32>,
    %add3A_334 = arith.constant 192 : i32
    %add3A_335 = arith.addi %mul3A_2, %add3A_334 : i32
    %add3A_336 = vector.broadcast %add3A_335 : i32 to vector<16xi32>
    %add3A_337 = arith.addi %add3A_336, %iota3A : vector<16xi32>
    %rem3A_338 = arith.constant 26 : i32
    %rem3A_339 = vector.broadcast %rem3A_338 : i32 to vector<16xi32>
    %rem3A_340 = arith.remsi %add3A_337, %rem3A_339 : vector<16xi32>
    %and3A_341 = arith.constant 255 : i32
    %and3A_342 = vector.broadcast %and3A_341 : i32 to vector<16xi32>
    %and3A_343 = arith.andi %add3A_337, %and3A_342 : vector<16xi32>
    %mul3A_344 = arith.constant 52 : i32
    %mul3A_345 = vector.broadcast %mul3A_344 : i32 to vector<16xi32>
    %mul3A_346 = arith.muli %and3A_343, %mul3A_345 : vector<16xi32>
    %get3A_347 = arith.constant 192 : index
    %get3A_348 = tpu.vector_load %arg5[%get3A_347] {strides = array<i32>} : memref<13312xi32, #tpu.memory_space<vmem>>, vector<16xi32>,
    %get3A_349 = vector.shape_cast %get3A_348 : vector<16xi32> to vector<16xi32>
    %mul3A_350 = arith.constant 2 : i32
    %mul3A_351 = vector.broadcast %mul3A_350 : i32 to vector<16xi32>
    %mul3A_352 = arith.muli %mul3A_351, %rem3A_340 : vector<16xi32>
    %add3A_353 = arith.addi %get3A_349, %mul3A_352 : vector<16xi32>
    %add3A_354 = arith.addi %add3A_353, %mul3A_346 : vector<16xi32>
    %swap3A_355 = arith.constant 1 : i32
    %swap3A_356 = arith.index_cast %swap3A_355 : i32 to index
    %swap3A_357 = arith.constant 64 : index
    %swap3A_358 = tpu.vector_load %arg6[%swap3A_356, %swap3A_357] {strides = array<i32>} : memref<4x128xi32, #tpu.memory_space<vmem>>, vector<1x16xi32>,
    %swap3A_359 = vector.shape_cast %swap3A_358 : vector<1x16xi32> to vector<16xi32>
    %swap3A_360 = vector.shape_cast %add3A_354 : vector<16xi32> to vector<1x16xi32>
    tpu.vector_store %arg6[%swap3A_356, %swap3A_357], %swap3A_360 {strides = array<i32>} : memref<4x128xi32, #tpu.memory_space<vmem>>, vector<1x16xi32>,
    %add3A_361 = arith.constant 208 : i32
    %add3A_362 = arith.addi %mul3A_2, %add3A_361 : i32
    %add3A_363 = vector.broadcast %add3A_362 : i32 to vector<16xi32>
    %add3A_364 = arith.addi %add3A_363, %iota3A : vector<16xi32>
    %rem3A_365 = arith.constant 26 : i32
    %rem3A_366 = vector.broadcast %rem3A_365 : i32 to vector<16xi32>
    %rem3A_367 = arith.remsi %add3A_364, %rem3A_366 : vector<16xi32>
    %and3A_368 = arith.constant 255 : i32
    %and3A_369 = vector.broadcast %and3A_368 : i32 to vector<16xi32>
    %and3A_370 = arith.andi %add3A_364, %and3A_369 : vector<16xi32>
    %mul3A_371 = arith.constant 52 : i32
    %mul3A_372 = vector.broadcast %mul3A_371 : i32 to vector<16xi32>
    %mul3A_373 = arith.muli %and3A_370, %mul3A_372 : vector<16xi32>
    %get3A_374 = arith.constant 208 : index
    %get3A_375 = tpu.vector_load %arg5[%get3A_374] {strides = array<i32>} : memref<13312xi32, #tpu.memory_space<vmem>>, vector<16xi32>,
    %get3A_376 = vector.shape_cast %get3A_375 : vector<16xi32> to vector<16xi32>
    %mul3A_377 = arith.constant 2 : i32
    %mul3A_378 = vector.broadcast %mul3A_377 : i32 to vector<16xi32>
    %mul3A_379 = arith.muli %mul3A_378, %rem3A_367 : vector<16xi32>
    %add3A_380 = arith.addi %get3A_376, %mul3A_379 : vector<16xi32>
    %add3A_381 = arith.addi %add3A_380, %mul3A_373 : vector<16xi32>
    %swap3A_382 = arith.constant 1 : i32
    %swap3A_383 = arith.index_cast %swap3A_382 : i32 to index
    %swap3A_384 = arith.constant 80 : index
    %swap3A_385 = tpu.vector_load %arg6[%swap3A_383, %swap3A_384] {strides = array<i32>} : memref<4x128xi32, #tpu.memory_space<vmem>>, vector<1x16xi32>,
    %swap3A_386 = vector.shape_cast %swap3A_385 : vector<1x16xi32> to vector<16xi32>
    %swap3A_387 = vector.shape_cast %add3A_381 : vector<16xi32> to vector<1x16xi32>
    tpu.vector_store %arg6[%swap3A_383, %swap3A_384], %swap3A_387 {strides = array<i32>} : memref<4x128xi32, #tpu.memory_space<vmem>>, vector<1x16xi32>,
    %add3A_388 = arith.constant 224 : i32
    %add3A_389 = arith.addi %mul3A_2, %add3A_388 : i32
    %add3A_390 = vector.broadcast %add3A_389 : i32 to vector<16xi32>
    %add3A_391 = arith.addi %add3A_390, %iota3A : vector<16xi32>
    %rem3A_392 = arith.constant 26 : i32
    %rem3A_393 = vector.broadcast %rem3A_392 : i32 to vector<16xi32>
    %rem3A_394 = arith.remsi %add3A_391, %rem3A_393 : vector<16xi32>
    %and3A_395 = arith.constant 255 : i32
    %and3A_396 = vector.broadcast %and3A_395 : i32 to vector<16xi32>
    %and3A_397 = arith.andi %add3A_391, %and3A_396 : vector<16xi32>
    %mul3A_398 = arith.constant 52 : i32
    %mul3A_399 = vector.broadcast %mul3A_398 : i32 to vector<16xi32>
    %mul3A_400 = arith.muli %and3A_397, %mul3A_399 : vector<16xi32>
    %get3A_401 = arith.constant 224 : index
    %get3A_402 = tpu.vector_load %arg5[%get3A_401] {strides = array<i32>} : memref<13312xi32, #tpu.memory_space<vmem>>, vector<16xi32>,
    %get3A_403 = vector.shape_cast %get3A_402 : vector<16xi32> to vector<16xi32>
    %mul3A_404 = arith.constant 2 : i32
    %mul3A_405 = vector.broadcast %mul3A_404 : i32 to vector<16xi32>
    %mul3A_406 = arith.muli %mul3A_405, %rem3A_394 : vector<16xi32>
    %add3A_407 = arith.addi %get3A_403, %mul3A_406 : vector<16xi32>
    %add3A_408 = arith.addi %add3A_407, %mul3A_400 : vector<16xi32>
    %swap3A_409 = arith.constant 1 : i32
    %swap3A_410 = arith.index_cast %swap3A_409 : i32 to index
    %swap3A_411 = arith.constant 96 : index
    %swap3A_412 = tpu.vector_load %arg6[%swap3A_410, %swap3A_411] {strides = array<i32>} : memref<4x128xi32, #tpu.memory_space<vmem>>, vector<1x16xi32>,
    %swap3A_413 = vector.shape_cast %swap3A_412 : vector<1x16xi32> to vector<16xi32>
    %swap3A_414 = vector.shape_cast %add3A_408 : vector<16xi32> to vector<1x16xi32>
    tpu.vector_store %arg6[%swap3A_410, %swap3A_411], %swap3A_414 {strides = array<i32>} : memref<4x128xi32, #tpu.memory_space<vmem>>, vector<1x16xi32>,
    %add3A_415 = arith.constant 240 : i32
    %add3A_416 = arith.addi %mul3A_2, %add3A_415 : i32
    %add3A_417 = vector.broadcast %add3A_416 : i32 to vector<16xi32>
    %add3A_418 = arith.addi %add3A_417, %iota3A : vector<16xi32>
    %rem3A_419 = arith.constant 26 : i32
    %rem3A_420 = vector.broadcast %rem3A_419 : i32 to vector<16xi32>
    %rem3A_421 = arith.remsi %add3A_418, %rem3A_420 : vector<16xi32>
    %and3A_422 = arith.constant 255 : i32
    %and3A_423 = vector.broadcast %and3A_422 : i32 to vector<16xi32>
    %and3A_424 = arith.andi %add3A_418, %and3A_423 : vector<16xi32>
    %mul3A_425 = arith.constant 52 : i32
    %mul3A_426 = vector.broadcast %mul3A_425 : i32 to vector<16xi32>
    %mul3A_427 = arith.muli %and3A_424, %mul3A_426 : vector<16xi32>
    %get3A_428 = arith.constant 240 : index
    %get3A_429 = tpu.vector_load %arg5[%get3A_428] {strides = array<i32>} : memref<13312xi32, #tpu.memory_space<vmem>>, vector<16xi32>,
    %get3A_430 = vector.shape_cast %get3A_429 : vector<16xi32> to vector<16xi32>
    %mul3A_431 = arith.constant 2 : i32
    %mul3A_432 = vector.broadcast %mul3A_431 : i32 to vector<16xi32>
    %mul3A_433 = arith.muli %mul3A_432, %rem3A_421 : vector<16xi32>
    %add3A_434 = arith.addi %get3A_430, %mul3A_433 : vector<16xi32>
    %add3A_435 = arith.addi %add3A_434, %mul3A_427 : vector<16xi32>
    %swap3A_436 = arith.constant 1 : i32
    %swap3A_437 = arith.index_cast %swap3A_436 : i32 to index
    %swap3A_438 = arith.constant 112 : index
    %swap3A_439 = tpu.vector_load %arg6[%swap3A_437, %swap3A_438] {strides = array<i32>} : memref<4x128xi32, #tpu.memory_space<vmem>>, vector<1x16xi32>,
    %swap3A_440 = vector.shape_cast %swap3A_439 : vector<1x16xi32> to vector<16xi32>
    %swap3A_441 = vector.shape_cast %add3A_435 : vector<16xi32> to vector<1x16xi32>
    tpu.vector_store %arg6[%swap3A_437, %swap3A_438], %swap3A_441 {strides = array<i32>} : memref<4x128xi32, #tpu.memory_space<vmem>>, vector<1x16xi32>,
    %dma_start3A_442 = arith.constant 1 : i32
    %dma_start3A_443 = arith.constant 1 : i32
    %dma_start3A_444 = arith.constant 0 : i32
    %dma_start3A_445 = arith.constant 0 : i32
    %dma_start3A_446 = tpu.memref_slice %arg7[%dma_start3A_443, %dma_start3A_444, %dma_start3A_445] : memref<4x128x128xf32, #tpu.memory_space<vmem>> -> memref<1x128x128xf32, #tpu.memory_space<vmem>>
    %dma_start3A_447 = tpu.memref_squeeze %dma_start3A_446 : memref<1x128x128xf32, #tpu.memory_space<vmem>> -> memref<128x128xf32, #tpu.memory_space<vmem>>
    %dma_start3A_448 = arith.constant 0 : i32
    %dma_start3A_449 = tpu.memref_slice %arg6[%dma_start3A_442, %dma_start3A_448] : memref<4x128xi32, #tpu.memory_space<vmem>> -> memref<1x128xi32, #tpu.memory_space<vmem>>
    %dma_start3A_450 = tpu.memref_squeeze %dma_start3A_449 : memref<1x128xi32, #tpu.memory_space<vmem>> -> memref<128xi32, #tpu.memory_space<vmem>>
    %dma_start3A_451 = arith.constant 0 : i32
    %dma_start3A_452 = arith.constant 0 : i32
    %dma_start3A_453 = tpu.memref_slice %arg3[%dma_start3A_451, %dma_start3A_452] : memref<13312x128xf32, #tpu.memory_space<hbm>> -> memref<13312x128xf32, #tpu.memory_space<hbm>>
    tpu.enqueue_indirect_dma source(%dma_start3A_453 : memref<13312x128xf32, #tpu.memory_space<hbm>>) target(%dma_start3A_447 : memref<128x128xf32, #tpu.memory_space<vmem>>) offsets(%dma_start3A_450 : memref<128xi32, #tpu.memory_space<vmem>>) semaphore(%arg9 : memref<!tpu.dma_semaphore, #tpu.memory_space<semaphore_mem>>)
    %dma_wait3A = arith.constant 0 : i32
    %dma_wait3A_454 = arith.constant 0 : i32
    %dma_wait3A_455 = arith.constant 0 : i32
    %dma_wait3A_456 = arith.constant 0 : i32
    %dma_wait3A_457 = tpu.memref_slice %arg7[%dma_wait3A_454, %dma_wait3A_455, %dma_wait3A_456] : memref<4x128x128xf32, #tpu.memory_space<vmem>> -> memref<1x128x128xf32, #tpu.memory_space<vmem>>
    %dma_wait3A_458 = tpu.memref_squeeze %dma_wait3A_457 : memref<1x128x128xf32, #tpu.memory_space<vmem>> -> memref<128x128xf32, #tpu.memory_space<vmem>>
    %dma_wait3A_459 = arith.constant 0 : i32
    %dma_wait3A_460 = tpu.memref_slice %arg6[%dma_wait3A, %dma_wait3A_459] : memref<4x128xi32, #tpu.memory_space<vmem>> -> memref<1x128xi32, #tpu.memory_space<vmem>>
    %dma_wait3A_461 = tpu.memref_squeeze %dma_wait3A_460 : memref<1x128xi32, #tpu.memory_space<vmem>> -> memref<128xi32, #tpu.memory_space<vmem>>
    %dma_wait3A_462 = arith.constant 0 : i32
    %dma_wait3A_463 = arith.constant 0 : i32
    %dma_wait3A_464 = tpu.memref_slice %arg3[%dma_wait3A_462, %dma_wait3A_463] : memref<13312x128xf32, #tpu.memory_space<hbm>> -> memref<13312x128xf32, #tpu.memory_space<hbm>>
    tpu.wait_indirect_dma semaphore(%arg8 : memref<!tpu.dma_semaphore, #tpu.memory_space<semaphore_mem>>) src(%dma_wait3A_464 : memref<13312x128xf32, #tpu.memory_space<hbm>>) dst(%dma_wait3A_458 : memref<128x128xf32, #tpu.memory_space<vmem>>)
    %add3A_465 = arith.constant 0 : i32
    %add3A_466 = arith.addi %mul3A_2, %add3A_465 : i32
    %dma_start3A_467 = arith.constant 0 : i32
    %dma_start3A_468 = arith.constant 0 : i32
    %dma_start3A_469 = arith.constant 0 : i32
    %dma_start3A_470 = tpu.memref_slice %arg7[%dma_start3A_467, %dma_start3A_468, %dma_start3A_469] : memref<4x128x128xf32, #tpu.memory_space<vmem>> -> memref<1x128x128xf32, #tpu.memory_space<vmem>>
    %dma_start3A_471 = tpu.memref_squeeze %dma_start3A_470 : memref<1x128x128xf32, #tpu.memory_space<vmem>> -> memref<128x128xf32, #tpu.memory_space<vmem>>
    %dma_start3A_472 = arith.constant 0 : i32
    %dma_start3A_473 = tpu.memref_slice %arg4[%add3A_466, %dma_start3A_472] : memref<425984x128xf32, #tpu.memory_space<hbm>> -> memref<128x128xf32, #tpu.memory_space<hbm>>
    %dma_start3A_474 = arith.constant 0 : i32
    %dma_start3A_475 = tpu.memref_slice %arg4[%add3A_466, %dma_start3A_474] : memref<425984x128xf32, #tpu.memory_space<hbm>> -> memref<128x128xf32, #tpu.memory_space<hbm>>
    %dma_start3A_476 = arith.constant 0 : i32
    %dma_start3A_477 = arith.constant 0 : i32
    %dma_start3A_478 = tpu.memref_slice %arg7[%dma_start3A_467, %dma_start3A_476, %dma_start3A_477] : memref<4x128x128xf32, #tpu.memory_space<vmem>> -> memref<1x128x128xf32, #tpu.memory_space<vmem>>
    %dma_start3A_479 = tpu.memref_squeeze %dma_start3A_478 : memref<1x128x128xf32, #tpu.memory_space<vmem>> -> memref<128x128xf32, #tpu.memory_space<vmem>>
    tpu.enqueue_dma source(%dma_start3A_479 : memref<128x128xf32, #tpu.memory_space<vmem>>) target(%dma_start3A_475 : memref<128x128xf32, #tpu.memory_space<hbm>>) target_semaphore(%arg12 : memref<!tpu.dma_semaphore, #tpu.memory_space<semaphore_mem>>)
    %add3A_480 = arith.constant 256 : i32
    %add3A_481 = arith.addi %mul3A_2, %add3A_480 : i32
    %add3A_482 = vector.broadcast %add3A_481 : i32 to vector<16xi32>
    %add3A_483 = arith.addi %add3A_482, %iota3A : vector<16xi32>
    %rem3A_484 = arith.constant 26 : i32
    %rem3A_485 = vector.broadcast %rem3A_484 : i32 to vector<16xi32>
    %rem3A_486 = arith.remsi %add3A_483, %rem3A_485 : vector<16xi32>
    %and3A_487 = arith.constant 255 : i32
    %and3A_488 = vector.broadcast %and3A_487 : i32 to vector<16xi32>
    %and3A_489 = arith.andi %add3A_483, %and3A_488 : vector<16xi32>
    %mul3A_490 = arith.constant 52 : i32
    %mul3A_491 = vector.broadcast %mul3A_490 : i32 to vector<16xi32>
    %mul3A_492 = arith.muli %and3A_489, %mul3A_491 : vector<16xi32>
    %get3A_493 = arith.constant 256 : index
    %get3A_494 = tpu.vector_load %arg5[%get3A_493] {strides = array<i32>} : memref<13312xi32, #tpu.memory_space<vmem>>, vector<16xi32>,
    %get3A_495 = vector.shape_cast %get3A_494 : vector<16xi32> to vector<16xi32>
    %mul3A_496 = arith.constant 2 : i32
    %mul3A_497 = vector.broadcast %mul3A_496 : i32 to vector<16xi32>
    %mul3A_498 = arith.muli %mul3A_497, %rem3A_486 : vector<16xi32>
    %add3A_499 = arith.addi %get3A_495, %mul3A_498 : vector<16xi32>
    %add3A_500 = arith.addi %add3A_499, %mul3A_492 : vector<16xi32>
    %swap3A_501 = arith.constant 2 : i32
    %swap3A_502 = arith.index_cast %swap3A_501 : i32 to index
    %swap3A_503 = arith.constant 0 : index
    %swap3A_504 = tpu.vector_load %arg6[%swap3A_502, %swap3A_503] {strides = array<i32>} : memref<4x128xi32, #tpu.memory_space<vmem>>, vector<1x16xi32>,
    %swap3A_505 = vector.shape_cast %swap3A_504 : vector<1x16xi32> to vector<16xi32>
    %swap3A_506 = vector.shape_cast %add3A_500 : vector<16xi32> to vector<1x16xi32>
    tpu.vector_store %arg6[%swap3A_502, %swap3A_503], %swap3A_506 {strides = array<i32>} : memref<4x128xi32, #tpu.memory_space<vmem>>, vector<1x16xi32>,
    %add3A_507 = arith.constant 272 : i32
    %add3A_508 = arith.addi %mul3A_2, %add3A_507 : i32
    %add3A_509 = vector.broadcast %add3A_508 : i32 to vector<16xi32>
    %add3A_510 = arith.addi %add3A_509, %iota3A : vector<16xi32>
    %rem3A_511 = arith.constant 26 : i32
    %rem3A_512 = vector.broadcast %rem3A_511 : i32 to vector<16xi32>
    %rem3A_513 = arith.remsi %add3A_510, %rem3A_512 : vector<16xi32>
    %and3A_514 = arith.constant 255 : i32
    %and3A_515 = vector.broadcast %and3A_514 : i32 to vector<16xi32>
    %and3A_516 = arith.andi %add3A_510, %and3A_515 : vector<16xi32>
    %mul3A_517 = arith.constant 52 : i32
    %mul3A_518 = vector.broadcast %mul3A_517 : i32 to vector<16xi32>
    %mul3A_519 = arith.muli %and3A_516, %mul3A_518 : vector<16xi32>
    %get3A_520 = arith.constant 272 : index
    %get3A_521 = tpu.vector_load %arg5[%get3A_520] {strides = array<i32>} : memref<13312xi32, #tpu.memory_space<vmem>>, vector<16xi32>,
    %get3A_522 = vector.shape_cast %get3A_521 : vector<16xi32> to vector<16xi32>
    %mul3A_523 = arith.constant 2 : i32
    %mul3A_524 = vector.broadcast %mul3A_523 : i32 to vector<16xi32>
    %mul3A_525 = arith.muli %mul3A_524, %rem3A_513 : vector<16xi32>
    %add3A_526 = arith.addi %get3A_522, %mul3A_525 : vector<16xi32>
    %add3A_527 = arith.addi %add3A_526, %mul3A_519 : vector<16xi32>
    %swap3A_528 = arith.constant 2 : i32
    %swap3A_529 = arith.index_cast %swap3A_528 : i32 to index
    %swap3A_530 = arith.constant 16 : index
    %swap3A_531 = tpu.vector_load %arg6[%swap3A_529, %swap3A_530] {strides = array<i32>} : memref<4x128xi32, #tpu.memory_space<vmem>>, vector<1x16xi32>,
    %swap3A_532 = vector.shape_cast %swap3A_531 : vector<1x16xi32> to vector<16xi32>
    %swap3A_533 = vector.shape_cast %add3A_527 : vector<16xi32> to vector<1x16xi32>
    tpu.vector_store %arg6[%swap3A_529, %swap3A_530], %swap3A_533 {strides = array<i32>} : memref<4x128xi32, #tpu.memory_space<vmem>>, vector<1x16xi32>,
    %add3A_534 = arith.constant 288 : i32
    %add3A_535 = arith.addi %mul3A_2, %add3A_534 : i32
    %add3A_536 = vector.broadcast %add3A_535 : i32 to vector<16xi32>
    %add3A_537 = arith.addi %add3A_536, %iota3A : vector<16xi32>
    %rem3A_538 = arith.constant 26 : i32
    %rem3A_539 = vector.broadcast %rem3A_538 : i32 to vector<16xi32>
    %rem3A_540 = arith.remsi %add3A_537, %rem3A_539 : vector<16xi32>
    %and3A_541 = arith.constant 255 : i32
    %and3A_542 = vector.broadcast %and3A_541 : i32 to vector<16xi32>
    %and3A_543 = arith.andi %add3A_537, %and3A_542 : vector<16xi32>
    %mul3A_544 = arith.constant 52 : i32
    %mul3A_545 = vector.broadcast %mul3A_544 : i32 to vector<16xi32>
    %mul3A_546 = arith.muli %and3A_543, %mul3A_545 : vector<16xi32>
    %get3A_547 = arith.constant 288 : index
    %get3A_548 = tpu.vector_load %arg5[%get3A_547] {strides = array<i32>} : memref<13312xi32, #tpu.memory_space<vmem>>, vector<16xi32>,
    %get3A_549 = vector.shape_cast %get3A_548 : vector<16xi32> to vector<16xi32>
    %mul3A_550 = arith.constant 2 : i32
    %mul3A_551 = vector.broadcast %mul3A_550 : i32 to vector<16xi32>
    %mul3A_552 = arith.muli %mul3A_551, %rem3A_540 : vector<16xi32>
    %add3A_553 = arith.addi %get3A_549, %mul3A_552 : vector<16xi32>
    %add3A_554 = arith.addi %add3A_553, %mul3A_546 : vector<16xi32>
    %swap3A_555 = arith.constant 2 : i32
    %swap3A_556 = arith.index_cast %swap3A_555 : i32 to index
    %swap3A_557 = arith.constant 32 : index
    %swap3A_558 = tpu.vector_load %arg6[%swap3A_556, %swap3A_557] {strides = array<i32>} : memref<4x128xi32, #tpu.memory_space<vmem>>, vector<1x16xi32>,
    %swap3A_559 = vector.shape_cast %swap3A_558 : vector<1x16xi32> to vector<16xi32>
    %swap3A_560 = vector.shape_cast %add3A_554 : vector<16xi32> to vector<1x16xi32>
    tpu.vector_store %arg6[%swap3A_556, %swap3A_557], %swap3A_560 {strides = array<i32>} : memref<4x128xi32, #tpu.memory_space<vmem>>, vector<1x16xi32>,
    %add3A_561 = arith.constant 304 : i32
    %add3A_562 = arith.addi %mul3A_2, %add3A_561 : i32
    %add3A_563 = vector.broadcast %add3A_562 : i32 to vector<16xi32>
    %add3A_564 = arith.addi %add3A_563, %iota3A : vector<16xi32>
    %rem3A_565 = arith.constant 26 : i32
    %rem3A_566 = vector.broadcast %rem3A_565 : i32 to vector<16xi32>
    %rem3A_567 = arith.remsi %add3A_564, %rem3A_566 : vector<16xi32>
    %and3A_568 = arith.constant 255 : i32
    %and3A_569 = vector.broadcast %and3A_568 : i32 to vector<16xi32>
    %and3A_570 = arith.andi %add3A_564, %and3A_569 : vector<16xi32>
    %mul3A_571 = arith.constant 52 : i32
    %mul3A_572 = vector.broadcast %mul3A_571 : i32 to vector<16xi32>
    %mul3A_573 = arith.muli %and3A_570, %mul3A_572 : vector<16xi32>
    %get3A_574 = arith.constant 304 : index
    %get3A_575 = tpu.vector_load %arg5[%get3A_574] {strides = array<i32>} : memref<13312xi32, #tpu.memory_space<vmem>>, vector<16xi32>,
    %get3A_576 = vector.shape_cast %get3A_575 : vector<16xi32> to vector<16xi32>
    %mul3A_577 = arith.constant 2 : i32
    %mul3A_578 = vector.broadcast %mul3A_577 : i32 to vector<16xi32>
    %mul3A_579 = arith.muli %mul3A_578, %rem3A_567 : vector<16xi32>
    %add3A_580 = arith.addi %get3A_576, %mul3A_579 : vector<16xi32>
    %add3A_581 = arith.addi %add3A_580, %mul3A_573 : vector<16xi32>
    %swap3A_582 = arith.constant 2 : i32
    %swap3A_583 = arith.index_cast %swap3A_582 : i32 to index
    %swap3A_584 = arith.constant 48 : index
    %swap3A_585 = tpu.vector_load %arg6[%swap3A_583, %swap3A_584] {strides = array<i32>} : memref<4x128xi32, #tpu.memory_space<vmem>>, vector<1x16xi32>,
    %swap3A_586 = vector.shape_cast %swap3A_585 : vector<1x16xi32> to vector<16xi32>
    %swap3A_587 = vector.shape_cast %add3A_581 : vector<16xi32> to vector<1x16xi32>
    tpu.vector_store %arg6[%swap3A_583, %swap3A_584], %swap3A_587 {strides = array<i32>} : memref<4x128xi32, #tpu.memory_space<vmem>>, vector<1x16xi32>,
    %add3A_588 = arith.constant 320 : i32
    %add3A_589 = arith.addi %mul3A_2, %add3A_588 : i32
    %add3A_590 = vector.broadcast %add3A_589 : i32 to vector<16xi32>
    %add3A_591 = arith.addi %add3A_590, %iota3A : vector<16xi32>
    %rem3A_592 = arith.constant 26 : i32
    %rem3A_593 = vector.broadcast %rem3A_592 : i32 to vector<16xi32>
    %rem3A_594 = arith.remsi %add3A_591, %rem3A_593 : vector<16xi32>
    %and3A_595 = arith.constant 255 : i32
    %and3A_596 = vector.broadcast %and3A_595 : i32 to vector<16xi32>
    %and3A_597 = arith.andi %add3A_591, %and3A_596 : vector<16xi32>
    %mul3A_598 = arith.constant 52 : i32
    %mul3A_599 = vector.broadcast %mul3A_598 : i32 to vector<16xi32>
    %mul3A_600 = arith.muli %and3A_597, %mul3A_599 : vector<16xi32>
    %get3A_601 = arith.constant 320 : index
    %get3A_602 = tpu.vector_load %arg5[%get3A_601] {strides = array<i32>} : memref<13312xi32, #tpu.memory_space<vmem>>, vector<16xi32>,
    %get3A_603 = vector.shape_cast %get3A_602 : vector<16xi32> to vector<16xi32>
    %mul3A_604 = arith.constant 2 : i32
    %mul3A_605 = vector.broadcast %mul3A_604 : i32 to vector<16xi32>
    %mul3A_606 = arith.muli %mul3A_605, %rem3A_594 : vector<16xi32>
    %add3A_607 = arith.addi %get3A_603, %mul3A_606 : vector<16xi32>
    %add3A_608 = arith.addi %add3A_607, %mul3A_600 : vector<16xi32>
    %swap3A_609 = arith.constant 2 : i32
    %swap3A_610 = arith.index_cast %swap3A_609 : i32 to index
    %swap3A_611 = arith.constant 64 : index
    %swap3A_612 = tpu.vector_load %arg6[%swap3A_610, %swap3A_611] {strides = array<i32>} : memref<4x128xi32, #tpu.memory_space<vmem>>, vector<1x16xi32>,
    %swap3A_613 = vector.shape_cast %swap3A_612 : vector<1x16xi32> to vector<16xi32>
    %swap3A_614 = vector.shape_cast %add3A_608 : vector<16xi32> to vector<1x16xi32>
    tpu.vector_store %arg6[%swap3A_610, %swap3A_611], %swap3A_614 {strides = array<i32>} : memref<4x128xi32, #tpu.memory_space<vmem>>, vector<1x16xi32>,
    %add3A_615 = arith.constant 336 : i32
    %add3A_616 = arith.addi %mul3A_2, %add3A_615 : i32
    %add3A_617 = vector.broadcast %add3A_616 : i32 to vector<16xi32>
    %add3A_618 = arith.addi %add3A_617, %iota3A : vector<16xi32>
    %rem3A_619 = arith.constant 26 : i32
    %rem3A_620 = vector.broadcast %rem3A_619 : i32 to vector<16xi32>
    %rem3A_621 = arith.remsi %add3A_618, %rem3A_620 : vector<16xi32>
    %and3A_622 = arith.constant 255 : i32
    %and3A_623 = vector.broadcast %and3A_622 : i32 to vector<16xi32>
    %and3A_624 = arith.andi %add3A_618, %and3A_623 : vector<16xi32>
    %mul3A_625 = arith.constant 52 : i32
    %mul3A_626 = vector.broadcast %mul3A_625 : i32 to vector<16xi32>
    %mul3A_627 = arith.muli %and3A_624, %mul3A_626 : vector<16xi32>
    %get3A_628 = arith.constant 336 : index
    %get3A_629 = tpu.vector_load %arg5[%get3A_628] {strides = array<i32>} : memref<13312xi32, #tpu.memory_space<vmem>>, vector<16xi32>,
    %get3A_630 = vector.shape_cast %get3A_629 : vector<16xi32> to vector<16xi32>
    %mul3A_631 = arith.constant 2 : i32
    %mul3A_632 = vector.broadcast %mul3A_631 : i32 to vector<16xi32>
    %mul3A_633 = arith.muli %mul3A_632, %rem3A_621 : vector<16xi32>
    %add3A_634 = arith.addi %get3A_630, %mul3A_633 : vector<16xi32>
    %add3A_635 = arith.addi %add3A_634, %mul3A_627 : vector<16xi32>
    %swap3A_636 = arith.constant 2 : i32
    %swap3A_637 = arith.index_cast %swap3A_636 : i32 to index
    %swap3A_638 = arith.constant 80 : index
    %swap3A_639 = tpu.vector_load %arg6[%swap3A_637, %swap3A_638] {strides = array<i32>} : memref<4x128xi32, #tpu.memory_space<vmem>>, vector<1x16xi32>,
    %swap3A_640 = vector.shape_cast %swap3A_639 : vector<1x16xi32> to vector<16xi32>
    %swap3A_641 = vector.shape_cast %add3A_635 : vector<16xi32> to vector<1x16xi32>
    tpu.vector_store %arg6[%swap3A_637, %swap3A_638], %swap3A_641 {strides = array<i32>} : memref<4x128xi32, #tpu.memory_space<vmem>>, vector<1x16xi32>,
    %add3A_642 = arith.constant 352 : i32
    %add3A_643 = arith.addi %mul3A_2, %add3A_642 : i32
    %add3A_644 = vector.broadcast %add3A_643 : i32 to vector<16xi32>
    %add3A_645 = arith.addi %add3A_644, %iota3A : vector<16xi32>
    %rem3A_646 = arith.constant 26 : i32
    %rem3A_647 = vector.broadcast %rem3A_646 : i32 to vector<16xi32>
    %rem3A_648 = arith.remsi %add3A_645, %rem3A_647 : vector<16xi32>
    %and3A_649 = arith.constant 255 : i32
    %and3A_650 = vector.broadcast %and3A_649 : i32 to vector<16xi32>
    %and3A_651 = arith.andi %add3A_645, %and3A_650 : vector<16xi32>
    %mul3A_652 = arith.constant 52 : i32
    %mul3A_653 = vector.broadcast %mul3A_652 : i32 to vector<16xi32>
    %mul3A_654 = arith.muli %and3A_651, %mul3A_653 : vector<16xi32>
    %get3A_655 = arith.constant 352 : index
    %get3A_656 = tpu.vector_load %arg5[%get3A_655] {strides = array<i32>} : memref<13312xi32, #tpu.memory_space<vmem>>, vector<16xi32>,
    %get3A_657 = vector.shape_cast %get3A_656 : vector<16xi32> to vector<16xi32>
    %mul3A_658 = arith.constant 2 : i32
    %mul3A_659 = vector.broadcast %mul3A_658 : i32 to vector<16xi32>
    %mul3A_660 = arith.muli %mul3A_659, %rem3A_648 : vector<16xi32>
    %add3A_661 = arith.addi %get3A_657, %mul3A_660 : vector<16xi32>
    %add3A_662 = arith.addi %add3A_661, %mul3A_654 : vector<16xi32>
    %swap3A_663 = arith.constant 2 : i32
    %swap3A_664 = arith.index_cast %swap3A_663 : i32 to index
    %swap3A_665 = arith.constant 96 : index
    %swap3A_666 = tpu.vector_load %arg6[%swap3A_664, %swap3A_665] {strides = array<i32>} : memref<4x128xi32, #tpu.memory_space<vmem>>, vector<1x16xi32>,
    %swap3A_667 = vector.shape_cast %swap3A_666 : vector<1x16xi32> to vector<16xi32>
    %swap3A_668 = vector.shape_cast %add3A_662 : vector<16xi32> to vector<1x16xi32>
    tpu.vector_store %arg6[%swap3A_664, %swap3A_665], %swap3A_668 {strides = array<i32>} : memref<4x128xi32, #tpu.memory_space<vmem>>, vector<1x16xi32>,
    %add3A_669 = arith.constant 368 : i32
    %add3A_670 = arith.addi %mul3A_2, %add3A_669 : i32
    %add3A_671 = vector.broadcast %add3A_670 : i32 to vector<16xi32>
    %add3A_672 = arith.addi %add3A_671, %iota3A : vector<16xi32>
    %rem3A_673 = arith.constant 26 : i32
    %rem3A_674 = vector.broadcast %rem3A_673 : i32 to vector<16xi32>
    %rem3A_675 = arith.remsi %add3A_672, %rem3A_674 : vector<16xi32>
    %and3A_676 = arith.constant 255 : i32
    %and3A_677 = vector.broadcast %and3A_676 : i32 to vector<16xi32>
    %and3A_678 = arith.andi %add3A_672, %and3A_677 : vector<16xi32>
    %mul3A_679 = arith.constant 52 : i32
    %mul3A_680 = vector.broadcast %mul3A_679 : i32 to vector<16xi32>
    %mul3A_681 = arith.muli %and3A_678, %mul3A_680 : vector<16xi32>
    %get3A_682 = arith.constant 368 : index
    %get3A_683 = tpu.vector_load %arg5[%get3A_682] {strides = array<i32>} : memref<13312xi32, #tpu.memory_space<vmem>>, vector<16xi32>,
    %get3A_684 = vector.shape_cast %get3A_683 : vector<16xi32> to vector<16xi32>
    %mul3A_685 = arith.constant 2 : i32
    %mul3A_686 = vector.broadcast %mul3A_685 : i32 to vector<16xi32>
    %mul3A_687 = arith.muli %mul3A_686, %rem3A_675 : vector<16xi32>
    %add3A_688 = arith.addi %get3A_684, %mul3A_687 : vector<16xi32>
    %add3A_689 = arith.addi %add3A_688, %mul3A_681 : vector<16xi32>
    %swap3A_690 = arith.constant 2 : i32
    %swap3A_691 = arith.index_cast %swap3A_690 : i32 to index
    %swap3A_692 = arith.constant 112 : index
    %swap3A_693 = tpu.vector_load %arg6[%swap3A_691, %swap3A_692] {strides = array<i32>} : memref<4x128xi32, #tpu.memory_space<vmem>>, vector<1x16xi32>,
    %swap3A_694 = vector.shape_cast %swap3A_693 : vector<1x16xi32> to vector<16xi32>
    %swap3A_695 = vector.shape_cast %add3A_689 : vector<16xi32> to vector<1x16xi32>
    tpu.vector_store %arg6[%swap3A_691, %swap3A_692], %swap3A_695 {strides = array<i32>} : memref<4x128xi32, #tpu.memory_space<vmem>>, vector<1x16xi32>,
    %dma_start3A_696 = arith.constant 2 : i32
    %dma_start3A_697 = arith.constant 2 : i32
    %dma_start3A_698 = arith.constant 0 : i32
    %dma_start3A_699 = arith.constant 0 : i32
    %dma_start3A_700 = tpu.memref_slice %arg7[%dma_start3A_697, %dma_start3A_698, %dma_start3A_699] : memref<4x128x128xf32, #tpu.memory_space<vmem>> -> memref<1x128x128xf32, #tpu.memory_space<vmem>>
    %dma_start3A_701 = tpu.memref_squeeze %dma_start3A_700 : memref<1x128x128xf32, #tpu.memory_space<vmem>> -> memref<128x128xf32, #tpu.memory_space<vmem>>
    %dma_start3A_702 = arith.constant 0 : i32
    %dma_start3A_703 = tpu.memref_slice %arg6[%dma_start3A_696, %dma_start3A_702] : memref<4x128xi32, #tpu.memory_space<vmem>> -> memref<1x128xi32, #tpu.memory_space<vmem>>
    %dma_start3A_704 = tpu.memref_squeeze %dma_start3A_703 : memref<1x128xi32, #tpu.memory_space<vmem>> -> memref<128xi32, #tpu.memory_space<vmem>>
    %dma_start3A_705 = arith.constant 0 : i32
    %dma_start3A_706 = arith.constant 0 : i32
    %dma_start3A_707 = tpu.memref_slice %arg3[%dma_start3A_705, %dma_start3A_706] : memref<13312x128xf32, #tpu.memory_space<hbm>> -> memref<13312x128xf32, #tpu.memory_space<hbm>>
    tpu.enqueue_indirect_dma source(%dma_start3A_707 : memref<13312x128xf32, #tpu.memory_space<hbm>>) target(%dma_start3A_701 : memref<128x128xf32, #tpu.memory_space<vmem>>) offsets(%dma_start3A_704 : memref<128xi32, #tpu.memory_space<vmem>>) semaphore(%arg10 : memref<!tpu.dma_semaphore, #tpu.memory_space<semaphore_mem>>)
    %dma_wait3A_708 = arith.constant 1 : i32
    %dma_wait3A_709 = arith.constant 1 : i32
    %dma_wait3A_710 = arith.constant 0 : i32
    %dma_wait3A_711 = arith.constant 0 : i32
    %dma_wait3A_712 = tpu.memref_slice %arg7[%dma_wait3A_709, %dma_wait3A_710, %dma_wait3A_711] : memref<4x128x128xf32, #tpu.memory_space<vmem>> -> memref<1x128x128xf32, #tpu.memory_space<vmem>>
    %dma_wait3A_713 = tpu.memref_squeeze %dma_wait3A_712 : memref<1x128x128xf32, #tpu.memory_space<vmem>> -> memref<128x128xf32, #tpu.memory_space<vmem>>
    %dma_wait3A_714 = arith.constant 0 : i32
    %dma_wait3A_715 = tpu.memref_slice %arg6[%dma_wait3A_708, %dma_wait3A_714] : memref<4x128xi32, #tpu.memory_space<vmem>> -> memref<1x128xi32, #tpu.memory_space<vmem>>
    %dma_wait3A_716 = tpu.memref_squeeze %dma_wait3A_715 : memref<1x128xi32, #tpu.memory_space<vmem>> -> memref<128xi32, #tpu.memory_space<vmem>>
    %dma_wait3A_717 = arith.constant 0 : i32
    %dma_wait3A_718 = arith.constant 0 : i32
    %dma_wait3A_719 = tpu.memref_slice %arg3[%dma_wait3A_717, %dma_wait3A_718] : memref<13312x128xf32, #tpu.memory_space<hbm>> -> memref<13312x128xf32, #tpu.memory_space<hbm>>
    tpu.wait_indirect_dma semaphore(%arg9 : memref<!tpu.dma_semaphore, #tpu.memory_space<semaphore_mem>>) src(%dma_wait3A_719 : memref<13312x128xf32, #tpu.memory_space<hbm>>) dst(%dma_wait3A_713 : memref<128x128xf32, #tpu.memory_space<vmem>>)
    %add3A_720 = arith.constant 128 : i32
    %add3A_721 = arith.addi %mul3A_2, %add3A_720 : i32
    %dma_start3A_722 = arith.constant 1 : i32
    %dma_start3A_723 = arith.constant 0 : i32
    %dma_start3A_724 = arith.constant 0 : i32
    %dma_start3A_725 = tpu.memref_slice %arg7[%dma_start3A_722, %dma_start3A_723, %dma_start3A_724] : memref<4x128x128xf32, #tpu.memory_space<vmem>> -> memref<1x128x128xf32, #tpu.memory_space<vmem>>
    %dma_start3A_726 = tpu.memref_squeeze %dma_start3A_725 : memref<1x128x128xf32, #tpu.memory_space<vmem>> -> memref<128x128xf32, #tpu.memory_space<vmem>>
    %dma_start3A_727 = arith.constant 0 : i32
    %dma_start3A_728 = tpu.memref_slice %arg4[%add3A_721, %dma_start3A_727] : memref<425984x128xf32, #tpu.memory_space<hbm>> -> memref<128x128xf32, #tpu.memory_space<hbm>>
    %dma_start3A_729 = arith.constant 0 : i32
    %dma_start3A_730 = tpu.memref_slice %arg4[%add3A_721, %dma_start3A_729] : memref<425984x128xf32, #tpu.memory_space<hbm>> -> memref<128x128xf32, #tpu.memory_space<hbm>>
    %dma_start3A_731 = arith.constant 0 : i32
    %dma_start3A_732 = arith.constant 0 : i32
    %dma_start3A_733 = tpu.memref_slice %arg7[%dma_start3A_722, %dma_start3A_731, %dma_start3A_732] : memref<4x128x128xf32, #tpu.memory_space<vmem>> -> memref<1x128x128xf32, #tpu.memory_space<vmem>>
    %dma_start3A_734 = tpu.memref_squeeze %dma_start3A_733 : memref<1x128x128xf32, #tpu.memory_space<vmem>> -> memref<128x128xf32, #tpu.memory_space<vmem>>
    tpu.enqueue_dma source(%dma_start3A_734 : memref<128x128xf32, #tpu.memory_space<vmem>>) target(%dma_start3A_730 : memref<128x128xf32, #tpu.memory_space<hbm>>) target_semaphore(%arg13 : memref<!tpu.dma_semaphore, #tpu.memory_space<semaphore_mem>>)
    %add3A_735 = arith.constant 384 : i32
    %add3A_736 = arith.addi %mul3A_2, %add3A_735 : i32
    %add3A_737 = vector.broadcast %add3A_736 : i32 to vector<16xi32>
    %add3A_738 = arith.addi %add3A_737, %iota3A : vector<16xi32>
    %rem3A_739 = arith.constant 26 : i32
    %rem3A_740 = vector.broadcast %rem3A_739 : i32 to vector<16xi32>
    %rem3A_741 = arith.remsi %add3A_738, %rem3A_740 : vector<16xi32>
    %and3A_742 = arith.constant 255 : i32
    %and3A_743 = vector.broadcast %and3A_742 : i32 to vector<16xi32>
    %and3A_744 = arith.andi %add3A_738, %and3A_743 : vector<16xi32>
    %mul3A_745 = arith.constant 52 : i32
    %mul3A_746 = vector.broadcast %mul3A_745 : i32 to vector<16xi32>
    %mul3A_747 = arith.muli %and3A_744, %mul3A_746 : vector<16xi32>
    %get3A_748 = arith.constant 384 : index
    %get3A_749 = tpu.vector_load %arg5[%get3A_748] {strides = array<i32>} : memref<13312xi32, #tpu.memory_space<vmem>>, vector<16xi32>,
    %get3A_750 = vector.shape_cast %get3A_749 : vector<16xi32> to vector<16xi32>
    %mul3A_751 = arith.constant 2 : i32
    %mul3A_752 = vector.broadcast %mul3A_751 : i32 to vector<16xi32>
    %mul3A_753 = arith.muli %mul3A_752, %rem3A_741 : vector<16xi32>
    %add3A_754 = arith.addi %get3A_750, %mul3A_753 : vector<16xi32>
    %add3A_755 = arith.addi %add3A_754, %mul3A_747 : vector<16xi32>
    %swap3A_756 = arith.constant 3 : i32
    %swap3A_757 = arith.index_cast %swap3A_756 : i32 to index
    %swap3A_758 = arith.constant 0 : index
    %swap3A_759 = tpu.vector_load %arg6[%swap3A_757, %swap3A_758] {strides = array<i32>} : memref<4x128xi32, #tpu.memory_space<vmem>>, vector<1x16xi32>,
    %swap3A_760 = vector.shape_cast %swap3A_759 : vector<1x16xi32> to vector<16xi32>
    %swap3A_761 = vector.shape_cast %add3A_755 : vector<16xi32> to vector<1x16xi32>
    tpu.vector_store %arg6[%swap3A_757, %swap3A_758], %swap3A_761 {strides = array<i32>} : memref<4x128xi32, #tpu.memory_space<vmem>>, vector<1x16xi32>,
    %add3A_762 = arith.constant 400 : i32
    %add3A_763 = arith.addi %mul3A_2, %add3A_762 : i32
    %add3A_764 = vector.broadcast %add3A_763 : i32 to vector<16xi32>
    %add3A_765 = arith.addi %add3A_764, %iota3A : vector<16xi32>
    %rem3A_766 = arith.constant 26 : i32
    %rem3A_767 = vector.broadcast %rem3A_766 : i32 to vector<16xi32>
    %rem3A_768 = arith.remsi %add3A_765, %rem3A_767 : vector<16xi32>
    %and3A_769 = arith.constant 255 : i32
    %and3A_770 = vector.broadcast %and3A_769 : i32 to vector<16xi32>
    %and3A_771 = arith.andi %add3A_765, %and3A_770 : vector<16xi32>
    %mul3A_772 = arith.constant 52 : i32
    %mul3A_773 = vector.broadcast %mul3A_772 : i32 to vector<16xi32>
    %mul3A_774 = arith.muli %and3A_771, %mul3A_773 : vector<16xi32>
    %get3A_775 = arith.constant 400 : index
    %get3A_776 = tpu.vector_load %arg5[%get3A_775] {strides = array<i32>} : memref<13312xi32, #tpu.memory_space<vmem>>, vector<16xi32>,
    %get3A_777 = vector.shape_cast %get3A_776 : vector<16xi32> to vector<16xi32>
    %mul3A_778 = arith.constant 2 : i32
    %mul3A_779 = vector.broadcast %mul3A_778 : i32 to vector<16xi32>
    %mul3A_780 = arith.muli %mul3A_779, %rem3A_768 : vector<16xi32>
    %add3A_781 = arith.addi %get3A_777, %mul3A_780 : vector<16xi32>
    %add3A_782 = arith.addi %add3A_781, %mul3A_774 : vector<16xi32>
    %swap3A_783 = arith.constant 3 : i32
    %swap3A_784 = arith.index_cast %swap3A_783 : i32 to index
    %swap3A_785 = arith.constant 16 : index
    %swap3A_786 = tpu.vector_load %arg6[%swap3A_784, %swap3A_785] {strides = array<i32>} : memref<4x128xi32, #tpu.memory_space<vmem>>, vector<1x16xi32>,
    %swap3A_787 = vector.shape_cast %swap3A_786 : vector<1x16xi32> to vector<16xi32>
    %swap3A_788 = vector.shape_cast %add3A_782 : vector<16xi32> to vector<1x16xi32>
    tpu.vector_store %arg6[%swap3A_784, %swap3A_785], %swap3A_788 {strides = array<i32>} : memref<4x128xi32, #tpu.memory_space<vmem>>, vector<1x16xi32>,
    %add3A_789 = arith.constant 416 : i32
    %add3A_790 = arith.addi %mul3A_2, %add3A_789 : i32
    %add3A_791 = vector.broadcast %add3A_790 : i32 to vector<16xi32>
    %add3A_792 = arith.addi %add3A_791, %iota3A : vector<16xi32>
    %rem3A_793 = arith.constant 26 : i32
    %rem3A_794 = vector.broadcast %rem3A_793 : i32 to vector<16xi32>
    %rem3A_795 = arith.remsi %add3A_792, %rem3A_794 : vector<16xi32>
    %and3A_796 = arith.constant 255 : i32
    %and3A_797 = vector.broadcast %and3A_796 : i32 to vector<16xi32>
    %and3A_798 = arith.andi %add3A_792, %and3A_797 : vector<16xi32>
    %mul3A_799 = arith.constant 52 : i32
    %mul3A_800 = vector.broadcast %mul3A_799 : i32 to vector<16xi32>
    %mul3A_801 = arith.muli %and3A_798, %mul3A_800 : vector<16xi32>
    %get3A_802 = arith.constant 416 : index
    %get3A_803 = tpu.vector_load %arg5[%get3A_802] {strides = array<i32>} : memref<13312xi32, #tpu.memory_space<vmem>>, vector<16xi32>,
    %get3A_804 = vector.shape_cast %get3A_803 : vector<16xi32> to vector<16xi32>
    %mul3A_805 = arith.constant 2 : i32
    %mul3A_806 = vector.broadcast %mul3A_805 : i32 to vector<16xi32>
    %mul3A_807 = arith.muli %mul3A_806, %rem3A_795 : vector<16xi32>
    %add3A_808 = arith.addi %get3A_804, %mul3A_807 : vector<16xi32>
    %add3A_809 = arith.addi %add3A_808, %mul3A_801 : vector<16xi32>
    %swap3A_810 = arith.constant 3 : i32
    %swap3A_811 = arith.index_cast %swap3A_810 : i32 to index
    %swap3A_812 = arith.constant 32 : index
    %swap3A_813 = tpu.vector_load %arg6[%swap3A_811, %swap3A_812] {strides = array<i32>} : memref<4x128xi32, #tpu.memory_space<vmem>>, vector<1x16xi32>,
    %swap3A_814 = vector.shape_cast %swap3A_813 : vector<1x16xi32> to vector<16xi32>
    %swap3A_815 = vector.shape_cast %add3A_809 : vector<16xi32> to vector<1x16xi32>
    tpu.vector_store %arg6[%swap3A_811, %swap3A_812], %swap3A_815 {strides = array<i32>} : memref<4x128xi32, #tpu.memory_space<vmem>>, vector<1x16xi32>,
    %add3A_816 = arith.constant 432 : i32
    %add3A_817 = arith.addi %mul3A_2, %add3A_816 : i32
    %add3A_818 = vector.broadcast %add3A_817 : i32 to vector<16xi32>
    %add3A_819 = arith.addi %add3A_818, %iota3A : vector<16xi32>
    %rem3A_820 = arith.constant 26 : i32
    %rem3A_821 = vector.broadcast %rem3A_820 : i32 to vector<16xi32>
    %rem3A_822 = arith.remsi %add3A_819, %rem3A_821 : vector<16xi32>
    %and3A_823 = arith.constant 255 : i32
    %and3A_824 = vector.broadcast %and3A_823 : i32 to vector<16xi32>
    %and3A_825 = arith.andi %add3A_819, %and3A_824 : vector<16xi32>
    %mul3A_826 = arith.constant 52 : i32
    %mul3A_827 = vector.broadcast %mul3A_826 : i32 to vector<16xi32>
    %mul3A_828 = arith.muli %and3A_825, %mul3A_827 : vector<16xi32>
    %get3A_829 = arith.constant 432 : index
    %get3A_830 = tpu.vector_load %arg5[%get3A_829] {strides = array<i32>} : memref<13312xi32, #tpu.memory_space<vmem>>, vector<16xi32>,
    %get3A_831 = vector.shape_cast %get3A_830 : vector<16xi32> to vector<16xi32>
    %mul3A_832 = arith.constant 2 : i32
    %mul3A_833 = vector.broadcast %mul3A_832 : i32 to vector<16xi32>
    %mul3A_834 = arith.muli %mul3A_833, %rem3A_822 : vector<16xi32>
    %add3A_835 = arith.addi %get3A_831, %mul3A_834 : vector<16xi32>
    %add3A_836 = arith.addi %add3A_835, %mul3A_828 : vector<16xi32>
    %swap3A_837 = arith.constant 3 : i32
    %swap3A_838 = arith.index_cast %swap3A_837 : i32 to index
    %swap3A_839 = arith.constant 48 : index
    %swap3A_840 = tpu.vector_load %arg6[%swap3A_838, %swap3A_839] {strides = array<i32>} : memref<4x128xi32, #tpu.memory_space<vmem>>, vector<1x16xi32>,
    %swap3A_841 = vector.shape_cast %swap3A_840 : vector<1x16xi32> to vector<16xi32>
    %swap3A_842 = vector.shape_cast %add3A_836 : vector<16xi32> to vector<1x16xi32>
    tpu.vector_store %arg6[%swap3A_838, %swap3A_839], %swap3A_842 {strides = array<i32>} : memref<4x128xi32, #tpu.memory_space<vmem>>, vector<1x16xi32>,
    %add3A_843 = arith.constant 448 : i32
    %add3A_844 = arith.addi %mul3A_2, %add3A_843 : i32
    %add3A_845 = vector.broadcast %add3A_844 : i32 to vector<16xi32>
    %add3A_846 = arith.addi %add3A_845, %iota3A : vector<16xi32>
    %rem3A_847 = arith.constant 26 : i32
    %rem3A_848 = vector.broadcast %rem3A_847 : i32 to vector<16xi32>
    %rem3A_849 = arith.remsi %add3A_846, %rem3A_848 : vector<16xi32>
    %and3A_850 = arith.constant 255 : i32
    %and3A_851 = vector.broadcast %and3A_850 : i32 to vector<16xi32>
    %and3A_852 = arith.andi %add3A_846, %and3A_851 : vector<16xi32>
    %mul3A_853 = arith.constant 52 : i32
    %mul3A_854 = vector.broadcast %mul3A_853 : i32 to vector<16xi32>
    %mul3A_855 = arith.muli %and3A_852, %mul3A_854 : vector<16xi32>
    %get3A_856 = arith.constant 448 : index
    %get3A_857 = tpu.vector_load %arg5[%get3A_856] {strides = array<i32>} : memref<13312xi32, #tpu.memory_space<vmem>>, vector<16xi32>,
    %get3A_858 = vector.shape_cast %get3A_857 : vector<16xi32> to vector<16xi32>
    %mul3A_859 = arith.constant 2 : i32
    %mul3A_860 = vector.broadcast %mul3A_859 : i32 to vector<16xi32>
    %mul3A_861 = arith.muli %mul3A_860, %rem3A_849 : vector<16xi32>
    %add3A_862 = arith.addi %get3A_858, %mul3A_861 : vector<16xi32>
    %add3A_863 = arith.addi %add3A_862, %mul3A_855 : vector<16xi32>
    %swap3A_864 = arith.constant 3 : i32
    %swap3A_865 = arith.index_cast %swap3A_864 : i32 to index
    %swap3A_866 = arith.constant 64 : index
    %swap3A_867 = tpu.vector_load %arg6[%swap3A_865, %swap3A_866] {strides = array<i32>} : memref<4x128xi32, #tpu.memory_space<vmem>>, vector<1x16xi32>,
    %swap3A_868 = vector.shape_cast %swap3A_867 : vector<1x16xi32> to vector<16xi32>
    %swap3A_869 = vector.shape_cast %add3A_863 : vector<16xi32> to vector<1x16xi32>
    tpu.vector_store %arg6[%swap3A_865, %swap3A_866], %swap3A_869 {strides = array<i32>} : memref<4x128xi32, #tpu.memory_space<vmem>>, vector<1x16xi32>,
    %add3A_870 = arith.constant 464 : i32
    %add3A_871 = arith.addi %mul3A_2, %add3A_870 : i32
    %add3A_872 = vector.broadcast %add3A_871 : i32 to vector<16xi32>
    %add3A_873 = arith.addi %add3A_872, %iota3A : vector<16xi32>
    %rem3A_874 = arith.constant 26 : i32
    %rem3A_875 = vector.broadcast %rem3A_874 : i32 to vector<16xi32>
    %rem3A_876 = arith.remsi %add3A_873, %rem3A_875 : vector<16xi32>
    %and3A_877 = arith.constant 255 : i32
    %and3A_878 = vector.broadcast %and3A_877 : i32 to vector<16xi32>
    %and3A_879 = arith.andi %add3A_873, %and3A_878 : vector<16xi32>
    %mul3A_880 = arith.constant 52 : i32
    %mul3A_881 = vector.broadcast %mul3A_880 : i32 to vector<16xi32>
    %mul3A_882 = arith.muli %and3A_879, %mul3A_881 : vector<16xi32>
    %get3A_883 = arith.constant 464 : index
    %get3A_884 = tpu.vector_load %arg5[%get3A_883] {strides = array<i32>} : memref<13312xi32, #tpu.memory_space<vmem>>, vector<16xi32>,
    %get3A_885 = vector.shape_cast %get3A_884 : vector<16xi32> to vector<16xi32>
    %mul3A_886 = arith.constant 2 : i32
    %mul3A_887 = vector.broadcast %mul3A_886 : i32 to vector<16xi32>
    %mul3A_888 = arith.muli %mul3A_887, %rem3A_876 : vector<16xi32>
    %add3A_889 = arith.addi %get3A_885, %mul3A_888 : vector<16xi32>
    %add3A_890 = arith.addi %add3A_889, %mul3A_882 : vector<16xi32>
    %swap3A_891 = arith.constant 3 : i32
    %swap3A_892 = arith.index_cast %swap3A_891 : i32 to index
    %swap3A_893 = arith.constant 80 : index
    %swap3A_894 = tpu.vector_load %arg6[%swap3A_892, %swap3A_893] {strides = array<i32>} : memref<4x128xi32, #tpu.memory_space<vmem>>, vector<1x16xi32>,
    %swap3A_895 = vector.shape_cast %swap3A_894 : vector<1x16xi32> to vector<16xi32>
    %swap3A_896 = vector.shape_cast %add3A_890 : vector<16xi32> to vector<1x16xi32>
    tpu.vector_store %arg6[%swap3A_892, %swap3A_893], %swap3A_896 {strides = array<i32>} : memref<4x128xi32, #tpu.memory_space<vmem>>, vector<1x16xi32>,
    %add3A_897 = arith.constant 480 : i32
    %add3A_898 = arith.addi %mul3A_2, %add3A_897 : i32
    %add3A_899 = vector.broadcast %add3A_898 : i32 to vector<16xi32>
    %add3A_900 = arith.addi %add3A_899, %iota3A : vector<16xi32>
    %rem3A_901 = arith.constant 26 : i32
    %rem3A_902 = vector.broadcast %rem3A_901 : i32 to vector<16xi32>
    %rem3A_903 = arith.remsi %add3A_900, %rem3A_902 : vector<16xi32>
    %and3A_904 = arith.constant 255 : i32
    %and3A_905 = vector.broadcast %and3A_904 : i32 to vector<16xi32>
    %and3A_906 = arith.andi %add3A_900, %and3A_905 : vector<16xi32>
    %mul3A_907 = arith.constant 52 : i32
    %mul3A_908 = vector.broadcast %mul3A_907 : i32 to vector<16xi32>
    %mul3A_909 = arith.muli %and3A_906, %mul3A_908 : vector<16xi32>
    %get3A_910 = arith.constant 480 : index
    %get3A_911 = tpu.vector_load %arg5[%get3A_910] {strides = array<i32>} : memref<13312xi32, #tpu.memory_space<vmem>>, vector<16xi32>,
    %get3A_912 = vector.shape_cast %get3A_911 : vector<16xi32> to vector<16xi32>
    %mul3A_913 = arith.constant 2 : i32
    %mul3A_914 = vector.broadcast %mul3A_913 : i32 to vector<16xi32>
    %mul3A_915 = arith.muli %mul3A_914, %rem3A_903 : vector<16xi32>
    %add3A_916 = arith.addi %get3A_912, %mul3A_915 : vector<16xi32>
    %add3A_917 = arith.addi %add3A_916, %mul3A_909 : vector<16xi32>
    %swap3A_918 = arith.constant 3 : i32
    %swap3A_919 = arith.index_cast %swap3A_918 : i32 to index
    %swap3A_920 = arith.constant 96 : index
    %swap3A_921 = tpu.vector_load %arg6[%swap3A_919, %swap3A_920] {strides = array<i32>} : memref<4x128xi32, #tpu.memory_space<vmem>>, vector<1x16xi32>,
    %swap3A_922 = vector.shape_cast %swap3A_921 : vector<1x16xi32> to vector<16xi32>
    %swap3A_923 = vector.shape_cast %add3A_917 : vector<16xi32> to vector<1x16xi32>
    tpu.vector_store %arg6[%swap3A_919, %swap3A_920], %swap3A_923 {strides = array<i32>} : memref<4x128xi32, #tpu.memory_space<vmem>>, vector<1x16xi32>,
    %add3A_924 = arith.constant 496 : i32
    %add3A_925 = arith.addi %mul3A_2, %add3A_924 : i32
    %add3A_926 = vector.broadcast %add3A_925 : i32 to vector<16xi32>
    %add3A_927 = arith.addi %add3A_926, %iota3A : vector<16xi32>
    %rem3A_928 = arith.constant 26 : i32
    %rem3A_929 = vector.broadcast %rem3A_928 : i32 to vector<16xi32>
    %rem3A_930 = arith.remsi %add3A_927, %rem3A_929 : vector<16xi32>
    %and3A_931 = arith.constant 255 : i32
    %and3A_932 = vector.broadcast %and3A_931 : i32 to vector<16xi32>
    %and3A_933 = arith.andi %add3A_927, %and3A_932 : vector<16xi32>
    %mul3A_934 = arith.constant 52 : i32
    %mul3A_935 = vector.broadcast %mul3A_934 : i32 to vector<16xi32>
    %mul3A_936 = arith.muli %and3A_933, %mul3A_935 : vector<16xi32>
    %get3A_937 = arith.constant 496 : index
    %get3A_938 = tpu.vector_load %arg5[%get3A_937] {strides = array<i32>} : memref<13312xi32, #tpu.memory_space<vmem>>, vector<16xi32>,
    %get3A_939 = vector.shape_cast %get3A_938 : vector<16xi32> to vector<16xi32>
    %mul3A_940 = arith.constant 2 : i32
    %mul3A_941 = vector.broadcast %mul3A_940 : i32 to vector<16xi32>
    %mul3A_942 = arith.muli %mul3A_941, %rem3A_930 : vector<16xi32>
    %add3A_943 = arith.addi %get3A_939, %mul3A_942 : vector<16xi32>
    %add3A_944 = arith.addi %add3A_943, %mul3A_936 : vector<16xi32>
    %swap3A_945 = arith.constant 3 : i32
    %swap3A_946 = arith.index_cast %swap3A_945 : i32 to index
    %swap3A_947 = arith.constant 112 : index
    %swap3A_948 = tpu.vector_load %arg6[%swap3A_946, %swap3A_947] {strides = array<i32>} : memref<4x128xi32, #tpu.memory_space<vmem>>, vector<1x16xi32>,
    %swap3A_949 = vector.shape_cast %swap3A_948 : vector<1x16xi32> to vector<16xi32>
    %swap3A_950 = vector.shape_cast %add3A_944 : vector<16xi32> to vector<1x16xi32>
    tpu.vector_store %arg6[%swap3A_946, %swap3A_947], %swap3A_950 {strides = array<i32>} : memref<4x128xi32, #tpu.memory_space<vmem>>, vector<1x16xi32>,
    %dma_start3A_951 = arith.constant 3 : i32
    %dma_start3A_952 = arith.constant 3 : i32
    %dma_start3A_953 = arith.constant 0 : i32
    %dma_start3A_954 = arith.constant 0 : i32
    %dma_start3A_955 = tpu.memref_slice %arg7[%dma_start3A_952, %dma_start3A_953, %dma_start3A_954] : memref<4x128x128xf32, #tpu.memory_space<vmem>> -> memref<1x128x128xf32, #tpu.memory_space<vmem>>
    %dma_start3A_956 = tpu.memref_squeeze %dma_start3A_955 : memref<1x128x128xf32, #tpu.memory_space<vmem>> -> memref<128x128xf32, #tpu.memory_space<vmem>>
    %dma_start3A_957 = arith.constant 0 : i32
    %dma_start3A_958 = tpu.memref_slice %arg6[%dma_start3A_951, %dma_start3A_957] : memref<4x128xi32, #tpu.memory_space<vmem>> -> memref<1x128xi32, #tpu.memory_space<vmem>>
    %dma_start3A_959 = tpu.memref_squeeze %dma_start3A_958 : memref<1x128xi32, #tpu.memory_space<vmem>> -> memref<128xi32, #tpu.memory_space<vmem>>
    %dma_start3A_960 = arith.constant 0 : i32
    %dma_start3A_961 = arith.constant 0 : i32
    %dma_start3A_962 = tpu.memref_slice %arg3[%dma_start3A_960, %dma_start3A_961] : memref<13312x128xf32, #tpu.memory_space<hbm>> -> memref<13312x128xf32, #tpu.memory_space<hbm>>
    tpu.enqueue_indirect_dma source(%dma_start3A_962 : memref<13312x128xf32, #tpu.memory_space<hbm>>) target(%dma_start3A_956 : memref<128x128xf32, #tpu.memory_space<vmem>>) offsets(%dma_start3A_959 : memref<128xi32, #tpu.memory_space<vmem>>) semaphore(%arg11 : memref<!tpu.dma_semaphore, #tpu.memory_space<semaphore_mem>>)
    %scan3A = arith.constant 0 : i32
    %scan3A_963 = arith.constant 0 : i32
    %scan3A_964 = arith.constant 25 : i32
    %scan3A_965 = arith.addi %scan3A_963, %scan3A_964 : i32
    %scan3A_966 = arith.constant 1 : i32
    scf.for %scan3A_1074 = %scan3A_963 to %scan3A_965 step %scan3A_966  : i32 {
      %mul3A_1075 = arith.constant 4 : i32
      %mul3A_1076 = arith.muli %scan3A_1074, %mul3A_1075 : i32
      %add3A_1077 = arith.constant 2 : i32
      %add3A_1078 = arith.addi %add3A_1077, %mul3A_1076 : i32
      %add3A_1079 = arith.constant 0 : i32
      %add3A_1080 = arith.addi %add3A_1078, %add3A_1079 : i32
      %dma_wait3A_1081 = arith.constant 2 : i32
      %dma_wait3A_1082 = arith.constant 2 : i32
      %dma_wait3A_1083 = arith.constant 0 : i32
      %dma_wait3A_1084 = arith.constant 0 : i32
      %dma_wait3A_1085 = tpu.memref_slice %arg7[%dma_wait3A_1082, %dma_wait3A_1083, %dma_wait3A_1084] : memref<4x128x128xf32, #tpu.memory_space<vmem>> -> memref<1x128x128xf32, #tpu.memory_space<vmem>>
      %dma_wait3A_1086 = tpu.memref_squeeze %dma_wait3A_1085 : memref<1x128x128xf32, #tpu.memory_space<vmem>> -> memref<128x128xf32, #tpu.memory_space<vmem>>
      %dma_wait3A_1087 = arith.constant 0 : i32
      %dma_wait3A_1088 = tpu.memref_slice %arg6[%dma_wait3A_1081, %dma_wait3A_1087] : memref<4x128xi32, #tpu.memory_space<vmem>> -> memref<1x128xi32, #tpu.memory_space<vmem>>
      %dma_wait3A_1089 = tpu.memref_squeeze %dma_wait3A_1088 : memref<1x128xi32, #tpu.memory_space<vmem>> -> memref<128xi32, #tpu.memory_space<vmem>>
      %dma_wait3A_1090 = arith.constant 0 : i32
      %dma_wait3A_1091 = arith.constant 0 : i32
      %dma_wait3A_1092 = tpu.memref_slice %arg3[%dma_wait3A_1090, %dma_wait3A_1091] : memref<13312x128xf32, #tpu.memory_space<hbm>> -> memref<13312x128xf32, #tpu.memory_space<hbm>>
      tpu.wait_indirect_dma semaphore(%arg10 : memref<!tpu.dma_semaphore, #tpu.memory_space<semaphore_mem>>) src(%dma_wait3A_1092 : memref<13312x128xf32, #tpu.memory_space<hbm>>) dst(%dma_wait3A_1086 : memref<128x128xf32, #tpu.memory_space<vmem>>)
      %mul3A_1093 = arith.constant 128 : i32
      %mul3A_1094 = arith.muli %add3A_1080, %mul3A_1093 : i32
      %add3A_1095 = arith.addi %mul3A_2, %mul3A_1094 : i32
      %dma_start3A_1096 = arith.constant 2 : i32
      %dma_start3A_1097 = arith.constant 0 : i32
      %dma_start3A_1098 = arith.constant 0 : i32
      %dma_start3A_1099 = tpu.memref_slice %arg7[%dma_start3A_1096, %dma_start3A_1097, %dma_start3A_1098] : memref<4x128x128xf32, #tpu.memory_space<vmem>> -> memref<1x128x128xf32, #tpu.memory_space<vmem>>
      %dma_start3A_1100 = tpu.memref_squeeze %dma_start3A_1099 : memref<1x128x128xf32, #tpu.memory_space<vmem>> -> memref<128x128xf32, #tpu.memory_space<vmem>>
      %dma_start3A_1101 = arith.constant 0 : i32
      %dma_start3A_1102 = tpu.memref_slice %arg4[%add3A_1095, %dma_start3A_1101] : memref<425984x128xf32, #tpu.memory_space<hbm>> -> memref<128x128xf32, #tpu.memory_space<hbm>>
      %dma_start3A_1103 = arith.constant 0 : i32
      %dma_start3A_1104 = tpu.memref_slice %arg4[%add3A_1095, %dma_start3A_1103] : memref<425984x128xf32, #tpu.memory_space<hbm>> -> memref<128x128xf32, #tpu.memory_space<hbm>>
      %dma_start3A_1105 = arith.constant 0 : i32
      %dma_start3A_1106 = arith.constant 0 : i32
      %dma_start3A_1107 = tpu.memref_slice %arg7[%dma_start3A_1096, %dma_start3A_1105, %dma_start3A_1106] : memref<4x128x128xf32, #tpu.memory_space<vmem>> -> memref<1x128x128xf32, #tpu.memory_space<vmem>>
      %dma_start3A_1108 = tpu.memref_squeeze %dma_start3A_1107 : memref<1x128x128xf32, #tpu.memory_space<vmem>> -> memref<128x128xf32, #tpu.memory_space<vmem>>
      tpu.enqueue_dma source(%dma_start3A_1108 : memref<128x128xf32, #tpu.memory_space<vmem>>) target(%dma_start3A_1104 : memref<128x128xf32, #tpu.memory_space<hbm>>) target_semaphore(%arg14 : memref<!tpu.dma_semaphore, #tpu.memory_space<semaphore_mem>>)
      %dma_wait3A_1109 = arith.constant 0 : i32
      %dma_wait3A_1110 = arith.constant 0 : i32
      %dma_wait3A_1111 = arith.constant 0 : i32
      %dma_wait3A_1112 = tpu.memref_slice %arg7[%dma_wait3A_1109, %dma_wait3A_1110, %dma_wait3A_1111] : memref<4x128x128xf32, #tpu.memory_space<vmem>> -> memref<1x128x128xf32, #tpu.memory_space<vmem>>
      %dma_wait3A_1113 = tpu.memref_squeeze %dma_wait3A_1112 : memref<1x128x128xf32, #tpu.memory_space<vmem>> -> memref<128x128xf32, #tpu.memory_space<vmem>>
      %dma_wait3A_1114 = arith.constant 0 : i32
      %dma_wait3A_1115 = tpu.memref_slice %arg4[%mul3A_2, %dma_wait3A_1114] : memref<425984x128xf32, #tpu.memory_space<hbm>> -> memref<128x128xf32, #tpu.memory_space<hbm>>
      %dma_wait3A_1116 = arith.constant 0 : i32
      %dma_wait3A_1117 = tpu.memref_slice %arg4[%mul3A_2, %dma_wait3A_1116] : memref<425984x128xf32, #tpu.memory_space<hbm>> -> memref<128x128xf32, #tpu.memory_space<hbm>>
      %dma_wait3A_1118 = arith.constant 0 : i32
      %dma_wait3A_1119 = arith.constant 0 : i32
      %dma_wait3A_1120 = tpu.memref_slice %arg7[%dma_wait3A_1109, %dma_wait3A_1118, %dma_wait3A_1119] : memref<4x128x128xf32, #tpu.memory_space<vmem>> -> memref<1x128x128xf32, #tpu.memory_space<vmem>>
      %dma_wait3A_1121 = tpu.memref_squeeze %dma_wait3A_1120 : memref<1x128x128xf32, #tpu.memory_space<vmem>> -> memref<128x128xf32, #tpu.memory_space<vmem>>
      tpu.wait_dma2 semaphore(%arg12 : memref<!tpu.dma_semaphore, #tpu.memory_space<semaphore_mem>>) src(%dma_wait3A_1121 : memref<128x128xf32, #tpu.memory_space<vmem>>) dst(%dma_wait3A_1117 : memref<128x128xf32, #tpu.memory_space<hbm>>)
      %add3A_1122 = arith.constant 2 : i32
      %add3A_1123 = arith.addi %add3A_1080, %add3A_1122 : i32
      %mul3A_1124 = arith.constant 128 : i32
      %mul3A_1125 = arith.muli %add3A_1123, %mul3A_1124 : i32
      %add3A_1126 = arith.constant 0 : i32
      %add3A_1127 = arith.addi %mul3A_1125, %add3A_1126 : i32
      %add3A_1128 = arith.addi %mul3A_2, %add3A_1127 : i32
      %add3A_1129 = vector.broadcast %add3A_1128 : i32 to vector<16xi32>
      %add3A_1130 = arith.addi %add3A_1129, %iota3A : vector<16xi32>
      %rem3A_1131 = arith.constant 26 : i32
      %rem3A_1132 = vector.broadcast %rem3A_1131 : i32 to vector<16xi32>
      %rem3A_1133 = arith.remsi %add3A_1130, %rem3A_1132 : vector<16xi32>
      %and3A_1134 = arith.constant 255 : i32
      %and3A_1135 = vector.broadcast %and3A_1134 : i32 to vector<16xi32>
      %and3A_1136 = arith.andi %add3A_1130, %and3A_1135 : vector<16xi32>
      %mul3A_1137 = arith.constant 52 : i32
      %mul3A_1138 = vector.broadcast %mul3A_1137 : i32 to vector<16xi32>
      %mul3A_1139 = arith.muli %and3A_1136, %mul3A_1138 : vector<16xi32>
      %get3A_1140 = arith.index_cast %add3A_1127 : i32 to index
      %get3A_1141 = tpu.vector_load %arg5[%get3A_1140] {strides = array<i32>} : memref<13312xi32, #tpu.memory_space<vmem>>, vector<16xi32>,
      %get3A_1142 = vector.shape_cast %get3A_1141 : vector<16xi32> to vector<16xi32>
      %mul3A_1143 = arith.constant 2 : i32
      %mul3A_1144 = vector.broadcast %mul3A_1143 : i32 to vector<16xi32>
      %mul3A_1145 = arith.muli %mul3A_1144, %rem3A_1133 : vector<16xi32>
      %add3A_1146 = arith.addi %get3A_1142, %mul3A_1145 : vector<16xi32>
      %add3A_1147 = arith.addi %add3A_1146, %mul3A_1139 : vector<16xi32>
      %swap3A_1148 = arith.constant 0 : i32
      %swap3A_1149 = arith.index_cast %swap3A_1148 : i32 to index
      %swap3A_1150 = arith.constant 0 : index
      %swap3A_1151 = tpu.vector_load %arg6[%swap3A_1149, %swap3A_1150] {strides = array<i32>} : memref<4x128xi32, #tpu.memory_space<vmem>>, vector<1x16xi32>,
      %swap3A_1152 = vector.shape_cast %swap3A_1151 : vector<1x16xi32> to vector<16xi32>
      %swap3A_1153 = vector.shape_cast %add3A_1147 : vector<16xi32> to vector<1x16xi32>
      tpu.vector_store %arg6[%swap3A_1149, %swap3A_1150], %swap3A_1153 {strides = array<i32>} : memref<4x128xi32, #tpu.memory_space<vmem>>, vector<1x16xi32>,
      %add3A_1154 = arith.constant 16 : i32
      %add3A_1155 = arith.addi %mul3A_1125, %add3A_1154 : i32
      %add3A_1156 = arith.addi %mul3A_2, %add3A_1155 : i32
      %add3A_1157 = vector.broadcast %add3A_1156 : i32 to vector<16xi32>
      %add3A_1158 = arith.addi %add3A_1157, %iota3A : vector<16xi32>
      %rem3A_1159 = arith.constant 26 : i32
      %rem3A_1160 = vector.broadcast %rem3A_1159 : i32 to vector<16xi32>
      %rem3A_1161 = arith.remsi %add3A_1158, %rem3A_1160 : vector<16xi32>
      %and3A_1162 = arith.constant 255 : i32
      %and3A_1163 = vector.broadcast %and3A_1162 : i32 to vector<16xi32>
      %and3A_1164 = arith.andi %add3A_1158, %and3A_1163 : vector<16xi32>
      %mul3A_1165 = arith.constant 52 : i32
      %mul3A_1166 = vector.broadcast %mul3A_1165 : i32 to vector<16xi32>
      %mul3A_1167 = arith.muli %and3A_1164, %mul3A_1166 : vector<16xi32>
      %get3A_1168 = arith.index_cast %add3A_1155 : i32 to index
      %get3A_1169 = tpu.vector_load %arg5[%get3A_1168] {strides = array<i32>} : memref<13312xi32, #tpu.memory_space<vmem>>, vector<16xi32>,
      %get3A_1170 = vector.shape_cast %get3A_1169 : vector<16xi32> to vector<16xi32>
      %mul3A_1171 = arith.constant 2 : i32
      %mul3A_1172 = vector.broadcast %mul3A_1171 : i32 to vector<16xi32>
      %mul3A_1173 = arith.muli %mul3A_1172, %rem3A_1161 : vector<16xi32>
      %add3A_1174 = arith.addi %get3A_1170, %mul3A_1173 : vector<16xi32>
      %add3A_1175 = arith.addi %add3A_1174, %mul3A_1167 : vector<16xi32>
      %swap3A_1176 = arith.constant 0 : i32
      %swap3A_1177 = arith.index_cast %swap3A_1176 : i32 to index
      %swap3A_1178 = arith.constant 16 : index
      %swap3A_1179 = tpu.vector_load %arg6[%swap3A_1177, %swap3A_1178] {strides = array<i32>} : memref<4x128xi32, #tpu.memory_space<vmem>>, vector<1x16xi32>,
      %swap3A_1180 = vector.shape_cast %swap3A_1179 : vector<1x16xi32> to vector<16xi32>
      %swap3A_1181 = vector.shape_cast %add3A_1175 : vector<16xi32> to vector<1x16xi32>
      tpu.vector_store %arg6[%swap3A_1177, %swap3A_1178], %swap3A_1181 {strides = array<i32>} : memref<4x128xi32, #tpu.memory_space<vmem>>, vector<1x16xi32>,
      %add3A_1182 = arith.constant 32 : i32
      %add3A_1183 = arith.addi %mul3A_1125, %add3A_1182 : i32
      %add3A_1184 = arith.addi %mul3A_2, %add3A_1183 : i32
      %add3A_1185 = vector.broadcast %add3A_1184 : i32 to vector<16xi32>
      %add3A_1186 = arith.addi %add3A_1185, %iota3A : vector<16xi32>
      %rem3A_1187 = arith.constant 26 : i32
      %rem3A_1188 = vector.broadcast %rem3A_1187 : i32 to vector<16xi32>
      %rem3A_1189 = arith.remsi %add3A_1186, %rem3A_1188 : vector<16xi32>
      %and3A_1190 = arith.constant 255 : i32
      %and3A_1191 = vector.broadcast %and3A_1190 : i32 to vector<16xi32>
      %and3A_1192 = arith.andi %add3A_1186, %and3A_1191 : vector<16xi32>
      %mul3A_1193 = arith.constant 52 : i32
      %mul3A_1194 = vector.broadcast %mul3A_1193 : i32 to vector<16xi32>
      %mul3A_1195 = arith.muli %and3A_1192, %mul3A_1194 : vector<16xi32>
      %get3A_1196 = arith.index_cast %add3A_1183 : i32 to index
      %get3A_1197 = tpu.vector_load %arg5[%get3A_1196] {strides = array<i32>} : memref<13312xi32, #tpu.memory_space<vmem>>, vector<16xi32>,
      %get3A_1198 = vector.shape_cast %get3A_1197 : vector<16xi32> to vector<16xi32>
      %mul3A_1199 = arith.constant 2 : i32
      %mul3A_1200 = vector.broadcast %mul3A_1199 : i32 to vector<16xi32>
      %mul3A_1201 = arith.muli %mul3A_1200, %rem3A_1189 : vector<16xi32>
      %add3A_1202 = arith.addi %get3A_1198, %mul3A_1201 : vector<16xi32>
      %add3A_1203 = arith.addi %add3A_1202, %mul3A_1195 : vector<16xi32>
      %swap3A_1204 = arith.constant 0 : i32
      %swap3A_1205 = arith.index_cast %swap3A_1204 : i32 to index
      %swap3A_1206 = arith.constant 32 : index
      %swap3A_1207 = tpu.vector_load %arg6[%swap3A_1205, %swap3A_1206] {strides = array<i32>} : memref<4x128xi32, #tpu.memory_space<vmem>>, vector<1x16xi32>,
      %swap3A_1208 = vector.shape_cast %swap3A_1207 : vector<1x16xi32> to vector<16xi32>
      %swap3A_1209 = vector.shape_cast %add3A_1203 : vector<16xi32> to vector<1x16xi32>
      tpu.vector_store %arg6[%swap3A_1205, %swap3A_1206], %swap3A_1209 {strides = array<i32>} : memref<4x128xi32, #tpu.memory_space<vmem>>, vector<1x16xi32>,
      %add3A_1210 = arith.constant 48 : i32
      %add3A_1211 = arith.addi %mul3A_1125, %add3A_1210 : i32
      %add3A_1212 = arith.addi %mul3A_2, %add3A_1211 : i32
      %add3A_1213 = vector.broadcast %add3A_1212 : i32 to vector<16xi32>
      %add3A_1214 = arith.addi %add3A_1213, %iota3A : vector<16xi32>
      %rem3A_1215 = arith.constant 26 : i32
      %rem3A_1216 = vector.broadcast %rem3A_1215 : i32 to vector<16xi32>
      %rem3A_1217 = arith.remsi %add3A_1214, %rem3A_1216 : vector<16xi32>
      %and3A_1218 = arith.constant 255 : i32
      %and3A_1219 = vector.broadcast %and3A_1218 : i32 to vector<16xi32>
      %and3A_1220 = arith.andi %add3A_1214, %and3A_1219 : vector<16xi32>
      %mul3A_1221 = arith.constant 52 : i32
      %mul3A_1222 = vector.broadcast %mul3A_1221 : i32 to vector<16xi32>
      %mul3A_1223 = arith.muli %and3A_1220, %mul3A_1222 : vector<16xi32>
      %get3A_1224 = arith.index_cast %add3A_1211 : i32 to index
      %get3A_1225 = tpu.vector_load %arg5[%get3A_1224] {strides = array<i32>} : memref<13312xi32, #tpu.memory_space<vmem>>, vector<16xi32>,
      %get3A_1226 = vector.shape_cast %get3A_1225 : vector<16xi32> to vector<16xi32>
      %mul3A_1227 = arith.constant 2 : i32
      %mul3A_1228 = vector.broadcast %mul3A_1227 : i32 to vector<16xi32>
      %mul3A_1229 = arith.muli %mul3A_1228, %rem3A_1217 : vector<16xi32>
      %add3A_1230 = arith.addi %get3A_1226, %mul3A_1229 : vector<16xi32>
      %add3A_1231 = arith.addi %add3A_1230, %mul3A_1223 : vector<16xi32>
      %swap3A_1232 = arith.constant 0 : i32
      %swap3A_1233 = arith.index_cast %swap3A_1232 : i32 to index
      %swap3A_1234 = arith.constant 48 : index
      %swap3A_1235 = tpu.vector_load %arg6[%swap3A_1233, %swap3A_1234] {strides = array<i32>} : memref<4x128xi32, #tpu.memory_space<vmem>>, vector<1x16xi32>,
      %swap3A_1236 = vector.shape_cast %swap3A_1235 : vector<1x16xi32> to vector<16xi32>
      %swap3A_1237 = vector.shape_cast %add3A_1231 : vector<16xi32> to vector<1x16xi32>
      tpu.vector_store %arg6[%swap3A_1233, %swap3A_1234], %swap3A_1237 {strides = array<i32>} : memref<4x128xi32, #tpu.memory_space<vmem>>, vector<1x16xi32>,
      %add3A_1238 = arith.constant 64 : i32
      %add3A_1239 = arith.addi %mul3A_1125, %add3A_1238 : i32
      %add3A_1240 = arith.addi %mul3A_2, %add3A_1239 : i32
      %add3A_1241 = vector.broadcast %add3A_1240 : i32 to vector<16xi32>
      %add3A_1242 = arith.addi %add3A_1241, %iota3A : vector<16xi32>
      %rem3A_1243 = arith.constant 26 : i32
      %rem3A_1244 = vector.broadcast %rem3A_1243 : i32 to vector<16xi32>
      %rem3A_1245 = arith.remsi %add3A_1242, %rem3A_1244 : vector<16xi32>
      %and3A_1246 = arith.constant 255 : i32
      %and3A_1247 = vector.broadcast %and3A_1246 : i32 to vector<16xi32>
      %and3A_1248 = arith.andi %add3A_1242, %and3A_1247 : vector<16xi32>
      %mul3A_1249 = arith.constant 52 : i32
      %mul3A_1250 = vector.broadcast %mul3A_1249 : i32 to vector<16xi32>
      %mul3A_1251 = arith.muli %and3A_1248, %mul3A_1250 : vector<16xi32>
      %get3A_1252 = arith.index_cast %add3A_1239 : i32 to index
      %get3A_1253 = tpu.vector_load %arg5[%get3A_1252] {strides = array<i32>} : memref<13312xi32, #tpu.memory_space<vmem>>, vector<16xi32>,
      %get3A_1254 = vector.shape_cast %get3A_1253 : vector<16xi32> to vector<16xi32>
      %mul3A_1255 = arith.constant 2 : i32
      %mul3A_1256 = vector.broadcast %mul3A_1255 : i32 to vector<16xi32>
      %mul3A_1257 = arith.muli %mul3A_1256, %rem3A_1245 : vector<16xi32>
      %add3A_1258 = arith.addi %get3A_1254, %mul3A_1257 : vector<16xi32>
      %add3A_1259 = arith.addi %add3A_1258, %mul3A_1251 : vector<16xi32>
      %swap3A_1260 = arith.constant 0 : i32
      %swap3A_1261 = arith.index_cast %swap3A_1260 : i32 to index
      %swap3A_1262 = arith.constant 64 : index
      %swap3A_1263 = tpu.vector_load %arg6[%swap3A_1261, %swap3A_1262] {strides = array<i32>} : memref<4x128xi32, #tpu.memory_space<vmem>>, vector<1x16xi32>,
      %swap3A_1264 = vector.shape_cast %swap3A_1263 : vector<1x16xi32> to vector<16xi32>
      %swap3A_1265 = vector.shape_cast %add3A_1259 : vector<16xi32> to vector<1x16xi32>
      tpu.vector_store %arg6[%swap3A_1261, %swap3A_1262], %swap3A_1265 {strides = array<i32>} : memref<4x128xi32, #tpu.memory_space<vmem>>, vector<1x16xi32>,
      %add3A_1266 = arith.constant 80 : i32
      %add3A_1267 = arith.addi %mul3A_1125, %add3A_1266 : i32
      %add3A_1268 = arith.addi %mul3A_2, %add3A_1267 : i32
      %add3A_1269 = vector.broadcast %add3A_1268 : i32 to vector<16xi32>
      %add3A_1270 = arith.addi %add3A_1269, %iota3A : vector<16xi32>
      %rem3A_1271 = arith.constant 26 : i32
      %rem3A_1272 = vector.broadcast %rem3A_1271 : i32 to vector<16xi32>
      %rem3A_1273 = arith.remsi %add3A_1270, %rem3A_1272 : vector<16xi32>
      %and3A_1274 = arith.constant 255 : i32
      %and3A_1275 = vector.broadcast %and3A_1274 : i32 to vector<16xi32>
      %and3A_1276 = arith.andi %add3A_1270, %and3A_1275 : vector<16xi32>
      %mul3A_1277 = arith.constant 52 : i32
      %mul3A_1278 = vector.broadcast %mul3A_1277 : i32 to vector<16xi32>
      %mul3A_1279 = arith.muli %and3A_1276, %mul3A_1278 : vector<16xi32>
      %get3A_1280 = arith.index_cast %add3A_1267 : i32 to index
      %get3A_1281 = tpu.vector_load %arg5[%get3A_1280] {strides = array<i32>} : memref<13312xi32, #tpu.memory_space<vmem>>, vector<16xi32>,
      %get3A_1282 = vector.shape_cast %get3A_1281 : vector<16xi32> to vector<16xi32>
      %mul3A_1283 = arith.constant 2 : i32
      %mul3A_1284 = vector.broadcast %mul3A_1283 : i32 to vector<16xi32>
      %mul3A_1285 = arith.muli %mul3A_1284, %rem3A_1273 : vector<16xi32>
      %add3A_1286 = arith.addi %get3A_1282, %mul3A_1285 : vector<16xi32>
      %add3A_1287 = arith.addi %add3A_1286, %mul3A_1279 : vector<16xi32>
      %swap3A_1288 = arith.constant 0 : i32
      %swap3A_1289 = arith.index_cast %swap3A_1288 : i32 to index
      %swap3A_1290 = arith.constant 80 : index
      %swap3A_1291 = tpu.vector_load %arg6[%swap3A_1289, %swap3A_1290] {strides = array<i32>} : memref<4x128xi32, #tpu.memory_space<vmem>>, vector<1x16xi32>,
      %swap3A_1292 = vector.shape_cast %swap3A_1291 : vector<1x16xi32> to vector<16xi32>
      %swap3A_1293 = vector.shape_cast %add3A_1287 : vector<16xi32> to vector<1x16xi32>
      tpu.vector_store %arg6[%swap3A_1289, %swap3A_1290], %swap3A_1293 {strides = array<i32>} : memref<4x128xi32, #tpu.memory_space<vmem>>, vector<1x16xi32>,
      %add3A_1294 = arith.constant 96 : i32
      %add3A_1295 = arith.addi %mul3A_1125, %add3A_1294 : i32
      %add3A_1296 = arith.addi %mul3A_2, %add3A_1295 : i32
      %add3A_1297 = vector.broadcast %add3A_1296 : i32 to vector<16xi32>
      %add3A_1298 = arith.addi %add3A_1297, %iota3A : vector<16xi32>
      %rem3A_1299 = arith.constant 26 : i32
      %rem3A_1300 = vector.broadcast %rem3A_1299 : i32 to vector<16xi32>
      %rem3A_1301 = arith.remsi %add3A_1298, %rem3A_1300 : vector<16xi32>
      %and3A_1302 = arith.constant 255 : i32
      %and3A_1303 = vector.broadcast %and3A_1302 : i32 to vector<16xi32>
      %and3A_1304 = arith.andi %add3A_1298, %and3A_1303 : vector<16xi32>
      %mul3A_1305 = arith.constant 52 : i32
      %mul3A_1306 = vector.broadcast %mul3A_1305 : i32 to vector<16xi32>
      %mul3A_1307 = arith.muli %and3A_1304, %mul3A_1306 : vector<16xi32>
      %get3A_1308 = arith.index_cast %add3A_1295 : i32 to index
      %get3A_1309 = tpu.vector_load %arg5[%get3A_1308] {strides = array<i32>} : memref<13312xi32, #tpu.memory_space<vmem>>, vector<16xi32>,
      %get3A_1310 = vector.shape_cast %get3A_1309 : vector<16xi32> to vector<16xi32>
      %mul3A_1311 = arith.constant 2 : i32
      %mul3A_1312 = vector.broadcast %mul3A_1311 : i32 to vector<16xi32>
      %mul3A_1313 = arith.muli %mul3A_1312, %rem3A_1301 : vector<16xi32>
      %add3A_1314 = arith.addi %get3A_1310, %mul3A_1313 : vector<16xi32>
      %add3A_1315 = arith.addi %add3A_1314, %mul3A_1307 : vector<16xi32>
      %swap3A_1316 = arith.constant 0 : i32
      %swap3A_1317 = arith.index_cast %swap3A_1316 : i32 to index
      %swap3A_1318 = arith.constant 96 : index
      %swap3A_1319 = tpu.vector_load %arg6[%swap3A_1317, %swap3A_1318] {strides = array<i32>} : memref<4x128xi32, #tpu.memory_space<vmem>>, vector<1x16xi32>,
      %swap3A_1320 = vector.shape_cast %swap3A_1319 : vector<1x16xi32> to vector<16xi32>
      %swap3A_1321 = vector.shape_cast %add3A_1315 : vector<16xi32> to vector<1x16xi32>
      tpu.vector_store %arg6[%swap3A_1317, %swap3A_1318], %swap3A_1321 {strides = array<i32>} : memref<4x128xi32, #tpu.memory_space<vmem>>, vector<1x16xi32>,
      %add3A_1322 = arith.constant 112 : i32
      %add3A_1323 = arith.addi %mul3A_1125, %add3A_1322 : i32
      %add3A_1324 = arith.addi %mul3A_2, %add3A_1323 : i32
      %add3A_1325 = vector.broadcast %add3A_1324 : i32 to vector<16xi32>
      %add3A_1326 = arith.addi %add3A_1325, %iota3A : vector<16xi32>
      %rem3A_1327 = arith.constant 26 : i32
      %rem3A_1328 = vector.broadcast %rem3A_1327 : i32 to vector<16xi32>
      %rem3A_1329 = arith.remsi %add3A_1326, %rem3A_1328 : vector<16xi32>
      %and3A_1330 = arith.constant 255 : i32
      %and3A_1331 = vector.broadcast %and3A_1330 : i32 to vector<16xi32>
      %and3A_1332 = arith.andi %add3A_1326, %and3A_1331 : vector<16xi32>
      %mul3A_1333 = arith.constant 52 : i32
      %mul3A_1334 = vector.broadcast %mul3A_1333 : i32 to vector<16xi32>
      %mul3A_1335 = arith.muli %and3A_1332, %mul3A_1334 : vector<16xi32>
      %get3A_1336 = arith.index_cast %add3A_1323 : i32 to index
      %get3A_1337 = tpu.vector_load %arg5[%get3A_1336] {strides = array<i32>} : memref<13312xi32, #tpu.memory_space<vmem>>, vector<16xi32>,
      %get3A_1338 = vector.shape_cast %get3A_1337 : vector<16xi32> to vector<16xi32>
      %mul3A_1339 = arith.constant 2 : i32
      %mul3A_1340 = vector.broadcast %mul3A_1339 : i32 to vector<16xi32>
      %mul3A_1341 = arith.muli %mul3A_1340, %rem3A_1329 : vector<16xi32>
      %add3A_1342 = arith.addi %get3A_1338, %mul3A_1341 : vector<16xi32>
      %add3A_1343 = arith.addi %add3A_1342, %mul3A_1335 : vector<16xi32>
      %swap3A_1344 = arith.constant 0 : i32
      %swap3A_1345 = arith.index_cast %swap3A_1344 : i32 to index
      %swap3A_1346 = arith.constant 112 : index
      %swap3A_1347 = tpu.vector_load %arg6[%swap3A_1345, %swap3A_1346] {strides = array<i32>} : memref<4x128xi32, #tpu.memory_space<vmem>>, vector<1x16xi32>,
      %swap3A_1348 = vector.shape_cast %swap3A_1347 : vector<1x16xi32> to vector<16xi32>
      %swap3A_1349 = vector.shape_cast %add3A_1343 : vector<16xi32> to vector<1x16xi32>
      tpu.vector_store %arg6[%swap3A_1345, %swap3A_1346], %swap3A_1349 {strides = array<i32>} : memref<4x128xi32, #tpu.memory_space<vmem>>, vector<1x16xi32>,
      %dma_start3A_1350 = arith.constant 0 : i32
      %dma_start3A_1351 = arith.constant 0 : i32
      %dma_start3A_1352 = arith.constant 0 : i32
      %dma_start3A_1353 = arith.constant 0 : i32
      %dma_start3A_1354 = tpu.memref_slice %arg7[%dma_start3A_1351, %dma_start3A_1352, %dma_start3A_1353] : memref<4x128x128xf32, #tpu.memory_space<vmem>> -> memref<1x128x128xf32, #tpu.memory_space<vmem>>
      %dma_start3A_1355 = tpu.memref_squeeze %dma_start3A_1354 : memref<1x128x128xf32, #tpu.memory_space<vmem>> -> memref<128x128xf32, #tpu.memory_space<vmem>>
      %dma_start3A_1356 = arith.constant 0 : i32
      %dma_start3A_1357 = tpu.memref_slice %arg6[%dma_start3A_1350, %dma_start3A_1356] : memref<4x128xi32, #tpu.memory_space<vmem>> -> memref<1x128xi32, #tpu.memory_space<vmem>>
      %dma_start3A_1358 = tpu.memref_squeeze %dma_start3A_1357 : memref<1x128xi32, #tpu.memory_space<vmem>> -> memref<128xi32, #tpu.memory_space<vmem>>
      %dma_start3A_1359 = arith.constant 0 : i32
      %dma_start3A_1360 = arith.constant 0 : i32
      %dma_start3A_1361 = tpu.memref_slice %arg3[%dma_start3A_1359, %dma_start3A_1360] : memref<13312x128xf32, #tpu.memory_space<hbm>> -> memref<13312x128xf32, #tpu.memory_space<hbm>>
      tpu.enqueue_indirect_dma source(%dma_start3A_1361 : memref<13312x128xf32, #tpu.memory_space<hbm>>) target(%dma_start3A_1355 : memref<128x128xf32, #tpu.memory_space<vmem>>) offsets(%dma_start3A_1358 : memref<128xi32, #tpu.memory_space<vmem>>) semaphore(%arg8 : memref<!tpu.dma_semaphore, #tpu.memory_space<semaphore_mem>>)
      %mul3A_1362 = arith.constant 4 : i32
      %mul3A_1363 = arith.muli %scan3A_1074, %mul3A_1362 : i32
      %add3A_1364 = arith.constant 2 : i32
      %add3A_1365 = arith.addi %add3A_1364, %mul3A_1363 : i32
      %add3A_1366 = arith.constant 1 : i32
      %add3A_1367 = arith.addi %add3A_1365, %add3A_1366 : i32
      %dma_wait3A_1368 = arith.constant 3 : i32
      %dma_wait3A_1369 = arith.constant 3 : i32
      %dma_wait3A_1370 = arith.constant 0 : i32
      %dma_wait3A_1371 = arith.constant 0 : i32
      %dma_wait3A_1372 = tpu.memref_slice %arg7[%dma_wait3A_1369, %dma_wait3A_1370, %dma_wait3A_1371] : memref<4x128x128xf32, #tpu.memory_space<vmem>> -> memref<1x128x128xf32, #tpu.memory_space<vmem>>
      %dma_wait3A_1373 = tpu.memref_squeeze %dma_wait3A_1372 : memref<1x128x128xf32, #tpu.memory_space<vmem>> -> memref<128x128xf32, #tpu.memory_space<vmem>>
      %dma_wait3A_1374 = arith.constant 0 : i32
      %dma_wait3A_1375 = tpu.memref_slice %arg6[%dma_wait3A_1368, %dma_wait3A_1374] : memref<4x128xi32, #tpu.memory_space<vmem>> -> memref<1x128xi32, #tpu.memory_space<vmem>>
      %dma_wait3A_1376 = tpu.memref_squeeze %dma_wait3A_1375 : memref<1x128xi32, #tpu.memory_space<vmem>> -> memref<128xi32, #tpu.memory_space<vmem>>
      %dma_wait3A_1377 = arith.constant 0 : i32
      %dma_wait3A_1378 = arith.constant 0 : i32
      %dma_wait3A_1379 = tpu.memref_slice %arg3[%dma_wait3A_1377, %dma_wait3A_1378] : memref<13312x128xf32, #tpu.memory_space<hbm>> -> memref<13312x128xf32, #tpu.memory_space<hbm>>
      tpu.wait_indirect_dma semaphore(%arg11 : memref<!tpu.dma_semaphore, #tpu.memory_space<semaphore_mem>>) src(%dma_wait3A_1379 : memref<13312x128xf32, #tpu.memory_space<hbm>>) dst(%dma_wait3A_1373 : memref<128x128xf32, #tpu.memory_space<vmem>>)
      %mul3A_1380 = arith.constant 128 : i32
      %mul3A_1381 = arith.muli %add3A_1367, %mul3A_1380 : i32
      %add3A_1382 = arith.addi %mul3A_2, %mul3A_1381 : i32
      %dma_start3A_1383 = arith.constant 3 : i32
      %dma_start3A_1384 = arith.constant 0 : i32
      %dma_start3A_1385 = arith.constant 0 : i32
      %dma_start3A_1386 = tpu.memref_slice %arg7[%dma_start3A_1383, %dma_start3A_1384, %dma_start3A_1385] : memref<4x128x128xf32, #tpu.memory_space<vmem>> -> memref<1x128x128xf32, #tpu.memory_space<vmem>>
      %dma_start3A_1387 = tpu.memref_squeeze %dma_start3A_1386 : memref<1x128x128xf32, #tpu.memory_space<vmem>> -> memref<128x128xf32, #tpu.memory_space<vmem>>
      %dma_start3A_1388 = arith.constant 0 : i32
      %dma_start3A_1389 = tpu.memref_slice %arg4[%add3A_1382, %dma_start3A_1388] : memref<425984x128xf32, #tpu.memory_space<hbm>> -> memref<128x128xf32, #tpu.memory_space<hbm>>
      %dma_start3A_1390 = arith.constant 0 : i32
      %dma_start3A_1391 = tpu.memref_slice %arg4[%add3A_1382, %dma_start3A_1390] : memref<425984x128xf32, #tpu.memory_space<hbm>> -> memref<128x128xf32, #tpu.memory_space<hbm>>
      %dma_start3A_1392 = arith.constant 0 : i32
      %dma_start3A_1393 = arith.constant 0 : i32
      %dma_start3A_1394 = tpu.memref_slice %arg7[%dma_start3A_1383, %dma_start3A_1392, %dma_start3A_1393] : memref<4x128x128xf32, #tpu.memory_space<vmem>> -> memref<1x128x128xf32, #tpu.memory_space<vmem>>
      %dma_start3A_1395 = tpu.memref_squeeze %dma_start3A_1394 : memref<1x128x128xf32, #tpu.memory_space<vmem>> -> memref<128x128xf32, #tpu.memory_space<vmem>>
      tpu.enqueue_dma source(%dma_start3A_1395 : memref<128x128xf32, #tpu.memory_space<vmem>>) target(%dma_start3A_1391 : memref<128x128xf32, #tpu.memory_space<hbm>>) target_semaphore(%arg15 : memref<!tpu.dma_semaphore, #tpu.memory_space<semaphore_mem>>)
      %dma_wait3A_1396 = arith.constant 1 : i32
      %dma_wait3A_1397 = arith.constant 0 : i32
      %dma_wait3A_1398 = arith.constant 0 : i32
      %dma_wait3A_1399 = tpu.memref_slice %arg7[%dma_wait3A_1396, %dma_wait3A_1397, %dma_wait3A_1398] : memref<4x128x128xf32, #tpu.memory_space<vmem>> -> memref<1x128x128xf32, #tpu.memory_space<vmem>>
      %dma_wait3A_1400 = tpu.memref_squeeze %dma_wait3A_1399 : memref<1x128x128xf32, #tpu.memory_space<vmem>> -> memref<128x128xf32, #tpu.memory_space<vmem>>
      %dma_wait3A_1401 = arith.constant 0 : i32
      %dma_wait3A_1402 = tpu.memref_slice %arg4[%mul3A_2, %dma_wait3A_1401] : memref<425984x128xf32, #tpu.memory_space<hbm>> -> memref<128x128xf32, #tpu.memory_space<hbm>>
      %dma_wait3A_1403 = arith.constant 0 : i32
      %dma_wait3A_1404 = tpu.memref_slice %arg4[%mul3A_2, %dma_wait3A_1403] : memref<425984x128xf32, #tpu.memory_space<hbm>> -> memref<128x128xf32, #tpu.memory_space<hbm>>
      %dma_wait3A_1405 = arith.constant 0 : i32
      %dma_wait3A_1406 = arith.constant 0 : i32
      %dma_wait3A_1407 = tpu.memref_slice %arg7[%dma_wait3A_1396, %dma_wait3A_1405, %dma_wait3A_1406] : memref<4x128x128xf32, #tpu.memory_space<vmem>> -> memref<1x128x128xf32, #tpu.memory_space<vmem>>
      %dma_wait3A_1408 = tpu.memref_squeeze %dma_wait3A_1407 : memref<1x128x128xf32, #tpu.memory_space<vmem>> -> memref<128x128xf32, #tpu.memory_space<vmem>>
      tpu.wait_dma2 semaphore(%arg13 : memref<!tpu.dma_semaphore, #tpu.memory_space<semaphore_mem>>) src(%dma_wait3A_1408 : memref<128x128xf32, #tpu.memory_space<vmem>>) dst(%dma_wait3A_1404 : memref<128x128xf32, #tpu.memory_space<hbm>>)
      %add3A_1409 = arith.constant 2 : i32
      %add3A_1410 = arith.addi %add3A_1367, %add3A_1409 : i32
      %mul3A_1411 = arith.constant 128 : i32
      %mul3A_1412 = arith.muli %add3A_1410, %mul3A_1411 : i32
      %add3A_1413 = arith.constant 0 : i32
      %add3A_1414 = arith.addi %mul3A_1412, %add3A_1413 : i32
      %add3A_1415 = arith.addi %mul3A_2, %add3A_1414 : i32
      %add3A_1416 = vector.broadcast %add3A_1415 : i32 to vector<16xi32>
      %add3A_1417 = arith.addi %add3A_1416, %iota3A : vector<16xi32>
      %rem3A_1418 = arith.constant 26 : i32
      %rem3A_1419 = vector.broadcast %rem3A_1418 : i32 to vector<16xi32>
      %rem3A_1420 = arith.remsi %add3A_1417, %rem3A_1419 : vector<16xi32>
      %and3A_1421 = arith.constant 255 : i32
      %and3A_1422 = vector.broadcast %and3A_1421 : i32 to vector<16xi32>
      %and3A_1423 = arith.andi %add3A_1417, %and3A_1422 : vector<16xi32>
      %mul3A_1424 = arith.constant 52 : i32
      %mul3A_1425 = vector.broadcast %mul3A_1424 : i32 to vector<16xi32>
      %mul3A_1426 = arith.muli %and3A_1423, %mul3A_1425 : vector<16xi32>
      %get3A_1427 = arith.index_cast %add3A_1414 : i32 to index
      %get3A_1428 = tpu.vector_load %arg5[%get3A_1427] {strides = array<i32>} : memref<13312xi32, #tpu.memory_space<vmem>>, vector<16xi32>,
      %get3A_1429 = vector.shape_cast %get3A_1428 : vector<16xi32> to vector<16xi32>
      %mul3A_1430 = arith.constant 2 : i32
      %mul3A_1431 = vector.broadcast %mul3A_1430 : i32 to vector<16xi32>
      %mul3A_1432 = arith.muli %mul3A_1431, %rem3A_1420 : vector<16xi32>
      %add3A_1433 = arith.addi %get3A_1429, %mul3A_1432 : vector<16xi32>
      %add3A_1434 = arith.addi %add3A_1433, %mul3A_1426 : vector<16xi32>
      %swap3A_1435 = arith.constant 1 : i32
      %swap3A_1436 = arith.index_cast %swap3A_1435 : i32 to index
      %swap3A_1437 = arith.constant 0 : index
      %swap3A_1438 = tpu.vector_load %arg6[%swap3A_1436, %swap3A_1437] {strides = array<i32>} : memref<4x128xi32, #tpu.memory_space<vmem>>, vector<1x16xi32>,
      %swap3A_1439 = vector.shape_cast %swap3A_1438 : vector<1x16xi32> to vector<16xi32>
      %swap3A_1440 = vector.shape_cast %add3A_1434 : vector<16xi32> to vector<1x16xi32>
      tpu.vector_store %arg6[%swap3A_1436, %swap3A_1437], %swap3A_1440 {strides = array<i32>} : memref<4x128xi32, #tpu.memory_space<vmem>>, vector<1x16xi32>,
      %add3A_1441 = arith.constant 16 : i32
      %add3A_1442 = arith.addi %mul3A_1412, %add3A_1441 : i32
      %add3A_1443 = arith.addi %mul3A_2, %add3A_1442 : i32
      %add3A_1444 = vector.broadcast %add3A_1443 : i32 to vector<16xi32>
      %add3A_1445 = arith.addi %add3A_1444, %iota3A : vector<16xi32>
      %rem3A_1446 = arith.constant 26 : i32
      %rem3A_1447 = vector.broadcast %rem3A_1446 : i32 to vector<16xi32>
      %rem3A_1448 = arith.remsi %add3A_1445, %rem3A_1447 : vector<16xi32>
      %and3A_1449 = arith.constant 255 : i32
      %and3A_1450 = vector.broadcast %and3A_1449 : i32 to vector<16xi32>
      %and3A_1451 = arith.andi %add3A_1445, %and3A_1450 : vector<16xi32>
      %mul3A_1452 = arith.constant 52 : i32
      %mul3A_1453 = vector.broadcast %mul3A_1452 : i32 to vector<16xi32>
      %mul3A_1454 = arith.muli %and3A_1451, %mul3A_1453 : vector<16xi32>
      %get3A_1455 = arith.index_cast %add3A_1442 : i32 to index
      %get3A_1456 = tpu.vector_load %arg5[%get3A_1455] {strides = array<i32>} : memref<13312xi32, #tpu.memory_space<vmem>>, vector<16xi32>,
      %get3A_1457 = vector.shape_cast %get3A_1456 : vector<16xi32> to vector<16xi32>
      %mul3A_1458 = arith.constant 2 : i32
      %mul3A_1459 = vector.broadcast %mul3A_1458 : i32 to vector<16xi32>
      %mul3A_1460 = arith.muli %mul3A_1459, %rem3A_1448 : vector<16xi32>
      %add3A_1461 = arith.addi %get3A_1457, %mul3A_1460 : vector<16xi32>
      %add3A_1462 = arith.addi %add3A_1461, %mul3A_1454 : vector<16xi32>
      %swap3A_1463 = arith.constant 1 : i32
      %swap3A_1464 = arith.index_cast %swap3A_1463 : i32 to index
      %swap3A_1465 = arith.constant 16 : index
      %swap3A_1466 = tpu.vector_load %arg6[%swap3A_1464, %swap3A_1465] {strides = array<i32>} : memref<4x128xi32, #tpu.memory_space<vmem>>, vector<1x16xi32>,
      %swap3A_1467 = vector.shape_cast %swap3A_1466 : vector<1x16xi32> to vector<16xi32>
      %swap3A_1468 = vector.shape_cast %add3A_1462 : vector<16xi32> to vector<1x16xi32>
      tpu.vector_store %arg6[%swap3A_1464, %swap3A_1465], %swap3A_1468 {strides = array<i32>} : memref<4x128xi32, #tpu.memory_space<vmem>>, vector<1x16xi32>,
      %add3A_1469 = arith.constant 32 : i32
      %add3A_1470 = arith.addi %mul3A_1412, %add3A_1469 : i32
      %add3A_1471 = arith.addi %mul3A_2, %add3A_1470 : i32
      %add3A_1472 = vector.broadcast %add3A_1471 : i32 to vector<16xi32>
      %add3A_1473 = arith.addi %add3A_1472, %iota3A : vector<16xi32>
      %rem3A_1474 = arith.constant 26 : i32
      %rem3A_1475 = vector.broadcast %rem3A_1474 : i32 to vector<16xi32>
      %rem3A_1476 = arith.remsi %add3A_1473, %rem3A_1475 : vector<16xi32>
      %and3A_1477 = arith.constant 255 : i32
      %and3A_1478 = vector.broadcast %and3A_1477 : i32 to vector<16xi32>
      %and3A_1479 = arith.andi %add3A_1473, %and3A_1478 : vector<16xi32>
      %mul3A_1480 = arith.constant 52 : i32
      %mul3A_1481 = vector.broadcast %mul3A_1480 : i32 to vector<16xi32>
      %mul3A_1482 = arith.muli %and3A_1479, %mul3A_1481 : vector<16xi32>
      %get3A_1483 = arith.index_cast %add3A_1470 : i32 to index
      %get3A_1484 = tpu.vector_load %arg5[%get3A_1483] {strides = array<i32>} : memref<13312xi32, #tpu.memory_space<vmem>>, vector<16xi32>,
      %get3A_1485 = vector.shape_cast %get3A_1484 : vector<16xi32> to vector<16xi32>
      %mul3A_1486 = arith.constant 2 : i32
      %mul3A_1487 = vector.broadcast %mul3A_1486 : i32 to vector<16xi32>
      %mul3A_1488 = arith.muli %mul3A_1487, %rem3A_1476 : vector<16xi32>
      %add3A_1489 = arith.addi %get3A_1485, %mul3A_1488 : vector<16xi32>
      %add3A_1490 = arith.addi %add3A_1489, %mul3A_1482 : vector<16xi32>
      %swap3A_1491 = arith.constant 1 : i32
      %swap3A_1492 = arith.index_cast %swap3A_1491 : i32 to index
      %swap3A_1493 = arith.constant 32 : index
      %swap3A_1494 = tpu.vector_load %arg6[%swap3A_1492, %swap3A_1493] {strides = array<i32>} : memref<4x128xi32, #tpu.memory_space<vmem>>, vector<1x16xi32>,
      %swap3A_1495 = vector.shape_cast %swap3A_1494 : vector<1x16xi32> to vector<16xi32>
      %swap3A_1496 = vector.shape_cast %add3A_1490 : vector<16xi32> to vector<1x16xi32>
      tpu.vector_store %arg6[%swap3A_1492, %swap3A_1493], %swap3A_1496 {strides = array<i32>} : memref<4x128xi32, #tpu.memory_space<vmem>>, vector<1x16xi32>,
      %add3A_1497 = arith.constant 48 : i32
      %add3A_1498 = arith.addi %mul3A_1412, %add3A_1497 : i32
      %add3A_1499 = arith.addi %mul3A_2, %add3A_1498 : i32
      %add3A_1500 = vector.broadcast %add3A_1499 : i32 to vector<16xi32>
      %add3A_1501 = arith.addi %add3A_1500, %iota3A : vector<16xi32>
      %rem3A_1502 = arith.constant 26 : i32
      %rem3A_1503 = vector.broadcast %rem3A_1502 : i32 to vector<16xi32>
      %rem3A_1504 = arith.remsi %add3A_1501, %rem3A_1503 : vector<16xi32>
      %and3A_1505 = arith.constant 255 : i32
      %and3A_1506 = vector.broadcast %and3A_1505 : i32 to vector<16xi32>
      %and3A_1507 = arith.andi %add3A_1501, %and3A_1506 : vector<16xi32>
      %mul3A_1508 = arith.constant 52 : i32
      %mul3A_1509 = vector.broadcast %mul3A_1508 : i32 to vector<16xi32>
      %mul3A_1510 = arith.muli %and3A_1507, %mul3A_1509 : vector<16xi32>
      %get3A_1511 = arith.index_cast %add3A_1498 : i32 to index
      %get3A_1512 = tpu.vector_load %arg5[%get3A_1511] {strides = array<i32>} : memref<13312xi32, #tpu.memory_space<vmem>>, vector<16xi32>,
      %get3A_1513 = vector.shape_cast %get3A_1512 : vector<16xi32> to vector<16xi32>
      %mul3A_1514 = arith.constant 2 : i32
      %mul3A_1515 = vector.broadcast %mul3A_1514 : i32 to vector<16xi32>
      %mul3A_1516 = arith.muli %mul3A_1515, %rem3A_1504 : vector<16xi32>
      %add3A_1517 = arith.addi %get3A_1513, %mul3A_1516 : vector<16xi32>
      %add3A_1518 = arith.addi %add3A_1517, %mul3A_1510 : vector<16xi32>
      %swap3A_1519 = arith.constant 1 : i32
      %swap3A_1520 = arith.index_cast %swap3A_1519 : i32 to index
      %swap3A_1521 = arith.constant 48 : index
      %swap3A_1522 = tpu.vector_load %arg6[%swap3A_1520, %swap3A_1521] {strides = array<i32>} : memref<4x128xi32, #tpu.memory_space<vmem>>, vector<1x16xi32>,
      %swap3A_1523 = vector.shape_cast %swap3A_1522 : vector<1x16xi32> to vector<16xi32>
      %swap3A_1524 = vector.shape_cast %add3A_1518 : vector<16xi32> to vector<1x16xi32>
      tpu.vector_store %arg6[%swap3A_1520, %swap3A_1521], %swap3A_1524 {strides = array<i32>} : memref<4x128xi32, #tpu.memory_space<vmem>>, vector<1x16xi32>,
      %add3A_1525 = arith.constant 64 : i32
      %add3A_1526 = arith.addi %mul3A_1412, %add3A_1525 : i32
      %add3A_1527 = arith.addi %mul3A_2, %add3A_1526 : i32
      %add3A_1528 = vector.broadcast %add3A_1527 : i32 to vector<16xi32>
      %add3A_1529 = arith.addi %add3A_1528, %iota3A : vector<16xi32>
      %rem3A_1530 = arith.constant 26 : i32
      %rem3A_1531 = vector.broadcast %rem3A_1530 : i32 to vector<16xi32>
      %rem3A_1532 = arith.remsi %add3A_1529, %rem3A_1531 : vector<16xi32>
      %and3A_1533 = arith.constant 255 : i32
      %and3A_1534 = vector.broadcast %and3A_1533 : i32 to vector<16xi32>
      %and3A_1535 = arith.andi %add3A_1529, %and3A_1534 : vector<16xi32>
      %mul3A_1536 = arith.constant 52 : i32
      %mul3A_1537 = vector.broadcast %mul3A_1536 : i32 to vector<16xi32>
      %mul3A_1538 = arith.muli %and3A_1535, %mul3A_1537 : vector<16xi32>
      %get3A_1539 = arith.index_cast %add3A_1526 : i32 to index
      %get3A_1540 = tpu.vector_load %arg5[%get3A_1539] {strides = array<i32>} : memref<13312xi32, #tpu.memory_space<vmem>>, vector<16xi32>,
      %get3A_1541 = vector.shape_cast %get3A_1540 : vector<16xi32> to vector<16xi32>
      %mul3A_1542 = arith.constant 2 : i32
      %mul3A_1543 = vector.broadcast %mul3A_1542 : i32 to vector<16xi32>
      %mul3A_1544 = arith.muli %mul3A_1543, %rem3A_1532 : vector<16xi32>
      %add3A_1545 = arith.addi %get3A_1541, %mul3A_1544 : vector<16xi32>
      %add3A_1546 = arith.addi %add3A_1545, %mul3A_1538 : vector<16xi32>
      %swap3A_1547 = arith.constant 1 : i32
      %swap3A_1548 = arith.index_cast %swap3A_1547 : i32 to index
      %swap3A_1549 = arith.constant 64 : index
      %swap3A_1550 = tpu.vector_load %arg6[%swap3A_1548, %swap3A_1549] {strides = array<i32>} : memref<4x128xi32, #tpu.memory_space<vmem>>, vector<1x16xi32>,
      %swap3A_1551 = vector.shape_cast %swap3A_1550 : vector<1x16xi32> to vector<16xi32>
      %swap3A_1552 = vector.shape_cast %add3A_1546 : vector<16xi32> to vector<1x16xi32>
      tpu.vector_store %arg6[%swap3A_1548, %swap3A_1549], %swap3A_1552 {strides = array<i32>} : memref<4x128xi32, #tpu.memory_space<vmem>>, vector<1x16xi32>,
      %add3A_1553 = arith.constant 80 : i32
      %add3A_1554 = arith.addi %mul3A_1412, %add3A_1553 : i32
      %add3A_1555 = arith.addi %mul3A_2, %add3A_1554 : i32
      %add3A_1556 = vector.broadcast %add3A_1555 : i32 to vector<16xi32>
      %add3A_1557 = arith.addi %add3A_1556, %iota3A : vector<16xi32>
      %rem3A_1558 = arith.constant 26 : i32
      %rem3A_1559 = vector.broadcast %rem3A_1558 : i32 to vector<16xi32>
      %rem3A_1560 = arith.remsi %add3A_1557, %rem3A_1559 : vector<16xi32>
      %and3A_1561 = arith.constant 255 : i32
      %and3A_1562 = vector.broadcast %and3A_1561 : i32 to vector<16xi32>
      %and3A_1563 = arith.andi %add3A_1557, %and3A_1562 : vector<16xi32>
      %mul3A_1564 = arith.constant 52 : i32
      %mul3A_1565 = vector.broadcast %mul3A_1564 : i32 to vector<16xi32>
      %mul3A_1566 = arith.muli %and3A_1563, %mul3A_1565 : vector<16xi32>
      %get3A_1567 = arith.index_cast %add3A_1554 : i32 to index
      %get3A_1568 = tpu.vector_load %arg5[%get3A_1567] {strides = array<i32>} : memref<13312xi32, #tpu.memory_space<vmem>>, vector<16xi32>,
      %get3A_1569 = vector.shape_cast %get3A_1568 : vector<16xi32> to vector<16xi32>
      %mul3A_1570 = arith.constant 2 : i32
      %mul3A_1571 = vector.broadcast %mul3A_1570 : i32 to vector<16xi32>
      %mul3A_1572 = arith.muli %mul3A_1571, %rem3A_1560 : vector<16xi32>
      %add3A_1573 = arith.addi %get3A_1569, %mul3A_1572 : vector<16xi32>
      %add3A_1574 = arith.addi %add3A_1573, %mul3A_1566 : vector<16xi32>
      %swap3A_1575 = arith.constant 1 : i32
      %swap3A_1576 = arith.index_cast %swap3A_1575 : i32 to index
      %swap3A_1577 = arith.constant 80 : index
      %swap3A_1578 = tpu.vector_load %arg6[%swap3A_1576, %swap3A_1577] {strides = array<i32>} : memref<4x128xi32, #tpu.memory_space<vmem>>, vector<1x16xi32>,
      %swap3A_1579 = vector.shape_cast %swap3A_1578 : vector<1x16xi32> to vector<16xi32>
      %swap3A_1580 = vector.shape_cast %add3A_1574 : vector<16xi32> to vector<1x16xi32>
      tpu.vector_store %arg6[%swap3A_1576, %swap3A_1577], %swap3A_1580 {strides = array<i32>} : memref<4x128xi32, #tpu.memory_space<vmem>>, vector<1x16xi32>,
      %add3A_1581 = arith.constant 96 : i32
      %add3A_1582 = arith.addi %mul3A_1412, %add3A_1581 : i32
      %add3A_1583 = arith.addi %mul3A_2, %add3A_1582 : i32
      %add3A_1584 = vector.broadcast %add3A_1583 : i32 to vector<16xi32>
      %add3A_1585 = arith.addi %add3A_1584, %iota3A : vector<16xi32>
      %rem3A_1586 = arith.constant 26 : i32
      %rem3A_1587 = vector.broadcast %rem3A_1586 : i32 to vector<16xi32>
      %rem3A_1588 = arith.remsi %add3A_1585, %rem3A_1587 : vector<16xi32>
      %and3A_1589 = arith.constant 255 : i32
      %and3A_1590 = vector.broadcast %and3A_1589 : i32 to vector<16xi32>
      %and3A_1591 = arith.andi %add3A_1585, %and3A_1590 : vector<16xi32>
      %mul3A_1592 = arith.constant 52 : i32
      %mul3A_1593 = vector.broadcast %mul3A_1592 : i32 to vector<16xi32>
      %mul3A_1594 = arith.muli %and3A_1591, %mul3A_1593 : vector<16xi32>
      %get3A_1595 = arith.index_cast %add3A_1582 : i32 to index
      %get3A_1596 = tpu.vector_load %arg5[%get3A_1595] {strides = array<i32>} : memref<13312xi32, #tpu.memory_space<vmem>>, vector<16xi32>,
      %get3A_1597 = vector.shape_cast %get3A_1596 : vector<16xi32> to vector<16xi32>
      %mul3A_1598 = arith.constant 2 : i32
      %mul3A_1599 = vector.broadcast %mul3A_1598 : i32 to vector<16xi32>
      %mul3A_1600 = arith.muli %mul3A_1599, %rem3A_1588 : vector<16xi32>
      %add3A_1601 = arith.addi %get3A_1597, %mul3A_1600 : vector<16xi32>
      %add3A_1602 = arith.addi %add3A_1601, %mul3A_1594 : vector<16xi32>
      %swap3A_1603 = arith.constant 1 : i32
      %swap3A_1604 = arith.index_cast %swap3A_1603 : i32 to index
      %swap3A_1605 = arith.constant 96 : index
      %swap3A_1606 = tpu.vector_load %arg6[%swap3A_1604, %swap3A_1605] {strides = array<i32>} : memref<4x128xi32, #tpu.memory_space<vmem>>, vector<1x16xi32>,
      %swap3A_1607 = vector.shape_cast %swap3A_1606 : vector<1x16xi32> to vector<16xi32>
      %swap3A_1608 = vector.shape_cast %add3A_1602 : vector<16xi32> to vector<1x16xi32>
      tpu.vector_store %arg6[%swap3A_1604, %swap3A_1605], %swap3A_1608 {strides = array<i32>} : memref<4x128xi32, #tpu.memory_space<vmem>>, vector<1x16xi32>,
      %add3A_1609 = arith.constant 112 : i32
      %add3A_1610 = arith.addi %mul3A_1412, %add3A_1609 : i32
      %add3A_1611 = arith.addi %mul3A_2, %add3A_1610 : i32
      %add3A_1612 = vector.broadcast %add3A_1611 : i32 to vector<16xi32>
      %add3A_1613 = arith.addi %add3A_1612, %iota3A : vector<16xi32>
      %rem3A_1614 = arith.constant 26 : i32
      %rem3A_1615 = vector.broadcast %rem3A_1614 : i32 to vector<16xi32>
      %rem3A_1616 = arith.remsi %add3A_1613, %rem3A_1615 : vector<16xi32>
      %and3A_1617 = arith.constant 255 : i32
      %and3A_1618 = vector.broadcast %and3A_1617 : i32 to vector<16xi32>
      %and3A_1619 = arith.andi %add3A_1613, %and3A_1618 : vector<16xi32>
      %mul3A_1620 = arith.constant 52 : i32
      %mul3A_1621 = vector.broadcast %mul3A_1620 : i32 to vector<16xi32>
      %mul3A_1622 = arith.muli %and3A_1619, %mul3A_1621 : vector<16xi32>
      %get3A_1623 = arith.index_cast %add3A_1610 : i32 to index
      %get3A_1624 = tpu.vector_load %arg5[%get3A_1623] {strides = array<i32>} : memref<13312xi32, #tpu.memory_space<vmem>>, vector<16xi32>,
      %get3A_1625 = vector.shape_cast %get3A_1624 : vector<16xi32> to vector<16xi32>
      %mul3A_1626 = arith.constant 2 : i32
      %mul3A_1627 = vector.broadcast %mul3A_1626 : i32 to vector<16xi32>
      %mul3A_1628 = arith.muli %mul3A_1627, %rem3A_1616 : vector<16xi32>
      %add3A_1629 = arith.addi %get3A_1625, %mul3A_1628 : vector<16xi32>
      %add3A_1630 = arith.addi %add3A_1629, %mul3A_1622 : vector<16xi32>
      %swap3A_1631 = arith.constant 1 : i32
      %swap3A_1632 = arith.index_cast %swap3A_1631 : i32 to index
      %swap3A_1633 = arith.constant 112 : index
      %swap3A_1634 = tpu.vector_load %arg6[%swap3A_1632, %swap3A_1633] {strides = array<i32>} : memref<4x128xi32, #tpu.memory_space<vmem>>, vector<1x16xi32>,
      %swap3A_1635 = vector.shape_cast %swap3A_1634 : vector<1x16xi32> to vector<16xi32>
      %swap3A_1636 = vector.shape_cast %add3A_1630 : vector<16xi32> to vector<1x16xi32>
      tpu.vector_store %arg6[%swap3A_1632, %swap3A_1633], %swap3A_1636 {strides = array<i32>} : memref<4x128xi32, #tpu.memory_space<vmem>>, vector<1x16xi32>,
      %dma_start3A_1637 = arith.constant 1 : i32
      %dma_start3A_1638 = arith.constant 1 : i32
      %dma_start3A_1639 = arith.constant 0 : i32
      %dma_start3A_1640 = arith.constant 0 : i32
      %dma_start3A_1641 = tpu.memref_slice %arg7[%dma_start3A_1638, %dma_start3A_1639, %dma_start3A_1640] : memref<4x128x128xf32, #tpu.memory_space<vmem>> -> memref<1x128x128xf32, #tpu.memory_space<vmem>>
      %dma_start3A_1642 = tpu.memref_squeeze %dma_start3A_1641 : memref<1x128x128xf32, #tpu.memory_space<vmem>> -> memref<128x128xf32, #tpu.memory_space<vmem>>
      %dma_start3A_1643 = arith.constant 0 : i32
      %dma_start3A_1644 = tpu.memref_slice %arg6[%dma_start3A_1637, %dma_start3A_1643] : memref<4x128xi32, #tpu.memory_space<vmem>> -> memref<1x128xi32, #tpu.memory_space<vmem>>
      %dma_start3A_1645 = tpu.memref_squeeze %dma_start3A_1644 : memref<1x128xi32, #tpu.memory_space<vmem>> -> memref<128xi32, #tpu.memory_space<vmem>>
      %dma_start3A_1646 = arith.constant 0 : i32
      %dma_start3A_1647 = arith.constant 0 : i32
      %dma_start3A_1648 = tpu.memref_slice %arg3[%dma_start3A_1646, %dma_start3A_1647] : memref<13312x128xf32, #tpu.memory_space<hbm>> -> memref<13312x128xf32, #tpu.memory_space<hbm>>
      tpu.enqueue_indirect_dma source(%dma_start3A_1648 : memref<13312x128xf32, #tpu.memory_space<hbm>>) target(%dma_start3A_1642 : memref<128x128xf32, #tpu.memory_space<vmem>>) offsets(%dma_start3A_1645 : memref<128xi32, #tpu.memory_space<vmem>>) semaphore(%arg9 : memref<!tpu.dma_semaphore, #tpu.memory_space<semaphore_mem>>)
      %mul3A_1649 = arith.constant 4 : i32
      %mul3A_1650 = arith.muli %scan3A_1074, %mul3A_1649 : i32
      %add3A_1651 = arith.constant 2 : i32
      %add3A_1652 = arith.addi %add3A_1651, %mul3A_1650 : i32
      %add3A_1653 = arith.constant 2 : i32
      %add3A_1654 = arith.addi %add3A_1652, %add3A_1653 : i32
      %dma_wait3A_1655 = arith.constant 0 : i32
      %dma_wait3A_1656 = arith.constant 0 : i32
      %dma_wait3A_1657 = arith.constant 0 : i32
      %dma_wait3A_1658 = arith.constant 0 : i32
      %dma_wait3A_1659 = tpu.memref_slice %arg7[%dma_wait3A_1656, %dma_wait3A_1657, %dma_wait3A_1658] : memref<4x128x128xf32, #tpu.memory_space<vmem>> -> memref<1x128x128xf32, #tpu.memory_space<vmem>>
      %dma_wait3A_1660 = tpu.memref_squeeze %dma_wait3A_1659 : memref<1x128x128xf32, #tpu.memory_space<vmem>> -> memref<128x128xf32, #tpu.memory_space<vmem>>
      %dma_wait3A_1661 = arith.constant 0 : i32
      %dma_wait3A_1662 = tpu.memref_slice %arg6[%dma_wait3A_1655, %dma_wait3A_1661] : memref<4x128xi32, #tpu.memory_space<vmem>> -> memref<1x128xi32, #tpu.memory_space<vmem>>
      %dma_wait3A_1663 = tpu.memref_squeeze %dma_wait3A_1662 : memref<1x128xi32, #tpu.memory_space<vmem>> -> memref<128xi32, #tpu.memory_space<vmem>>
      %dma_wait3A_1664 = arith.constant 0 : i32
      %dma_wait3A_1665 = arith.constant 0 : i32
      %dma_wait3A_1666 = tpu.memref_slice %arg3[%dma_wait3A_1664, %dma_wait3A_1665] : memref<13312x128xf32, #tpu.memory_space<hbm>> -> memref<13312x128xf32, #tpu.memory_space<hbm>>
      tpu.wait_indirect_dma semaphore(%arg8 : memref<!tpu.dma_semaphore, #tpu.memory_space<semaphore_mem>>) src(%dma_wait3A_1666 : memref<13312x128xf32, #tpu.memory_space<hbm>>) dst(%dma_wait3A_1660 : memref<128x128xf32, #tpu.memory_space<vmem>>)
      %mul3A_1667 = arith.constant 128 : i32
      %mul3A_1668 = arith.muli %add3A_1654, %mul3A_1667 : i32
      %add3A_1669 = arith.addi %mul3A_2, %mul3A_1668 : i32
      %dma_start3A_1670 = arith.constant 0 : i32
      %dma_start3A_1671 = arith.constant 0 : i32
      %dma_start3A_1672 = arith.constant 0 : i32
      %dma_start3A_1673 = tpu.memref_slice %arg7[%dma_start3A_1670, %dma_start3A_1671, %dma_start3A_1672] : memref<4x128x128xf32, #tpu.memory_space<vmem>> -> memref<1x128x128xf32, #tpu.memory_space<vmem>>
      %dma_start3A_1674 = tpu.memref_squeeze %dma_start3A_1673 : memref<1x128x128xf32, #tpu.memory_space<vmem>> -> memref<128x128xf32, #tpu.memory_space<vmem>>
      %dma_start3A_1675 = arith.constant 0 : i32
      %dma_start3A_1676 = tpu.memref_slice %arg4[%add3A_1669, %dma_start3A_1675] : memref<425984x128xf32, #tpu.memory_space<hbm>> -> memref<128x128xf32, #tpu.memory_space<hbm>>
      %dma_start3A_1677 = arith.constant 0 : i32
      %dma_start3A_1678 = tpu.memref_slice %arg4[%add3A_1669, %dma_start3A_1677] : memref<425984x128xf32, #tpu.memory_space<hbm>> -> memref<128x128xf32, #tpu.memory_space<hbm>>
      %dma_start3A_1679 = arith.constant 0 : i32
      %dma_start3A_1680 = arith.constant 0 : i32
      %dma_start3A_1681 = tpu.memref_slice %arg7[%dma_start3A_1670, %dma_start3A_1679, %dma_start3A_1680] : memref<4x128x128xf32, #tpu.memory_space<vmem>> -> memref<1x128x128xf32, #tpu.memory_space<vmem>>
      %dma_start3A_1682 = tpu.memref_squeeze %dma_start3A_1681 : memref<1x128x128xf32, #tpu.memory_space<vmem>> -> memref<128x128xf32, #tpu.memory_space<vmem>>
      tpu.enqueue_dma source(%dma_start3A_1682 : memref<128x128xf32, #tpu.memory_space<vmem>>) target(%dma_start3A_1678 : memref<128x128xf32, #tpu.memory_space<hbm>>) target_semaphore(%arg12 : memref<!tpu.dma_semaphore, #tpu.memory_space<semaphore_mem>>)
      %dma_wait3A_1683 = arith.constant 2 : i32
      %dma_wait3A_1684 = arith.constant 0 : i32
      %dma_wait3A_1685 = arith.constant 0 : i32
      %dma_wait3A_1686 = tpu.memref_slice %arg7[%dma_wait3A_1683, %dma_wait3A_1684, %dma_wait3A_1685] : memref<4x128x128xf32, #tpu.memory_space<vmem>> -> memref<1x128x128xf32, #tpu.memory_space<vmem>>
      %dma_wait3A_1687 = tpu.memref_squeeze %dma_wait3A_1686 : memref<1x128x128xf32, #tpu.memory_space<vmem>> -> memref<128x128xf32, #tpu.memory_space<vmem>>
      %dma_wait3A_1688 = arith.constant 0 : i32
      %dma_wait3A_1689 = tpu.memref_slice %arg4[%mul3A_2, %dma_wait3A_1688] : memref<425984x128xf32, #tpu.memory_space<hbm>> -> memref<128x128xf32, #tpu.memory_space<hbm>>
      %dma_wait3A_1690 = arith.constant 0 : i32
      %dma_wait3A_1691 = tpu.memref_slice %arg4[%mul3A_2, %dma_wait3A_1690] : memref<425984x128xf32, #tpu.memory_space<hbm>> -> memref<128x128xf32, #tpu.memory_space<hbm>>
      %dma_wait3A_1692 = arith.constant 0 : i32
      %dma_wait3A_1693 = arith.constant 0 : i32
      %dma_wait3A_1694 = tpu.memref_slice %arg7[%dma_wait3A_1683, %dma_wait3A_1692, %dma_wait3A_1693] : memref<4x128x128xf32, #tpu.memory_space<vmem>> -> memref<1x128x128xf32, #tpu.memory_space<vmem>>
      %dma_wait3A_1695 = tpu.memref_squeeze %dma_wait3A_1694 : memref<1x128x128xf32, #tpu.memory_space<vmem>> -> memref<128x128xf32, #tpu.memory_space<vmem>>
      tpu.wait_dma2 semaphore(%arg14 : memref<!tpu.dma_semaphore, #tpu.memory_space<semaphore_mem>>) src(%dma_wait3A_1695 : memref<128x128xf32, #tpu.memory_space<vmem>>) dst(%dma_wait3A_1691 : memref<128x128xf32, #tpu.memory_space<hbm>>)
      %add3A_1696 = arith.constant 2 : i32
      %add3A_1697 = arith.addi %add3A_1654, %add3A_1696 : i32
      %mul3A_1698 = arith.constant 128 : i32
      %mul3A_1699 = arith.muli %add3A_1697, %mul3A_1698 : i32
      %add3A_1700 = arith.constant 0 : i32
      %add3A_1701 = arith.addi %mul3A_1699, %add3A_1700 : i32
      %add3A_1702 = arith.addi %mul3A_2, %add3A_1701 : i32
      %add3A_1703 = vector.broadcast %add3A_1702 : i32 to vector<16xi32>
      %add3A_1704 = arith.addi %add3A_1703, %iota3A : vector<16xi32>
      %rem3A_1705 = arith.constant 26 : i32
      %rem3A_1706 = vector.broadcast %rem3A_1705 : i32 to vector<16xi32>
      %rem3A_1707 = arith.remsi %add3A_1704, %rem3A_1706 : vector<16xi32>
      %and3A_1708 = arith.constant 255 : i32
      %and3A_1709 = vector.broadcast %and3A_1708 : i32 to vector<16xi32>
      %and3A_1710 = arith.andi %add3A_1704, %and3A_1709 : vector<16xi32>
      %mul3A_1711 = arith.constant 52 : i32
      %mul3A_1712 = vector.broadcast %mul3A_1711 : i32 to vector<16xi32>
      %mul3A_1713 = arith.muli %and3A_1710, %mul3A_1712 : vector<16xi32>
      %get3A_1714 = arith.index_cast %add3A_1701 : i32 to index
      %get3A_1715 = tpu.vector_load %arg5[%get3A_1714] {strides = array<i32>} : memref<13312xi32, #tpu.memory_space<vmem>>, vector<16xi32>,
      %get3A_1716 = vector.shape_cast %get3A_1715 : vector<16xi32> to vector<16xi32>
      %mul3A_1717 = arith.constant 2 : i32
      %mul3A_1718 = vector.broadcast %mul3A_1717 : i32 to vector<16xi32>
      %mul3A_1719 = arith.muli %mul3A_1718, %rem3A_1707 : vector<16xi32>
      %add3A_1720 = arith.addi %get3A_1716, %mul3A_1719 : vector<16xi32>
      %add3A_1721 = arith.addi %add3A_1720, %mul3A_1713 : vector<16xi32>
      %swap3A_1722 = arith.constant 2 : i32
      %swap3A_1723 = arith.index_cast %swap3A_1722 : i32 to index
      %swap3A_1724 = arith.constant 0 : index
      %swap3A_1725 = tpu.vector_load %arg6[%swap3A_1723, %swap3A_1724] {strides = array<i32>} : memref<4x128xi32, #tpu.memory_space<vmem>>, vector<1x16xi32>,
      %swap3A_1726 = vector.shape_cast %swap3A_1725 : vector<1x16xi32> to vector<16xi32>
      %swap3A_1727 = vector.shape_cast %add3A_1721 : vector<16xi32> to vector<1x16xi32>
      tpu.vector_store %arg6[%swap3A_1723, %swap3A_1724], %swap3A_1727 {strides = array<i32>} : memref<4x128xi32, #tpu.memory_space<vmem>>, vector<1x16xi32>,
      %add3A_1728 = arith.constant 16 : i32
      %add3A_1729 = arith.addi %mul3A_1699, %add3A_1728 : i32
      %add3A_1730 = arith.addi %mul3A_2, %add3A_1729 : i32
      %add3A_1731 = vector.broadcast %add3A_1730 : i32 to vector<16xi32>
      %add3A_1732 = arith.addi %add3A_1731, %iota3A : vector<16xi32>
      %rem3A_1733 = arith.constant 26 : i32
      %rem3A_1734 = vector.broadcast %rem3A_1733 : i32 to vector<16xi32>
      %rem3A_1735 = arith.remsi %add3A_1732, %rem3A_1734 : vector<16xi32>
      %and3A_1736 = arith.constant 255 : i32
      %and3A_1737 = vector.broadcast %and3A_1736 : i32 to vector<16xi32>
      %and3A_1738 = arith.andi %add3A_1732, %and3A_1737 : vector<16xi32>
      %mul3A_1739 = arith.constant 52 : i32
      %mul3A_1740 = vector.broadcast %mul3A_1739 : i32 to vector<16xi32>
      %mul3A_1741 = arith.muli %and3A_1738, %mul3A_1740 : vector<16xi32>
      %get3A_1742 = arith.index_cast %add3A_1729 : i32 to index
      %get3A_1743 = tpu.vector_load %arg5[%get3A_1742] {strides = array<i32>} : memref<13312xi32, #tpu.memory_space<vmem>>, vector<16xi32>,
      %get3A_1744 = vector.shape_cast %get3A_1743 : vector<16xi32> to vector<16xi32>
      %mul3A_1745 = arith.constant 2 : i32
      %mul3A_1746 = vector.broadcast %mul3A_1745 : i32 to vector<16xi32>
      %mul3A_1747 = arith.muli %mul3A_1746, %rem3A_1735 : vector<16xi32>
      %add3A_1748 = arith.addi %get3A_1744, %mul3A_1747 : vector<16xi32>
      %add3A_1749 = arith.addi %add3A_1748, %mul3A_1741 : vector<16xi32>
      %swap3A_1750 = arith.constant 2 : i32
      %swap3A_1751 = arith.index_cast %swap3A_1750 : i32 to index
      %swap3A_1752 = arith.constant 16 : index
      %swap3A_1753 = tpu.vector_load %arg6[%swap3A_1751, %swap3A_1752] {strides = array<i32>} : memref<4x128xi32, #tpu.memory_space<vmem>>, vector<1x16xi32>,
      %swap3A_1754 = vector.shape_cast %swap3A_1753 : vector<1x16xi32> to vector<16xi32>
      %swap3A_1755 = vector.shape_cast %add3A_1749 : vector<16xi32> to vector<1x16xi32>
      tpu.vector_store %arg6[%swap3A_1751, %swap3A_1752], %swap3A_1755 {strides = array<i32>} : memref<4x128xi32, #tpu.memory_space<vmem>>, vector<1x16xi32>,
      %add3A_1756 = arith.constant 32 : i32
      %add3A_1757 = arith.addi %mul3A_1699, %add3A_1756 : i32
      %add3A_1758 = arith.addi %mul3A_2, %add3A_1757 : i32
      %add3A_1759 = vector.broadcast %add3A_1758 : i32 to vector<16xi32>
      %add3A_1760 = arith.addi %add3A_1759, %iota3A : vector<16xi32>
      %rem3A_1761 = arith.constant 26 : i32
      %rem3A_1762 = vector.broadcast %rem3A_1761 : i32 to vector<16xi32>
      %rem3A_1763 = arith.remsi %add3A_1760, %rem3A_1762 : vector<16xi32>
      %and3A_1764 = arith.constant 255 : i32
      %and3A_1765 = vector.broadcast %and3A_1764 : i32 to vector<16xi32>
      %and3A_1766 = arith.andi %add3A_1760, %and3A_1765 : vector<16xi32>
      %mul3A_1767 = arith.constant 52 : i32
      %mul3A_1768 = vector.broadcast %mul3A_1767 : i32 to vector<16xi32>
      %mul3A_1769 = arith.muli %and3A_1766, %mul3A_1768 : vector<16xi32>
      %get3A_1770 = arith.index_cast %add3A_1757 : i32 to index
      %get3A_1771 = tpu.vector_load %arg5[%get3A_1770] {strides = array<i32>} : memref<13312xi32, #tpu.memory_space<vmem>>, vector<16xi32>,
      %get3A_1772 = vector.shape_cast %get3A_1771 : vector<16xi32> to vector<16xi32>
      %mul3A_1773 = arith.constant 2 : i32
      %mul3A_1774 = vector.broadcast %mul3A_1773 : i32 to vector<16xi32>
      %mul3A_1775 = arith.muli %mul3A_1774, %rem3A_1763 : vector<16xi32>
      %add3A_1776 = arith.addi %get3A_1772, %mul3A_1775 : vector<16xi32>
      %add3A_1777 = arith.addi %add3A_1776, %mul3A_1769 : vector<16xi32>
      %swap3A_1778 = arith.constant 2 : i32
      %swap3A_1779 = arith.index_cast %swap3A_1778 : i32 to index
      %swap3A_1780 = arith.constant 32 : index
      %swap3A_1781 = tpu.vector_load %arg6[%swap3A_1779, %swap3A_1780] {strides = array<i32>} : memref<4x128xi32, #tpu.memory_space<vmem>>, vector<1x16xi32>,
      %swap3A_1782 = vector.shape_cast %swap3A_1781 : vector<1x16xi32> to vector<16xi32>
      %swap3A_1783 = vector.shape_cast %add3A_1777 : vector<16xi32> to vector<1x16xi32>
      tpu.vector_store %arg6[%swap3A_1779, %swap3A_1780], %swap3A_1783 {strides = array<i32>} : memref<4x128xi32, #tpu.memory_space<vmem>>, vector<1x16xi32>,
      %add3A_1784 = arith.constant 48 : i32
      %add3A_1785 = arith.addi %mul3A_1699, %add3A_1784 : i32
      %add3A_1786 = arith.addi %mul3A_2, %add3A_1785 : i32
      %add3A_1787 = vector.broadcast %add3A_1786 : i32 to vector<16xi32>
      %add3A_1788 = arith.addi %add3A_1787, %iota3A : vector<16xi32>
      %rem3A_1789 = arith.constant 26 : i32
      %rem3A_1790 = vector.broadcast %rem3A_1789 : i32 to vector<16xi32>
      %rem3A_1791 = arith.remsi %add3A_1788, %rem3A_1790 : vector<16xi32>
      %and3A_1792 = arith.constant 255 : i32
      %and3A_1793 = vector.broadcast %and3A_1792 : i32 to vector<16xi32>
      %and3A_1794 = arith.andi %add3A_1788, %and3A_1793 : vector<16xi32>
      %mul3A_1795 = arith.constant 52 : i32
      %mul3A_1796 = vector.broadcast %mul3A_1795 : i32 to vector<16xi32>
      %mul3A_1797 = arith.muli %and3A_1794, %mul3A_1796 : vector<16xi32>
      %get3A_1798 = arith.index_cast %add3A_1785 : i32 to index
      %get3A_1799 = tpu.vector_load %arg5[%get3A_1798] {strides = array<i32>} : memref<13312xi32, #tpu.memory_space<vmem>>, vector<16xi32>,
      %get3A_1800 = vector.shape_cast %get3A_1799 : vector<16xi32> to vector<16xi32>
      %mul3A_1801 = arith.constant 2 : i32
      %mul3A_1802 = vector.broadcast %mul3A_1801 : i32 to vector<16xi32>
      %mul3A_1803 = arith.muli %mul3A_1802, %rem3A_1791 : vector<16xi32>
      %add3A_1804 = arith.addi %get3A_1800, %mul3A_1803 : vector<16xi32>
      %add3A_1805 = arith.addi %add3A_1804, %mul3A_1797 : vector<16xi32>
      %swap3A_1806 = arith.constant 2 : i32
      %swap3A_1807 = arith.index_cast %swap3A_1806 : i32 to index
      %swap3A_1808 = arith.constant 48 : index
      %swap3A_1809 = tpu.vector_load %arg6[%swap3A_1807, %swap3A_1808] {strides = array<i32>} : memref<4x128xi32, #tpu.memory_space<vmem>>, vector<1x16xi32>,
      %swap3A_1810 = vector.shape_cast %swap3A_1809 : vector<1x16xi32> to vector<16xi32>
      %swap3A_1811 = vector.shape_cast %add3A_1805 : vector<16xi32> to vector<1x16xi32>
      tpu.vector_store %arg6[%swap3A_1807, %swap3A_1808], %swap3A_1811 {strides = array<i32>} : memref<4x128xi32, #tpu.memory_space<vmem>>, vector<1x16xi32>,
      %add3A_1812 = arith.constant 64 : i32
      %add3A_1813 = arith.addi %mul3A_1699, %add3A_1812 : i32
      %add3A_1814 = arith.addi %mul3A_2, %add3A_1813 : i32
      %add3A_1815 = vector.broadcast %add3A_1814 : i32 to vector<16xi32>
      %add3A_1816 = arith.addi %add3A_1815, %iota3A : vector<16xi32>
      %rem3A_1817 = arith.constant 26 : i32
      %rem3A_1818 = vector.broadcast %rem3A_1817 : i32 to vector<16xi32>
      %rem3A_1819 = arith.remsi %add3A_1816, %rem3A_1818 : vector<16xi32>
      %and3A_1820 = arith.constant 255 : i32
      %and3A_1821 = vector.broadcast %and3A_1820 : i32 to vector<16xi32>
      %and3A_1822 = arith.andi %add3A_1816, %and3A_1821 : vector<16xi32>
      %mul3A_1823 = arith.constant 52 : i32
      %mul3A_1824 = vector.broadcast %mul3A_1823 : i32 to vector<16xi32>
      %mul3A_1825 = arith.muli %and3A_1822, %mul3A_1824 : vector<16xi32>
      %get3A_1826 = arith.index_cast %add3A_1813 : i32 to index
      %get3A_1827 = tpu.vector_load %arg5[%get3A_1826] {strides = array<i32>} : memref<13312xi32, #tpu.memory_space<vmem>>, vector<16xi32>,
      %get3A_1828 = vector.shape_cast %get3A_1827 : vector<16xi32> to vector<16xi32>
      %mul3A_1829 = arith.constant 2 : i32
      %mul3A_1830 = vector.broadcast %mul3A_1829 : i32 to vector<16xi32>
      %mul3A_1831 = arith.muli %mul3A_1830, %rem3A_1819 : vector<16xi32>
      %add3A_1832 = arith.addi %get3A_1828, %mul3A_1831 : vector<16xi32>
      %add3A_1833 = arith.addi %add3A_1832, %mul3A_1825 : vector<16xi32>
      %swap3A_1834 = arith.constant 2 : i32
      %swap3A_1835 = arith.index_cast %swap3A_1834 : i32 to index
      %swap3A_1836 = arith.constant 64 : index
      %swap3A_1837 = tpu.vector_load %arg6[%swap3A_1835, %swap3A_1836] {strides = array<i32>} : memref<4x128xi32, #tpu.memory_space<vmem>>, vector<1x16xi32>,
      %swap3A_1838 = vector.shape_cast %swap3A_1837 : vector<1x16xi32> to vector<16xi32>
      %swap3A_1839 = vector.shape_cast %add3A_1833 : vector<16xi32> to vector<1x16xi32>
      tpu.vector_store %arg6[%swap3A_1835, %swap3A_1836], %swap3A_1839 {strides = array<i32>} : memref<4x128xi32, #tpu.memory_space<vmem>>, vector<1x16xi32>,
      %add3A_1840 = arith.constant 80 : i32
      %add3A_1841 = arith.addi %mul3A_1699, %add3A_1840 : i32
      %add3A_1842 = arith.addi %mul3A_2, %add3A_1841 : i32
      %add3A_1843 = vector.broadcast %add3A_1842 : i32 to vector<16xi32>
      %add3A_1844 = arith.addi %add3A_1843, %iota3A : vector<16xi32>
      %rem3A_1845 = arith.constant 26 : i32
      %rem3A_1846 = vector.broadcast %rem3A_1845 : i32 to vector<16xi32>
      %rem3A_1847 = arith.remsi %add3A_1844, %rem3A_1846 : vector<16xi32>
      %and3A_1848 = arith.constant 255 : i32
      %and3A_1849 = vector.broadcast %and3A_1848 : i32 to vector<16xi32>
      %and3A_1850 = arith.andi %add3A_1844, %and3A_1849 : vector<16xi32>
      %mul3A_1851 = arith.constant 52 : i32
      %mul3A_1852 = vector.broadcast %mul3A_1851 : i32 to vector<16xi32>
      %mul3A_1853 = arith.muli %and3A_1850, %mul3A_1852 : vector<16xi32>
      %get3A_1854 = arith.index_cast %add3A_1841 : i32 to index
      %get3A_1855 = tpu.vector_load %arg5[%get3A_1854] {strides = array<i32>} : memref<13312xi32, #tpu.memory_space<vmem>>, vector<16xi32>,
      %get3A_1856 = vector.shape_cast %get3A_1855 : vector<16xi32> to vector<16xi32>
      %mul3A_1857 = arith.constant 2 : i32
      %mul3A_1858 = vector.broadcast %mul3A_1857 : i32 to vector<16xi32>
      %mul3A_1859 = arith.muli %mul3A_1858, %rem3A_1847 : vector<16xi32>
      %add3A_1860 = arith.addi %get3A_1856, %mul3A_1859 : vector<16xi32>
      %add3A_1861 = arith.addi %add3A_1860, %mul3A_1853 : vector<16xi32>
      %swap3A_1862 = arith.constant 2 : i32
      %swap3A_1863 = arith.index_cast %swap3A_1862 : i32 to index
      %swap3A_1864 = arith.constant 80 : index
      %swap3A_1865 = tpu.vector_load %arg6[%swap3A_1863, %swap3A_1864] {strides = array<i32>} : memref<4x128xi32, #tpu.memory_space<vmem>>, vector<1x16xi32>,
      %swap3A_1866 = vector.shape_cast %swap3A_1865 : vector<1x16xi32> to vector<16xi32>
      %swap3A_1867 = vector.shape_cast %add3A_1861 : vector<16xi32> to vector<1x16xi32>
      tpu.vector_store %arg6[%swap3A_1863, %swap3A_1864], %swap3A_1867 {strides = array<i32>} : memref<4x128xi32, #tpu.memory_space<vmem>>, vector<1x16xi32>,
      %add3A_1868 = arith.constant 96 : i32
      %add3A_1869 = arith.addi %mul3A_1699, %add3A_1868 : i32
      %add3A_1870 = arith.addi %mul3A_2, %add3A_1869 : i32
      %add3A_1871 = vector.broadcast %add3A_1870 : i32 to vector<16xi32>
      %add3A_1872 = arith.addi %add3A_1871, %iota3A : vector<16xi32>
      %rem3A_1873 = arith.constant 26 : i32
      %rem3A_1874 = vector.broadcast %rem3A_1873 : i32 to vector<16xi32>
      %rem3A_1875 = arith.remsi %add3A_1872, %rem3A_1874 : vector<16xi32>
      %and3A_1876 = arith.constant 255 : i32
      %and3A_1877 = vector.broadcast %and3A_1876 : i32 to vector<16xi32>
      %and3A_1878 = arith.andi %add3A_1872, %and3A_1877 : vector<16xi32>
      %mul3A_1879 = arith.constant 52 : i32
      %mul3A_1880 = vector.broadcast %mul3A_1879 : i32 to vector<16xi32>
      %mul3A_1881 = arith.muli %and3A_1878, %mul3A_1880 : vector<16xi32>
      %get3A_1882 = arith.index_cast %add3A_1869 : i32 to index
      %get3A_1883 = tpu.vector_load %arg5[%get3A_1882] {strides = array<i32>} : memref<13312xi32, #tpu.memory_space<vmem>>, vector<16xi32>,
      %get3A_1884 = vector.shape_cast %get3A_1883 : vector<16xi32> to vector<16xi32>
      %mul3A_1885 = arith.constant 2 : i32
      %mul3A_1886 = vector.broadcast %mul3A_1885 : i32 to vector<16xi32>
      %mul3A_1887 = arith.muli %mul3A_1886, %rem3A_1875 : vector<16xi32>
      %add3A_1888 = arith.addi %get3A_1884, %mul3A_1887 : vector<16xi32>
      %add3A_1889 = arith.addi %add3A_1888, %mul3A_1881 : vector<16xi32>
      %swap3A_1890 = arith.constant 2 : i32
      %swap3A_1891 = arith.index_cast %swap3A_1890 : i32 to index
      %swap3A_1892 = arith.constant 96 : index
      %swap3A_1893 = tpu.vector_load %arg6[%swap3A_1891, %swap3A_1892] {strides = array<i32>} : memref<4x128xi32, #tpu.memory_space<vmem>>, vector<1x16xi32>,
      %swap3A_1894 = vector.shape_cast %swap3A_1893 : vector<1x16xi32> to vector<16xi32>
      %swap3A_1895 = vector.shape_cast %add3A_1889 : vector<16xi32> to vector<1x16xi32>
      tpu.vector_store %arg6[%swap3A_1891, %swap3A_1892], %swap3A_1895 {strides = array<i32>} : memref<4x128xi32, #tpu.memory_space<vmem>>, vector<1x16xi32>,
      %add3A_1896 = arith.constant 112 : i32
      %add3A_1897 = arith.addi %mul3A_1699, %add3A_1896 : i32
      %add3A_1898 = arith.addi %mul3A_2, %add3A_1897 : i32
      %add3A_1899 = vector.broadcast %add3A_1898 : i32 to vector<16xi32>
      %add3A_1900 = arith.addi %add3A_1899, %iota3A : vector<16xi32>
      %rem3A_1901 = arith.constant 26 : i32
      %rem3A_1902 = vector.broadcast %rem3A_1901 : i32 to vector<16xi32>
      %rem3A_1903 = arith.remsi %add3A_1900, %rem3A_1902 : vector<16xi32>
      %and3A_1904 = arith.constant 255 : i32
      %and3A_1905 = vector.broadcast %and3A_1904 : i32 to vector<16xi32>
      %and3A_1906 = arith.andi %add3A_1900, %and3A_1905 : vector<16xi32>
      %mul3A_1907 = arith.constant 52 : i32
      %mul3A_1908 = vector.broadcast %mul3A_1907 : i32 to vector<16xi32>
      %mul3A_1909 = arith.muli %and3A_1906, %mul3A_1908 : vector<16xi32>
      %get3A_1910 = arith.index_cast %add3A_1897 : i32 to index
      %get3A_1911 = tpu.vector_load %arg5[%get3A_1910] {strides = array<i32>} : memref<13312xi32, #tpu.memory_space<vmem>>, vector<16xi32>,
      %get3A_1912 = vector.shape_cast %get3A_1911 : vector<16xi32> to vector<16xi32>
      %mul3A_1913 = arith.constant 2 : i32
      %mul3A_1914 = vector.broadcast %mul3A_1913 : i32 to vector<16xi32>
      %mul3A_1915 = arith.muli %mul3A_1914, %rem3A_1903 : vector<16xi32>
      %add3A_1916 = arith.addi %get3A_1912, %mul3A_1915 : vector<16xi32>
      %add3A_1917 = arith.addi %add3A_1916, %mul3A_1909 : vector<16xi32>
      %swap3A_1918 = arith.constant 2 : i32
      %swap3A_1919 = arith.index_cast %swap3A_1918 : i32 to index
      %swap3A_1920 = arith.constant 112 : index
      %swap3A_1921 = tpu.vector_load %arg6[%swap3A_1919, %swap3A_1920] {strides = array<i32>} : memref<4x128xi32, #tpu.memory_space<vmem>>, vector<1x16xi32>,
      %swap3A_1922 = vector.shape_cast %swap3A_1921 : vector<1x16xi32> to vector<16xi32>
      %swap3A_1923 = vector.shape_cast %add3A_1917 : vector<16xi32> to vector<1x16xi32>
      tpu.vector_store %arg6[%swap3A_1919, %swap3A_1920], %swap3A_1923 {strides = array<i32>} : memref<4x128xi32, #tpu.memory_space<vmem>>, vector<1x16xi32>,
      %dma_start3A_1924 = arith.constant 2 : i32
      %dma_start3A_1925 = arith.constant 2 : i32
      %dma_start3A_1926 = arith.constant 0 : i32
      %dma_start3A_1927 = arith.constant 0 : i32
      %dma_start3A_1928 = tpu.memref_slice %arg7[%dma_start3A_1925, %dma_start3A_1926, %dma_start3A_1927] : memref<4x128x128xf32, #tpu.memory_space<vmem>> -> memref<1x128x128xf32, #tpu.memory_space<vmem>>
      %dma_start3A_1929 = tpu.memref_squeeze %dma_start3A_1928 : memref<1x128x128xf32, #tpu.memory_space<vmem>> -> memref<128x128xf32, #tpu.memory_space<vmem>>
      %dma_start3A_1930 = arith.constant 0 : i32
      %dma_start3A_1931 = tpu.memref_slice %arg6[%dma_start3A_1924, %dma_start3A_1930] : memref<4x128xi32, #tpu.memory_space<vmem>> -> memref<1x128xi32, #tpu.memory_space<vmem>>
      %dma_start3A_1932 = tpu.memref_squeeze %dma_start3A_1931 : memref<1x128xi32, #tpu.memory_space<vmem>> -> memref<128xi32, #tpu.memory_space<vmem>>
      %dma_start3A_1933 = arith.constant 0 : i32
      %dma_start3A_1934 = arith.constant 0 : i32
      %dma_start3A_1935 = tpu.memref_slice %arg3[%dma_start3A_1933, %dma_start3A_1934] : memref<13312x128xf32, #tpu.memory_space<hbm>> -> memref<13312x128xf32, #tpu.memory_space<hbm>>
      tpu.enqueue_indirect_dma source(%dma_start3A_1935 : memref<13312x128xf32, #tpu.memory_space<hbm>>) target(%dma_start3A_1929 : memref<128x128xf32, #tpu.memory_space<vmem>>) offsets(%dma_start3A_1932 : memref<128xi32, #tpu.memory_space<vmem>>) semaphore(%arg10 : memref<!tpu.dma_semaphore, #tpu.memory_space<semaphore_mem>>)
      %mul3A_1936 = arith.constant 4 : i32
      %mul3A_1937 = arith.muli %scan3A_1074, %mul3A_1936 : i32
      %add3A_1938 = arith.constant 2 : i32
      %add3A_1939 = arith.addi %add3A_1938, %mul3A_1937 : i32
      %add3A_1940 = arith.constant 3 : i32
      %add3A_1941 = arith.addi %add3A_1939, %add3A_1940 : i32
      %dma_wait3A_1942 = arith.constant 1 : i32
      %dma_wait3A_1943 = arith.constant 1 : i32
      %dma_wait3A_1944 = arith.constant 0 : i32
      %dma_wait3A_1945 = arith.constant 0 : i32
      %dma_wait3A_1946 = tpu.memref_slice %arg7[%dma_wait3A_1943, %dma_wait3A_1944, %dma_wait3A_1945] : memref<4x128x128xf32, #tpu.memory_space<vmem>> -> memref<1x128x128xf32, #tpu.memory_space<vmem>>
      %dma_wait3A_1947 = tpu.memref_squeeze %dma_wait3A_1946 : memref<1x128x128xf32, #tpu.memory_space<vmem>> -> memref<128x128xf32, #tpu.memory_space<vmem>>
      %dma_wait3A_1948 = arith.constant 0 : i32
      %dma_wait3A_1949 = tpu.memref_slice %arg6[%dma_wait3A_1942, %dma_wait3A_1948] : memref<4x128xi32, #tpu.memory_space<vmem>> -> memref<1x128xi32, #tpu.memory_space<vmem>>
      %dma_wait3A_1950 = tpu.memref_squeeze %dma_wait3A_1949 : memref<1x128xi32, #tpu.memory_space<vmem>> -> memref<128xi32, #tpu.memory_space<vmem>>
      %dma_wait3A_1951 = arith.constant 0 : i32
      %dma_wait3A_1952 = arith.constant 0 : i32
      %dma_wait3A_1953 = tpu.memref_slice %arg3[%dma_wait3A_1951, %dma_wait3A_1952] : memref<13312x128xf32, #tpu.memory_space<hbm>> -> memref<13312x128xf32, #tpu.memory_space<hbm>>
      tpu.wait_indirect_dma semaphore(%arg9 : memref<!tpu.dma_semaphore, #tpu.memory_space<semaphore_mem>>) src(%dma_wait3A_1953 : memref<13312x128xf32, #tpu.memory_space<hbm>>) dst(%dma_wait3A_1947 : memref<128x128xf32, #tpu.memory_space<vmem>>)
      %mul3A_1954 = arith.constant 128 : i32
      %mul3A_1955 = arith.muli %add3A_1941, %mul3A_1954 : i32
      %add3A_1956 = arith.addi %mul3A_2, %mul3A_1955 : i32
      %dma_start3A_1957 = arith.constant 1 : i32
      %dma_start3A_1958 = arith.constant 0 : i32
      %dma_start3A_1959 = arith.constant 0 : i32
      %dma_start3A_1960 = tpu.memref_slice %arg7[%dma_start3A_1957, %dma_start3A_1958, %dma_start3A_1959] : memref<4x128x128xf32, #tpu.memory_space<vmem>> -> memref<1x128x128xf32, #tpu.memory_space<vmem>>
      %dma_start3A_1961 = tpu.memref_squeeze %dma_start3A_1960 : memref<1x128x128xf32, #tpu.memory_space<vmem>> -> memref<128x128xf32, #tpu.memory_space<vmem>>
      %dma_start3A_1962 = arith.constant 0 : i32
      %dma_start3A_1963 = tpu.memref_slice %arg4[%add3A_1956, %dma_start3A_1962] : memref<425984x128xf32, #tpu.memory_space<hbm>> -> memref<128x128xf32, #tpu.memory_space<hbm>>
      %dma_start3A_1964 = arith.constant 0 : i32
      %dma_start3A_1965 = tpu.memref_slice %arg4[%add3A_1956, %dma_start3A_1964] : memref<425984x128xf32, #tpu.memory_space<hbm>> -> memref<128x128xf32, #tpu.memory_space<hbm>>
      %dma_start3A_1966 = arith.constant 0 : i32
      %dma_start3A_1967 = arith.constant 0 : i32
      %dma_start3A_1968 = tpu.memref_slice %arg7[%dma_start3A_1957, %dma_start3A_1966, %dma_start3A_1967] : memref<4x128x128xf32, #tpu.memory_space<vmem>> -> memref<1x128x128xf32, #tpu.memory_space<vmem>>
      %dma_start3A_1969 = tpu.memref_squeeze %dma_start3A_1968 : memref<1x128x128xf32, #tpu.memory_space<vmem>> -> memref<128x128xf32, #tpu.memory_space<vmem>>
      tpu.enqueue_dma source(%dma_start3A_1969 : memref<128x128xf32, #tpu.memory_space<vmem>>) target(%dma_start3A_1965 : memref<128x128xf32, #tpu.memory_space<hbm>>) target_semaphore(%arg13 : memref<!tpu.dma_semaphore, #tpu.memory_space<semaphore_mem>>)
      %dma_wait3A_1970 = arith.constant 3 : i32
      %dma_wait3A_1971 = arith.constant 0 : i32
      %dma_wait3A_1972 = arith.constant 0 : i32
      %dma_wait3A_1973 = tpu.memref_slice %arg7[%dma_wait3A_1970, %dma_wait3A_1971, %dma_wait3A_1972] : memref<4x128x128xf32, #tpu.memory_space<vmem>> -> memref<1x128x128xf32, #tpu.memory_space<vmem>>
      %dma_wait3A_1974 = tpu.memref_squeeze %dma_wait3A_1973 : memref<1x128x128xf32, #tpu.memory_space<vmem>> -> memref<128x128xf32, #tpu.memory_space<vmem>>
      %dma_wait3A_1975 = arith.constant 0 : i32
      %dma_wait3A_1976 = tpu.memref_slice %arg4[%mul3A_2, %dma_wait3A_1975] : memref<425984x128xf32, #tpu.memory_space<hbm>> -> memref<128x128xf32, #tpu.memory_space<hbm>>
      %dma_wait3A_1977 = arith.constant 0 : i32
      %dma_wait3A_1978 = tpu.memref_slice %arg4[%mul3A_2, %dma_wait3A_1977] : memref<425984x128xf32, #tpu.memory_space<hbm>> -> memref<128x128xf32, #tpu.memory_space<hbm>>
      %dma_wait3A_1979 = arith.constant 0 : i32
      %dma_wait3A_1980 = arith.constant 0 : i32
      %dma_wait3A_1981 = tpu.memref_slice %arg7[%dma_wait3A_1970, %dma_wait3A_1979, %dma_wait3A_1980] : memref<4x128x128xf32, #tpu.memory_space<vmem>> -> memref<1x128x128xf32, #tpu.memory_space<vmem>>
      %dma_wait3A_1982 = tpu.memref_squeeze %dma_wait3A_1981 : memref<1x128x128xf32, #tpu.memory_space<vmem>> -> memref<128x128xf32, #tpu.memory_space<vmem>>
      tpu.wait_dma2 semaphore(%arg15 : memref<!tpu.dma_semaphore, #tpu.memory_space<semaphore_mem>>) src(%dma_wait3A_1982 : memref<128x128xf32, #tpu.memory_space<vmem>>) dst(%dma_wait3A_1978 : memref<128x128xf32, #tpu.memory_space<hbm>>)
      %add3A_1983 = arith.constant 2 : i32
      %add3A_1984 = arith.addi %add3A_1941, %add3A_1983 : i32
      %mul3A_1985 = arith.constant 128 : i32
      %mul3A_1986 = arith.muli %add3A_1984, %mul3A_1985 : i32
      %add3A_1987 = arith.constant 0 : i32
      %add3A_1988 = arith.addi %mul3A_1986, %add3A_1987 : i32
      %add3A_1989 = arith.addi %mul3A_2, %add3A_1988 : i32
      %add3A_1990 = vector.broadcast %add3A_1989 : i32 to vector<16xi32>
      %add3A_1991 = arith.addi %add3A_1990, %iota3A : vector<16xi32>
      %rem3A_1992 = arith.constant 26 : i32
      %rem3A_1993 = vector.broadcast %rem3A_1992 : i32 to vector<16xi32>
      %rem3A_1994 = arith.remsi %add3A_1991, %rem3A_1993 : vector<16xi32>
      %and3A_1995 = arith.constant 255 : i32
      %and3A_1996 = vector.broadcast %and3A_1995 : i32 to vector<16xi32>
      %and3A_1997 = arith.andi %add3A_1991, %and3A_1996 : vector<16xi32>
      %mul3A_1998 = arith.constant 52 : i32
      %mul3A_1999 = vector.broadcast %mul3A_1998 : i32 to vector<16xi32>
      %mul3A_2000 = arith.muli %and3A_1997, %mul3A_1999 : vector<16xi32>
      %get3A_2001 = arith.index_cast %add3A_1988 : i32 to index
      %get3A_2002 = tpu.vector_load %arg5[%get3A_2001] {strides = array<i32>} : memref<13312xi32, #tpu.memory_space<vmem>>, vector<16xi32>,
      %get3A_2003 = vector.shape_cast %get3A_2002 : vector<16xi32> to vector<16xi32>
      %mul3A_2004 = arith.constant 2 : i32
      %mul3A_2005 = vector.broadcast %mul3A_2004 : i32 to vector<16xi32>
      %mul3A_2006 = arith.muli %mul3A_2005, %rem3A_1994 : vector<16xi32>
      %add3A_2007 = arith.addi %get3A_2003, %mul3A_2006 : vector<16xi32>
      %add3A_2008 = arith.addi %add3A_2007, %mul3A_2000 : vector<16xi32>
      %swap3A_2009 = arith.constant 3 : i32
      %swap3A_2010 = arith.index_cast %swap3A_2009 : i32 to index
      %swap3A_2011 = arith.constant 0 : index
      %swap3A_2012 = tpu.vector_load %arg6[%swap3A_2010, %swap3A_2011] {strides = array<i32>} : memref<4x128xi32, #tpu.memory_space<vmem>>, vector<1x16xi32>,
      %swap3A_2013 = vector.shape_cast %swap3A_2012 : vector<1x16xi32> to vector<16xi32>
      %swap3A_2014 = vector.shape_cast %add3A_2008 : vector<16xi32> to vector<1x16xi32>
      tpu.vector_store %arg6[%swap3A_2010, %swap3A_2011], %swap3A_2014 {strides = array<i32>} : memref<4x128xi32, #tpu.memory_space<vmem>>, vector<1x16xi32>,
      %add3A_2015 = arith.constant 16 : i32
      %add3A_2016 = arith.addi %mul3A_1986, %add3A_2015 : i32
      %add3A_2017 = arith.addi %mul3A_2, %add3A_2016 : i32
      %add3A_2018 = vector.broadcast %add3A_2017 : i32 to vector<16xi32>
      %add3A_2019 = arith.addi %add3A_2018, %iota3A : vector<16xi32>
      %rem3A_2020 = arith.constant 26 : i32
      %rem3A_2021 = vector.broadcast %rem3A_2020 : i32 to vector<16xi32>
      %rem3A_2022 = arith.remsi %add3A_2019, %rem3A_2021 : vector<16xi32>
      %and3A_2023 = arith.constant 255 : i32
      %and3A_2024 = vector.broadcast %and3A_2023 : i32 to vector<16xi32>
      %and3A_2025 = arith.andi %add3A_2019, %and3A_2024 : vector<16xi32>
      %mul3A_2026 = arith.constant 52 : i32
      %mul3A_2027 = vector.broadcast %mul3A_2026 : i32 to vector<16xi32>
      %mul3A_2028 = arith.muli %and3A_2025, %mul3A_2027 : vector<16xi32>
      %get3A_2029 = arith.index_cast %add3A_2016 : i32 to index
      %get3A_2030 = tpu.vector_load %arg5[%get3A_2029] {strides = array<i32>} : memref<13312xi32, #tpu.memory_space<vmem>>, vector<16xi32>,
      %get3A_2031 = vector.shape_cast %get3A_2030 : vector<16xi32> to vector<16xi32>
      %mul3A_2032 = arith.constant 2 : i32
      %mul3A_2033 = vector.broadcast %mul3A_2032 : i32 to vector<16xi32>
      %mul3A_2034 = arith.muli %mul3A_2033, %rem3A_2022 : vector<16xi32>
      %add3A_2035 = arith.addi %get3A_2031, %mul3A_2034 : vector<16xi32>
      %add3A_2036 = arith.addi %add3A_2035, %mul3A_2028 : vector<16xi32>
      %swap3A_2037 = arith.constant 3 : i32
      %swap3A_2038 = arith.index_cast %swap3A_2037 : i32 to index
      %swap3A_2039 = arith.constant 16 : index
      %swap3A_2040 = tpu.vector_load %arg6[%swap3A_2038, %swap3A_2039] {strides = array<i32>} : memref<4x128xi32, #tpu.memory_space<vmem>>, vector<1x16xi32>,
      %swap3A_2041 = vector.shape_cast %swap3A_2040 : vector<1x16xi32> to vector<16xi32>
      %swap3A_2042 = vector.shape_cast %add3A_2036 : vector<16xi32> to vector<1x16xi32>
      tpu.vector_store %arg6[%swap3A_2038, %swap3A_2039], %swap3A_2042 {strides = array<i32>} : memref<4x128xi32, #tpu.memory_space<vmem>>, vector<1x16xi32>,
      %add3A_2043 = arith.constant 32 : i32
      %add3A_2044 = arith.addi %mul3A_1986, %add3A_2043 : i32
      %add3A_2045 = arith.addi %mul3A_2, %add3A_2044 : i32
      %add3A_2046 = vector.broadcast %add3A_2045 : i32 to vector<16xi32>
      %add3A_2047 = arith.addi %add3A_2046, %iota3A : vector<16xi32>
      %rem3A_2048 = arith.constant 26 : i32
      %rem3A_2049 = vector.broadcast %rem3A_2048 : i32 to vector<16xi32>
      %rem3A_2050 = arith.remsi %add3A_2047, %rem3A_2049 : vector<16xi32>
      %and3A_2051 = arith.constant 255 : i32
      %and3A_2052 = vector.broadcast %and3A_2051 : i32 to vector<16xi32>
      %and3A_2053 = arith.andi %add3A_2047, %and3A_2052 : vector<16xi32>
      %mul3A_2054 = arith.constant 52 : i32
      %mul3A_2055 = vector.broadcast %mul3A_2054 : i32 to vector<16xi32>
      %mul3A_2056 = arith.muli %and3A_2053, %mul3A_2055 : vector<16xi32>
      %get3A_2057 = arith.index_cast %add3A_2044 : i32 to index
      %get3A_2058 = tpu.vector_load %arg5[%get3A_2057] {strides = array<i32>} : memref<13312xi32, #tpu.memory_space<vmem>>, vector<16xi32>,
      %get3A_2059 = vector.shape_cast %get3A_2058 : vector<16xi32> to vector<16xi32>
      %mul3A_2060 = arith.constant 2 : i32
      %mul3A_2061 = vector.broadcast %mul3A_2060 : i32 to vector<16xi32>
      %mul3A_2062 = arith.muli %mul3A_2061, %rem3A_2050 : vector<16xi32>
      %add3A_2063 = arith.addi %get3A_2059, %mul3A_2062 : vector<16xi32>
      %add3A_2064 = arith.addi %add3A_2063, %mul3A_2056 : vector<16xi32>
      %swap3A_2065 = arith.constant 3 : i32
      %swap3A_2066 = arith.index_cast %swap3A_2065 : i32 to index
      %swap3A_2067 = arith.constant 32 : index
      %swap3A_2068 = tpu.vector_load %arg6[%swap3A_2066, %swap3A_2067] {strides = array<i32>} : memref<4x128xi32, #tpu.memory_space<vmem>>, vector<1x16xi32>,
      %swap3A_2069 = vector.shape_cast %swap3A_2068 : vector<1x16xi32> to vector<16xi32>
      %swap3A_2070 = vector.shape_cast %add3A_2064 : vector<16xi32> to vector<1x16xi32>
      tpu.vector_store %arg6[%swap3A_2066, %swap3A_2067], %swap3A_2070 {strides = array<i32>} : memref<4x128xi32, #tpu.memory_space<vmem>>, vector<1x16xi32>,
      %add3A_2071 = arith.constant 48 : i32
      %add3A_2072 = arith.addi %mul3A_1986, %add3A_2071 : i32
      %add3A_2073 = arith.addi %mul3A_2, %add3A_2072 : i32
      %add3A_2074 = vector.broadcast %add3A_2073 : i32 to vector<16xi32>
      %add3A_2075 = arith.addi %add3A_2074, %iota3A : vector<16xi32>
      %rem3A_2076 = arith.constant 26 : i32
      %rem3A_2077 = vector.broadcast %rem3A_2076 : i32 to vector<16xi32>
      %rem3A_2078 = arith.remsi %add3A_2075, %rem3A_2077 : vector<16xi32>
      %and3A_2079 = arith.constant 255 : i32
      %and3A_2080 = vector.broadcast %and3A_2079 : i32 to vector<16xi32>
      %and3A_2081 = arith.andi %add3A_2075, %and3A_2080 : vector<16xi32>
      %mul3A_2082 = arith.constant 52 : i32
      %mul3A_2083 = vector.broadcast %mul3A_2082 : i32 to vector<16xi32>
      %mul3A_2084 = arith.muli %and3A_2081, %mul3A_2083 : vector<16xi32>
      %get3A_2085 = arith.index_cast %add3A_2072 : i32 to index
      %get3A_2086 = tpu.vector_load %arg5[%get3A_2085] {strides = array<i32>} : memref<13312xi32, #tpu.memory_space<vmem>>, vector<16xi32>,
      %get3A_2087 = vector.shape_cast %get3A_2086 : vector<16xi32> to vector<16xi32>
      %mul3A_2088 = arith.constant 2 : i32
      %mul3A_2089 = vector.broadcast %mul3A_2088 : i32 to vector<16xi32>
      %mul3A_2090 = arith.muli %mul3A_2089, %rem3A_2078 : vector<16xi32>
      %add3A_2091 = arith.addi %get3A_2087, %mul3A_2090 : vector<16xi32>
      %add3A_2092 = arith.addi %add3A_2091, %mul3A_2084 : vector<16xi32>
      %swap3A_2093 = arith.constant 3 : i32
      %swap3A_2094 = arith.index_cast %swap3A_2093 : i32 to index
      %swap3A_2095 = arith.constant 48 : index
      %swap3A_2096 = tpu.vector_load %arg6[%swap3A_2094, %swap3A_2095] {strides = array<i32>} : memref<4x128xi32, #tpu.memory_space<vmem>>, vector<1x16xi32>,
      %swap3A_2097 = vector.shape_cast %swap3A_2096 : vector<1x16xi32> to vector<16xi32>
      %swap3A_2098 = vector.shape_cast %add3A_2092 : vector<16xi32> to vector<1x16xi32>
      tpu.vector_store %arg6[%swap3A_2094, %swap3A_2095], %swap3A_2098 {strides = array<i32>} : memref<4x128xi32, #tpu.memory_space<vmem>>, vector<1x16xi32>,
      %add3A_2099 = arith.constant 64 : i32
      %add3A_2100 = arith.addi %mul3A_1986, %add3A_2099 : i32
      %add3A_2101 = arith.addi %mul3A_2, %add3A_2100 : i32
      %add3A_2102 = vector.broadcast %add3A_2101 : i32 to vector<16xi32>
      %add3A_2103 = arith.addi %add3A_2102, %iota3A : vector<16xi32>
      %rem3A_2104 = arith.constant 26 : i32
      %rem3A_2105 = vector.broadcast %rem3A_2104 : i32 to vector<16xi32>
      %rem3A_2106 = arith.remsi %add3A_2103, %rem3A_2105 : vector<16xi32>
      %and3A_2107 = arith.constant 255 : i32
      %and3A_2108 = vector.broadcast %and3A_2107 : i32 to vector<16xi32>
      %and3A_2109 = arith.andi %add3A_2103, %and3A_2108 : vector<16xi32>
      %mul3A_2110 = arith.constant 52 : i32
      %mul3A_2111 = vector.broadcast %mul3A_2110 : i32 to vector<16xi32>
      %mul3A_2112 = arith.muli %and3A_2109, %mul3A_2111 : vector<16xi32>
      %get3A_2113 = arith.index_cast %add3A_2100 : i32 to index
      %get3A_2114 = tpu.vector_load %arg5[%get3A_2113] {strides = array<i32>} : memref<13312xi32, #tpu.memory_space<vmem>>, vector<16xi32>,
      %get3A_2115 = vector.shape_cast %get3A_2114 : vector<16xi32> to vector<16xi32>
      %mul3A_2116 = arith.constant 2 : i32
      %mul3A_2117 = vector.broadcast %mul3A_2116 : i32 to vector<16xi32>
      %mul3A_2118 = arith.muli %mul3A_2117, %rem3A_2106 : vector<16xi32>
      %add3A_2119 = arith.addi %get3A_2115, %mul3A_2118 : vector<16xi32>
      %add3A_2120 = arith.addi %add3A_2119, %mul3A_2112 : vector<16xi32>
      %swap3A_2121 = arith.constant 3 : i32
      %swap3A_2122 = arith.index_cast %swap3A_2121 : i32 to index
      %swap3A_2123 = arith.constant 64 : index
      %swap3A_2124 = tpu.vector_load %arg6[%swap3A_2122, %swap3A_2123] {strides = array<i32>} : memref<4x128xi32, #tpu.memory_space<vmem>>, vector<1x16xi32>,
      %swap3A_2125 = vector.shape_cast %swap3A_2124 : vector<1x16xi32> to vector<16xi32>
      %swap3A_2126 = vector.shape_cast %add3A_2120 : vector<16xi32> to vector<1x16xi32>
      tpu.vector_store %arg6[%swap3A_2122, %swap3A_2123], %swap3A_2126 {strides = array<i32>} : memref<4x128xi32, #tpu.memory_space<vmem>>, vector<1x16xi32>,
      %add3A_2127 = arith.constant 80 : i32
      %add3A_2128 = arith.addi %mul3A_1986, %add3A_2127 : i32
      %add3A_2129 = arith.addi %mul3A_2, %add3A_2128 : i32
      %add3A_2130 = vector.broadcast %add3A_2129 : i32 to vector<16xi32>
      %add3A_2131 = arith.addi %add3A_2130, %iota3A : vector<16xi32>
      %rem3A_2132 = arith.constant 26 : i32
      %rem3A_2133 = vector.broadcast %rem3A_2132 : i32 to vector<16xi32>
      %rem3A_2134 = arith.remsi %add3A_2131, %rem3A_2133 : vector<16xi32>
      %and3A_2135 = arith.constant 255 : i32
      %and3A_2136 = vector.broadcast %and3A_2135 : i32 to vector<16xi32>
      %and3A_2137 = arith.andi %add3A_2131, %and3A_2136 : vector<16xi32>
      %mul3A_2138 = arith.constant 52 : i32
      %mul3A_2139 = vector.broadcast %mul3A_2138 : i32 to vector<16xi32>
      %mul3A_2140 = arith.muli %and3A_2137, %mul3A_2139 : vector<16xi32>
      %get3A_2141 = arith.index_cast %add3A_2128 : i32 to index
      %get3A_2142 = tpu.vector_load %arg5[%get3A_2141] {strides = array<i32>} : memref<13312xi32, #tpu.memory_space<vmem>>, vector<16xi32>,
      %get3A_2143 = vector.shape_cast %get3A_2142 : vector<16xi32> to vector<16xi32>
      %mul3A_2144 = arith.constant 2 : i32
      %mul3A_2145 = vector.broadcast %mul3A_2144 : i32 to vector<16xi32>
      %mul3A_2146 = arith.muli %mul3A_2145, %rem3A_2134 : vector<16xi32>
      %add3A_2147 = arith.addi %get3A_2143, %mul3A_2146 : vector<16xi32>
      %add3A_2148 = arith.addi %add3A_2147, %mul3A_2140 : vector<16xi32>
      %swap3A_2149 = arith.constant 3 : i32
      %swap3A_2150 = arith.index_cast %swap3A_2149 : i32 to index
      %swap3A_2151 = arith.constant 80 : index
      %swap3A_2152 = tpu.vector_load %arg6[%swap3A_2150, %swap3A_2151] {strides = array<i32>} : memref<4x128xi32, #tpu.memory_space<vmem>>, vector<1x16xi32>,
      %swap3A_2153 = vector.shape_cast %swap3A_2152 : vector<1x16xi32> to vector<16xi32>
      %swap3A_2154 = vector.shape_cast %add3A_2148 : vector<16xi32> to vector<1x16xi32>
      tpu.vector_store %arg6[%swap3A_2150, %swap3A_2151], %swap3A_2154 {strides = array<i32>} : memref<4x128xi32, #tpu.memory_space<vmem>>, vector<1x16xi32>,
      %add3A_2155 = arith.constant 96 : i32
      %add3A_2156 = arith.addi %mul3A_1986, %add3A_2155 : i32
      %add3A_2157 = arith.addi %mul3A_2, %add3A_2156 : i32
      %add3A_2158 = vector.broadcast %add3A_2157 : i32 to vector<16xi32>
      %add3A_2159 = arith.addi %add3A_2158, %iota3A : vector<16xi32>
      %rem3A_2160 = arith.constant 26 : i32
      %rem3A_2161 = vector.broadcast %rem3A_2160 : i32 to vector<16xi32>
      %rem3A_2162 = arith.remsi %add3A_2159, %rem3A_2161 : vector<16xi32>
      %and3A_2163 = arith.constant 255 : i32
      %and3A_2164 = vector.broadcast %and3A_2163 : i32 to vector<16xi32>
      %and3A_2165 = arith.andi %add3A_2159, %and3A_2164 : vector<16xi32>
      %mul3A_2166 = arith.constant 52 : i32
      %mul3A_2167 = vector.broadcast %mul3A_2166 : i32 to vector<16xi32>
      %mul3A_2168 = arith.muli %and3A_2165, %mul3A_2167 : vector<16xi32>
      %get3A_2169 = arith.index_cast %add3A_2156 : i32 to index
      %get3A_2170 = tpu.vector_load %arg5[%get3A_2169] {strides = array<i32>} : memref<13312xi32, #tpu.memory_space<vmem>>, vector<16xi32>,
      %get3A_2171 = vector.shape_cast %get3A_2170 : vector<16xi32> to vector<16xi32>
      %mul3A_2172 = arith.constant 2 : i32
      %mul3A_2173 = vector.broadcast %mul3A_2172 : i32 to vector<16xi32>
      %mul3A_2174 = arith.muli %mul3A_2173, %rem3A_2162 : vector<16xi32>
      %add3A_2175 = arith.addi %get3A_2171, %mul3A_2174 : vector<16xi32>
      %add3A_2176 = arith.addi %add3A_2175, %mul3A_2168 : vector<16xi32>
      %swap3A_2177 = arith.constant 3 : i32
      %swap3A_2178 = arith.index_cast %swap3A_2177 : i32 to index
      %swap3A_2179 = arith.constant 96 : index
      %swap3A_2180 = tpu.vector_load %arg6[%swap3A_2178, %swap3A_2179] {strides = array<i32>} : memref<4x128xi32, #tpu.memory_space<vmem>>, vector<1x16xi32>,
      %swap3A_2181 = vector.shape_cast %swap3A_2180 : vector<1x16xi32> to vector<16xi32>
      %swap3A_2182 = vector.shape_cast %add3A_2176 : vector<16xi32> to vector<1x16xi32>
      tpu.vector_store %arg6[%swap3A_2178, %swap3A_2179], %swap3A_2182 {strides = array<i32>} : memref<4x128xi32, #tpu.memory_space<vmem>>, vector<1x16xi32>,
      %add3A_2183 = arith.constant 112 : i32
      %add3A_2184 = arith.addi %mul3A_1986, %add3A_2183 : i32
      %add3A_2185 = arith.addi %mul3A_2, %add3A_2184 : i32
      %add3A_2186 = vector.broadcast %add3A_2185 : i32 to vector<16xi32>
      %add3A_2187 = arith.addi %add3A_2186, %iota3A : vector<16xi32>
      %rem3A_2188 = arith.constant 26 : i32
      %rem3A_2189 = vector.broadcast %rem3A_2188 : i32 to vector<16xi32>
      %rem3A_2190 = arith.remsi %add3A_2187, %rem3A_2189 : vector<16xi32>
      %and3A_2191 = arith.constant 255 : i32
      %and3A_2192 = vector.broadcast %and3A_2191 : i32 to vector<16xi32>
      %and3A_2193 = arith.andi %add3A_2187, %and3A_2192 : vector<16xi32>
      %mul3A_2194 = arith.constant 52 : i32
      %mul3A_2195 = vector.broadcast %mul3A_2194 : i32 to vector<16xi32>
      %mul3A_2196 = arith.muli %and3A_2193, %mul3A_2195 : vector<16xi32>
      %get3A_2197 = arith.index_cast %add3A_2184 : i32 to index
      %get3A_2198 = tpu.vector_load %arg5[%get3A_2197] {strides = array<i32>} : memref<13312xi32, #tpu.memory_space<vmem>>, vector<16xi32>,
      %get3A_2199 = vector.shape_cast %get3A_2198 : vector<16xi32> to vector<16xi32>
      %mul3A_2200 = arith.constant 2 : i32
      %mul3A_2201 = vector.broadcast %mul3A_2200 : i32 to vector<16xi32>
      %mul3A_2202 = arith.muli %mul3A_2201, %rem3A_2190 : vector<16xi32>
      %add3A_2203 = arith.addi %get3A_2199, %mul3A_2202 : vector<16xi32>
      %add3A_2204 = arith.addi %add3A_2203, %mul3A_2196 : vector<16xi32>
      %swap3A_2205 = arith.constant 3 : i32
      %swap3A_2206 = arith.index_cast %swap3A_2205 : i32 to index
      %swap3A_2207 = arith.constant 112 : index
      %swap3A_2208 = tpu.vector_load %arg6[%swap3A_2206, %swap3A_2207] {strides = array<i32>} : memref<4x128xi32, #tpu.memory_space<vmem>>, vector<1x16xi32>,
      %swap3A_2209 = vector.shape_cast %swap3A_2208 : vector<1x16xi32> to vector<16xi32>
      %swap3A_2210 = vector.shape_cast %add3A_2204 : vector<16xi32> to vector<1x16xi32>
      tpu.vector_store %arg6[%swap3A_2206, %swap3A_2207], %swap3A_2210 {strides = array<i32>} : memref<4x128xi32, #tpu.memory_space<vmem>>, vector<1x16xi32>,
      %dma_start3A_2211 = arith.constant 3 : i32
      %dma_start3A_2212 = arith.constant 3 : i32
      %dma_start3A_2213 = arith.constant 0 : i32
      %dma_start3A_2214 = arith.constant 0 : i32
      %dma_start3A_2215 = tpu.memref_slice %arg7[%dma_start3A_2212, %dma_start3A_2213, %dma_start3A_2214] : memref<4x128x128xf32, #tpu.memory_space<vmem>> -> memref<1x128x128xf32, #tpu.memory_space<vmem>>
      %dma_start3A_2216 = tpu.memref_squeeze %dma_start3A_2215 : memref<1x128x128xf32, #tpu.memory_space<vmem>> -> memref<128x128xf32, #tpu.memory_space<vmem>>
      %dma_start3A_2217 = arith.constant 0 : i32
      %dma_start3A_2218 = tpu.memref_slice %arg6[%dma_start3A_2211, %dma_start3A_2217] : memref<4x128xi32, #tpu.memory_space<vmem>> -> memref<1x128xi32, #tpu.memory_space<vmem>>
      %dma_start3A_2219 = tpu.memref_squeeze %dma_start3A_2218 : memref<1x128xi32, #tpu.memory_space<vmem>> -> memref<128xi32, #tpu.memory_space<vmem>>
      %dma_start3A_2220 = arith.constant 0 : i32
      %dma_start3A_2221 = arith.constant 0 : i32
      %dma_start3A_2222 = tpu.memref_slice %arg3[%dma_start3A_2220, %dma_start3A_2221] : memref<13312x128xf32, #tpu.memory_space<hbm>> -> memref<13312x128xf32, #tpu.memory_space<hbm>>
      tpu.enqueue_indirect_dma source(%dma_start3A_2222 : memref<13312x128xf32, #tpu.memory_space<hbm>>) target(%dma_start3A_2216 : memref<128x128xf32, #tpu.memory_space<vmem>>) offsets(%dma_start3A_2219 : memref<128xi32, #tpu.memory_space<vmem>>) semaphore(%arg11 : memref<!tpu.dma_semaphore, #tpu.memory_space<semaphore_mem>>)
    }
    %scan3A_967 = arith.constant 25 : i32
    %dma_wait3A_968 = arith.constant 2 : i32
    %dma_wait3A_969 = arith.constant 2 : i32
    %dma_wait3A_970 = arith.constant 0 : i32
    %dma_wait3A_971 = arith.constant 0 : i32
    %dma_wait3A_972 = tpu.memref_slice %arg7[%dma_wait3A_969, %dma_wait3A_970, %dma_wait3A_971] : memref<4x128x128xf32, #tpu.memory_space<vmem>> -> memref<1x128x128xf32, #tpu.memory_space<vmem>>
    %dma_wait3A_973 = tpu.memref_squeeze %dma_wait3A_972 : memref<1x128x128xf32, #tpu.memory_space<vmem>> -> memref<128x128xf32, #tpu.memory_space<vmem>>
    %dma_wait3A_974 = arith.constant 0 : i32
    %dma_wait3A_975 = tpu.memref_slice %arg6[%dma_wait3A_968, %dma_wait3A_974] : memref<4x128xi32, #tpu.memory_space<vmem>> -> memref<1x128xi32, #tpu.memory_space<vmem>>
    %dma_wait3A_976 = tpu.memref_squeeze %dma_wait3A_975 : memref<1x128xi32, #tpu.memory_space<vmem>> -> memref<128xi32, #tpu.memory_space<vmem>>
    %dma_wait3A_977 = arith.constant 0 : i32
    %dma_wait3A_978 = arith.constant 0 : i32
    %dma_wait3A_979 = tpu.memref_slice %arg3[%dma_wait3A_977, %dma_wait3A_978] : memref<13312x128xf32, #tpu.memory_space<hbm>> -> memref<13312x128xf32, #tpu.memory_space<hbm>>
    tpu.wait_indirect_dma semaphore(%arg10 : memref<!tpu.dma_semaphore, #tpu.memory_space<semaphore_mem>>) src(%dma_wait3A_979 : memref<13312x128xf32, #tpu.memory_space<hbm>>) dst(%dma_wait3A_973 : memref<128x128xf32, #tpu.memory_space<vmem>>)
    %add3A_980 = arith.constant 13056 : i32
    %add3A_981 = arith.addi %mul3A_2, %add3A_980 : i32
    %dma_start3A_982 = arith.constant 2 : i32
    %dma_start3A_983 = arith.constant 0 : i32
    %dma_start3A_984 = arith.constant 0 : i32
    %dma_start3A_985 = tpu.memref_slice %arg7[%dma_start3A_982, %dma_start3A_983, %dma_start3A_984] : memref<4x128x128xf32, #tpu.memory_space<vmem>> -> memref<1x128x128xf32, #tpu.memory_space<vmem>>
    %dma_start3A_986 = tpu.memref_squeeze %dma_start3A_985 : memref<1x128x128xf32, #tpu.memory_space<vmem>> -> memref<128x128xf32, #tpu.memory_space<vmem>>
    %dma_start3A_987 = arith.constant 0 : i32
    %dma_start3A_988 = tpu.memref_slice %arg4[%add3A_981, %dma_start3A_987] : memref<425984x128xf32, #tpu.memory_space<hbm>> -> memref<128x128xf32, #tpu.memory_space<hbm>>
    %dma_start3A_989 = arith.constant 0 : i32
    %dma_start3A_990 = tpu.memref_slice %arg4[%add3A_981, %dma_start3A_989] : memref<425984x128xf32, #tpu.memory_space<hbm>> -> memref<128x128xf32, #tpu.memory_space<hbm>>
    %dma_start3A_991 = arith.constant 0 : i32
    %dma_start3A_992 = arith.constant 0 : i32
    %dma_start3A_993 = tpu.memref_slice %arg7[%dma_start3A_982, %dma_start3A_991, %dma_start3A_992] : memref<4x128x128xf32, #tpu.memory_space<vmem>> -> memref<1x128x128xf32, #tpu.memory_space<vmem>>
    %dma_start3A_994 = tpu.memref_squeeze %dma_start3A_993 : memref<1x128x128xf32, #tpu.memory_space<vmem>> -> memref<128x128xf32, #tpu.memory_space<vmem>>
    tpu.enqueue_dma source(%dma_start3A_994 : memref<128x128xf32, #tpu.memory_space<vmem>>) target(%dma_start3A_990 : memref<128x128xf32, #tpu.memory_space<hbm>>) target_semaphore(%arg14 : memref<!tpu.dma_semaphore, #tpu.memory_space<semaphore_mem>>)
    %dma_wait3A_995 = arith.constant 3 : i32
    %dma_wait3A_996 = arith.constant 3 : i32
    %dma_wait3A_997 = arith.constant 0 : i32
    %dma_wait3A_998 = arith.constant 0 : i32
    %dma_wait3A_999 = tpu.memref_slice %arg7[%dma_wait3A_996, %dma_wait3A_997, %dma_wait3A_998] : memref<4x128x128xf32, #tpu.memory_space<vmem>> -> memref<1x128x128xf32, #tpu.memory_space<vmem>>
    %dma_wait3A_1000 = tpu.memref_squeeze %dma_wait3A_999 : memref<1x128x128xf32, #tpu.memory_space<vmem>> -> memref<128x128xf32, #tpu.memory_space<vmem>>
    %dma_wait3A_1001 = arith.constant 0 : i32
    %dma_wait3A_1002 = tpu.memref_slice %arg6[%dma_wait3A_995, %dma_wait3A_1001] : memref<4x128xi32, #tpu.memory_space<vmem>> -> memref<1x128xi32, #tpu.memory_space<vmem>>
    %dma_wait3A_1003 = tpu.memref_squeeze %dma_wait3A_1002 : memref<1x128xi32, #tpu.memory_space<vmem>> -> memref<128xi32, #tpu.memory_space<vmem>>
    %dma_wait3A_1004 = arith.constant 0 : i32
    %dma_wait3A_1005 = arith.constant 0 : i32
    %dma_wait3A_1006 = tpu.memref_slice %arg3[%dma_wait3A_1004, %dma_wait3A_1005] : memref<13312x128xf32, #tpu.memory_space<hbm>> -> memref<13312x128xf32, #tpu.memory_space<hbm>>
    tpu.wait_indirect_dma semaphore(%arg11 : memref<!tpu.dma_semaphore, #tpu.memory_space<semaphore_mem>>) src(%dma_wait3A_1006 : memref<13312x128xf32, #tpu.memory_space<hbm>>) dst(%dma_wait3A_1000 : memref<128x128xf32, #tpu.memory_space<vmem>>)
    %add3A_1007 = arith.constant 13184 : i32
    %add3A_1008 = arith.addi %mul3A_2, %add3A_1007 : i32
    %dma_start3A_1009 = arith.constant 3 : i32
    %dma_start3A_1010 = arith.constant 0 : i32
    %dma_start3A_1011 = arith.constant 0 : i32
    %dma_start3A_1012 = tpu.memref_slice %arg7[%dma_start3A_1009, %dma_start3A_1010, %dma_start3A_1011] : memref<4x128x128xf32, #tpu.memory_space<vmem>> -> memref<1x128x128xf32, #tpu.memory_space<vmem>>
    %dma_start3A_1013 = tpu.memref_squeeze %dma_start3A_1012 : memref<1x128x128xf32, #tpu.memory_space<vmem>> -> memref<128x128xf32, #tpu.memory_space<vmem>>
    %dma_start3A_1014 = arith.constant 0 : i32
    %dma_start3A_1015 = tpu.memref_slice %arg4[%add3A_1008, %dma_start3A_1014] : memref<425984x128xf32, #tpu.memory_space<hbm>> -> memref<128x128xf32, #tpu.memory_space<hbm>>
    %dma_start3A_1016 = arith.constant 0 : i32
    %dma_start3A_1017 = tpu.memref_slice %arg4[%add3A_1008, %dma_start3A_1016] : memref<425984x128xf32, #tpu.memory_space<hbm>> -> memref<128x128xf32, #tpu.memory_space<hbm>>
    %dma_start3A_1018 = arith.constant 0 : i32
    %dma_start3A_1019 = arith.constant 0 : i32
    %dma_start3A_1020 = tpu.memref_slice %arg7[%dma_start3A_1009, %dma_start3A_1018, %dma_start3A_1019] : memref<4x128x128xf32, #tpu.memory_space<vmem>> -> memref<1x128x128xf32, #tpu.memory_space<vmem>>
    %dma_start3A_1021 = tpu.memref_squeeze %dma_start3A_1020 : memref<1x128x128xf32, #tpu.memory_space<vmem>> -> memref<128x128xf32, #tpu.memory_space<vmem>>
    tpu.enqueue_dma source(%dma_start3A_1021 : memref<128x128xf32, #tpu.memory_space<vmem>>) target(%dma_start3A_1017 : memref<128x128xf32, #tpu.memory_space<hbm>>) target_semaphore(%arg15 : memref<!tpu.dma_semaphore, #tpu.memory_space<semaphore_mem>>)
    %dma_wait3A_1022 = arith.constant 0 : i32
    %dma_wait3A_1023 = arith.constant 0 : i32
    %dma_wait3A_1024 = arith.constant 0 : i32
    %dma_wait3A_1025 = tpu.memref_slice %arg7[%dma_wait3A_1022, %dma_wait3A_1023, %dma_wait3A_1024] : memref<4x128x128xf32, #tpu.memory_space<vmem>> -> memref<1x128x128xf32, #tpu.memory_space<vmem>>
    %dma_wait3A_1026 = tpu.memref_squeeze %dma_wait3A_1025 : memref<1x128x128xf32, #tpu.memory_space<vmem>> -> memref<128x128xf32, #tpu.memory_space<vmem>>
    %dma_wait3A_1027 = arith.constant 0 : i32
    %dma_wait3A_1028 = tpu.memref_slice %arg4[%mul3A_2, %dma_wait3A_1027] : memref<425984x128xf32, #tpu.memory_space<hbm>> -> memref<128x128xf32, #tpu.memory_space<hbm>>
    %dma_wait3A_1029 = arith.constant 0 : i32
    %dma_wait3A_1030 = tpu.memref_slice %arg4[%mul3A_2, %dma_wait3A_1029] : memref<425984x128xf32, #tpu.memory_space<hbm>> -> memref<128x128xf32, #tpu.memory_space<hbm>>
    %dma_wait3A_1031 = arith.constant 0 : i32
    %dma_wait3A_1032 = arith.constant 0 : i32
    %dma_wait3A_1033 = tpu.memref_slice %arg7[%dma_wait3A_1022, %dma_wait3A_1031, %dma_wait3A_1032] : memref<4x128x128xf32, #tpu.memory_space<vmem>> -> memref<1x128x128xf32, #tpu.memory_space<vmem>>
    %dma_wait3A_1034 = tpu.memref_squeeze %dma_wait3A_1033 : memref<1x128x128xf32, #tpu.memory_space<vmem>> -> memref<128x128xf32, #tpu.memory_space<vmem>>
    tpu.wait_dma2 semaphore(%arg12 : memref<!tpu.dma_semaphore, #tpu.memory_space<semaphore_mem>>) src(%dma_wait3A_1034 : memref<128x128xf32, #tpu.memory_space<vmem>>) dst(%dma_wait3A_1030 : memref<128x128xf32, #tpu.memory_space<hbm>>)
    %dma_wait3A_1035 = arith.constant 1 : i32
    %dma_wait3A_1036 = arith.constant 0 : i32
    %dma_wait3A_1037 = arith.constant 0 : i32
    %dma_wait3A_1038 = tpu.memref_slice %arg7[%dma_wait3A_1035, %dma_wait3A_1036, %dma_wait3A_1037] : memref<4x128x128xf32, #tpu.memory_space<vmem>> -> memref<1x128x128xf32, #tpu.memory_space<vmem>>
    %dma_wait3A_1039 = tpu.memref_squeeze %dma_wait3A_1038 : memref<1x128x128xf32, #tpu.memory_space<vmem>> -> memref<128x128xf32, #tpu.memory_space<vmem>>
    %dma_wait3A_1040 = arith.constant 0 : i32
    %dma_wait3A_1041 = tpu.memref_slice %arg4[%mul3A_2, %dma_wait3A_1040] : memref<425984x128xf32, #tpu.memory_space<hbm>> -> memref<128x128xf32, #tpu.memory_space<hbm>>
    %dma_wait3A_1042 = arith.constant 0 : i32
    %dma_wait3A_1043 = tpu.memref_slice %arg4[%mul3A_2, %dma_wait3A_1042] : memref<425984x128xf32, #tpu.memory_space<hbm>> -> memref<128x128xf32, #tpu.memory_space<hbm>>
    %dma_wait3A_1044 = arith.constant 0 : i32
    %dma_wait3A_1045 = arith.constant 0 : i32
    %dma_wait3A_1046 = tpu.memref_slice %arg7[%dma_wait3A_1035, %dma_wait3A_1044, %dma_wait3A_1045] : memref<4x128x128xf32, #tpu.memory_space<vmem>> -> memref<1x128x128xf32, #tpu.memory_space<vmem>>
    %dma_wait3A_1047 = tpu.memref_squeeze %dma_wait3A_1046 : memref<1x128x128xf32, #tpu.memory_space<vmem>> -> memref<128x128xf32, #tpu.memory_space<vmem>>
    tpu.wait_dma2 semaphore(%arg13 : memref<!tpu.dma_semaphore, #tpu.memory_space<semaphore_mem>>) src(%dma_wait3A_1047 : memref<128x128xf32, #tpu.memory_space<vmem>>) dst(%dma_wait3A_1043 : memref<128x128xf32, #tpu.memory_space<hbm>>)
    %dma_wait3A_1048 = arith.constant 2 : i32
    %dma_wait3A_1049 = arith.constant 0 : i32
    %dma_wait3A_1050 = arith.constant 0 : i32
    %dma_wait3A_1051 = tpu.memref_slice %arg7[%dma_wait3A_1048, %dma_wait3A_1049, %dma_wait3A_1050] : memref<4x128x128xf32, #tpu.memory_space<vmem>> -> memref<1x128x128xf32, #tpu.memory_space<vmem>>
    %dma_wait3A_1052 = tpu.memref_squeeze %dma_wait3A_1051 : memref<1x128x128xf32, #tpu.memory_space<vmem>> -> memref<128x128xf32, #tpu.memory_space<vmem>>
    %dma_wait3A_1053 = arith.constant 0 : i32
    %dma_wait3A_1054 = tpu.memref_slice %arg4[%mul3A_2, %dma_wait3A_1053] : memref<425984x128xf32, #tpu.memory_space<hbm>> -> memref<128x128xf32, #tpu.memory_space<hbm>>
    %dma_wait3A_1055 = arith.constant 0 : i32
    %dma_wait3A_1056 = tpu.memref_slice %arg4[%mul3A_2, %dma_wait3A_1055] : memref<425984x128xf32, #tpu.memory_space<hbm>> -> memref<128x128xf32, #tpu.memory_space<hbm>>
    %dma_wait3A_1057 = arith.constant 0 : i32
    %dma_wait3A_1058 = arith.constant 0 : i32
    %dma_wait3A_1059 = tpu.memref_slice %arg7[%dma_wait3A_1048, %dma_wait3A_1057, %dma_wait3A_1058] : memref<4x128x128xf32, #tpu.memory_space<vmem>> -> memref<1x128x128xf32, #tpu.memory_space<vmem>>
    %dma_wait3A_1060 = tpu.memref_squeeze %dma_wait3A_1059 : memref<1x128x128xf32, #tpu.memory_space<vmem>> -> memref<128x128xf32, #tpu.memory_space<vmem>>
    tpu.wait_dma2 semaphore(%arg14 : memref<!tpu.dma_semaphore, #tpu.memory_space<semaphore_mem>>) src(%dma_wait3A_1060 : memref<128x128xf32, #tpu.memory_space<vmem>>) dst(%dma_wait3A_1056 : memref<128x128xf32, #tpu.memory_space<hbm>>)
    %dma_wait3A_1061 = arith.constant 3 : i32
    %dma_wait3A_1062 = arith.constant 0 : i32
    %dma_wait3A_1063 = arith.constant 0 : i32
    %dma_wait3A_1064 = tpu.memref_slice %arg7[%dma_wait3A_1061, %dma_wait3A_1062, %dma_wait3A_1063] : memref<4x128x128xf32, #tpu.memory_space<vmem>> -> memref<1x128x128xf32, #tpu.memory_space<vmem>>
    %dma_wait3A_1065 = tpu.memref_squeeze %dma_wait3A_1064 : memref<1x128x128xf32, #tpu.memory_space<vmem>> -> memref<128x128xf32, #tpu.memory_space<vmem>>
    %dma_wait3A_1066 = arith.constant 0 : i32
    %dma_wait3A_1067 = tpu.memref_slice %arg4[%mul3A_2, %dma_wait3A_1066] : memref<425984x128xf32, #tpu.memory_space<hbm>> -> memref<128x128xf32, #tpu.memory_space<hbm>>
    %dma_wait3A_1068 = arith.constant 0 : i32
    %dma_wait3A_1069 = tpu.memref_slice %arg4[%mul3A_2, %dma_wait3A_1068] : memref<425984x128xf32, #tpu.memory_space<hbm>> -> memref<128x128xf32, #tpu.memory_space<hbm>>
    %dma_wait3A_1070 = arith.constant 0 : i32
    %dma_wait3A_1071 = arith.constant 0 : i32
    %dma_wait3A_1072 = tpu.memref_slice %arg7[%dma_wait3A_1061, %dma_wait3A_1070, %dma_wait3A_1071] : memref<4x128x128xf32, #tpu.memory_space<vmem>> -> memref<1x128x128xf32, #tpu.memory_space<vmem>>
    %dma_wait3A_1073 = tpu.memref_squeeze %dma_wait3A_1072 : memref<1x128x128xf32, #tpu.memory_space<vmem>> -> memref<128x128xf32, #tpu.memory_space<vmem>>
    tpu.wait_dma2 semaphore(%arg15 : memref<!tpu.dma_semaphore, #tpu.memory_space<semaphore_mem>>) src(%dma_wait3A_1073 : memref<128x128xf32, #tpu.memory_space<vmem>>) dst(%dma_wait3A_1069 : memref<128x128xf32, #tpu.memory_space<hbm>>)
    return
  }
}

</mosaic_0001>

<sc_bundles>
// kernel: kernel.3.cloned.1.call-start
scs
__scs_entry_jumppad:
0x0: {  	(pc) =	sbr.rel $0x88, $3  }
0x1: {  	(tag) =	ssettag $0x0;
	lr =	simm.s32 $0x1  }
0x2: {  	[smem:$0x3F9F] =	sst lr;
	_ =	strace $0xD0000000  }
0x3: {  	_ = 	snop  }
0x4: {  	_ = 	snop  }
0x5: {  	_ = 	snop  }
0x6: {  	_ = 	snop  }
0x7: {  	_ = 	snop  }
__scs_overlays_trampoline_lowered:
0x8: {  	[smem:$0x3FAE] =	sst s0  }
0x9: {  	[smem:$0x3FAF] =	sst s1  }
0xa: {  	[smem:$0x3FB0] =	sst s2  }
0xb: {  	[smem:$0x3FB1] =	sst s3  }
0xc: {  	[smem:$0x3FB2] =	sst s4  }
0xd: {  	[smem:$0x3FB3] =	sst s5  }
0xe: {  	[smem:$0x3FB4] =	sst s6  }
0xf: {  	[smem:$0x3FB5] =	sst s7  }
0x10: {  	[smem:$0x3FB6] =	sst s8  }
0x11: {  	[smem:$0x3FB7] =	sst s9;
	s0 =	simm.s32 @!p0 $0x0  }
0x12: {  	s1 =	sld [smem:$0x3F9D];
	s0 =	simm.s32 @p0 $0x1  }
0x13: {  	[smem:$0x3FB8] =	sst s0;
	s0 =	simm.s32 @!p1 $0x0  }
0x14: {  	s2 =	sld [smem:$0x3F9C];
	s0 =	simm.s32 @p1 $0x1  }
0x15: {  	[smem:$0x3FB9] =	sst s0;
	s0 =	simm.s32 @!p2 $0x0  }
0x16: {  	s3 =	sld [smem:$0x3FDB];
	s0 =	simm.s32 @p2 $0x1  }
0x17: {  	s4 =	simm.s32 $0x1BF5;
	[smem:$0x3FBB] =	sst s0  }
0x18: {  	s0 =	sld [smem:$0x3F9E];
	_ =	swait.ge [sflag:s4], $0x0  }
0x19: {  	s7 =	sld [smem:$0x3F9F]  }
0x1a: {  	s8 =	sadd.s32 $0xFFFFE003, lr  }
0x1b: {  	s9 =	sadd.s32 $0xFFFFFEF7, lr;
	s5 =	simm.s32 $0xFFFFFFFF;
	p2 =	slt.u32 s8, $0xFFFFF086  }
0x1c: {  	p1 =	slt.u32 s9, $0xF7A;
	s5 =	simm.s32 @!p2 $0x0  }
0x1d: {  	s5 =	simm.s32 @p1 $0x1;
	p0 =	seq.s32 s7, s2  }
0x1e: {  	s7 =	smul.u32 @!p0 $0xF7A, s2;
	p2 =	seq.s32 @!p0 s5, $0x0  }
0x1f: {  	s9 =	smul.u32 $0xF7A, s1;
	s8 =	simm.s32 @!p0 $0x1BF5;
	p2 =	por !p2, p0  }
0x20: {  	[sflag:s8] =	ssyncset.s32 @!p0 $0xFFFFF086;
	s6 =	sadd.s32 @!p0 s3, s7;
	s7 =	simm.s32 @!p0 $0x108  }
0x21: {  	s3 =	sadd.s32 s3, s9;
	s6 =	sadd.s32 @!p0 $0x88, s6;
	s7 =	simm.s32 @p2 $0x1082  }
0x22: {  	[simem:s7], [sflag:s8] =	dma.local @!p0 [hbm:s6], $0xF7A  }
0x23: {  	s9 =	sor.u32 $0xD0000000, s2;
	s6 =	simm.s32 $0x108;
	_ =	swait.ge @!p0 [sflag:s8], $0x0  }
0x24: {  	s3 =	sadd.s32 $0x88, s3;
	s6 =	simm.s32 @!p1 $0x1082;
	[sflag:s4] =	ssyncset.s32 $0xFFFFF086  }
0x25: {  	[simem:s6], [sflag:s4] =	dma.local [hbm:s3], $0xF7A  }
0x26: {  	[smem:$0x3F9F] =	sst s1;
	(tag) =	ssettag s2;
	_ =	strace s9  }
0x27: {  	s1 =	sld [smem:$0x3FAF]  }
0x28: {  	s2 =	sld [smem:$0x3FB0]  }
0x29: {  	s4 =	sld [smem:$0x3FB2]  }
0x2a: {  	p0 =	seq.s32 s5, $0x0;
	s5 =	sld [smem:$0x3FB3]  }
0x2b: {  	s6 =	sld [smem:$0x3FB4]  }
0x2c: {  	s7 =	sld [smem:$0x3FB5]  }
0x2d: {  	s3 =	simm.s32 $0x108;
	s8 =	sld [smem:$0x3FB6]  }
0x2e: {  	s3 =	simm.s32 @!p0 $0x1082;
	s9 =	sld [smem:$0x3FB7]  }
0x2f: {  	lr =	sadd.s32 s0, s3;
	s0 =	sld [smem:$0x3FAE]  }
0x30: {  	s3 =	sld [smem:$0x3FB1]  }
0x31: {  	[smem:$0x3FBA] =	sst s10  }
0x32: {  	s10 =	sld [smem:$0x3FB8];
	_ =	sdelay $0x3  }
0x33: {  	p0 =	seq.s32 s10, $0x1;
	s10 =	sld [smem:$0x3FBA];
	_ =	sdelay $0x3  }
0x34: {  	[smem:$0x3FBA] =	sst s10  }
0x35: {  	s10 =	sld [smem:$0x3FB9];
	_ =	sdelay $0x3  }
0x36: {  	p1 =	seq.s32 s10, $0x1;
	s10 =	sld [smem:$0x3FBA];
	_ =	sdelay $0x3  }
0x37: {  	[smem:$0x3FBA] =	sst s10  }
0x38: {  	s10 =	sld [smem:$0x3FBB]  }
0x39: {  	_ = 	snop;
	(pc) =	sbr.ind lr, $3  }
0x3a: {  	_ = 	snop  }
0x3b: {  	_ = 	snop  }
0x3c: {  	p2 =	seq.s32 s10, $0x1;
	s10 =	sld [smem:$0x3FBA]  }
0x3d: {  	_ =	shalt  }
0x3e: {  	_ =	shalt  }
0x3f: {  	_ =	shalt  }
0x40: {  	_ =	shalt  }
0x41: {  	_ =	shalt  }
0x42: {  	_ =	shalt  }
0x43: {  	_ =	shalt  }
0x44: {  	_ =	shalt  }
0x45: {  	_ =	shalt  }
0x46: {  	_ =	shalt  }
0x47: {  	_ =	shalt  }
0x48: {  	_ =	shalt  }
0x49: {  	_ =	shalt  }
0x4a: {  	_ =	shalt  }
0x4b: {  	_ =	shalt  }
0x4c: {  	_ =	shalt  }
0x4d: {  	_ =	shalt  }
0x4e: {  	_ =	shalt  }
0x4f: {  	_ =	shalt  }
0x50: {  	_ =	shalt  }
0x51: {  	_ =	shalt  }
0x52: {  	_ =	shalt  }
0x53: {  	_ =	shalt  }
0x54: {  	_ =	shalt  }
0x55: {  	_ =	shalt  }
0x56: {  	_ =	shalt  }
0x57: {  	_ =	shalt  }
0x58: {  	_ =	shalt  }
0x59: {  	_ =	shalt  }
0x5a: {  	_ =	shalt  }
0x5b: {  	_ =	shalt  }
0x5c: {  	_ =	shalt  }
0x5d: {  	_ =	shalt  }
0x5e: {  	_ =	shalt  }
0x5f: {  	_ =	shalt  }
0x60: {  	_ =	shalt  }
0x61: {  	_ =	shalt  }
0x62: {  	_ =	shalt  }
0x63: {  	_ =	shalt  }
0x64: {  	_ =	shalt  }
0x65: {  	_ =	shalt  }
0x66: {  	_ =	shalt  }
0x67: {  	_ =	shalt  }
0x68: {  	_ =	shalt  }
0x69: {  	_ =	shalt  }
0x6a: {  	_ =	shalt  }
0x6b: {  	_ =	shalt  }
0x6c: {  	_ =	shalt  }
0x6d: {  	_ =	shalt  }
0x6e: {  	_ =	shalt  }
0x6f: {  	_ =	shalt  }
0x70: {  	_ =	shalt  }
0x71: {  	_ =	shalt  }
0x72: {  	_ =	shalt  }
0x73: {  	_ =	shalt  }
0x74: {  	_ =	shalt  }
0x75: {  	_ =	shalt  }
0x76: {  	_ =	shalt  }
0x77: {  	_ =	shalt  }
0x78: {  	_ =	shalt  }
0x79: {  	_ =	shalt  }
0x7a: {  	_ =	shalt  }
0x7b: {  	_ =	shalt  }
0x7c: {  	_ =	shalt  }
0x7d: {  	_ =	shalt  }
0x7e: {  	_ =	shalt  }
0x7f: {  	_ =	shalt  }
0x80: {  	_ =	shalt  }
0x81: {  	_ =	shalt  }
0x82: {  	_ =	shalt  }
0x83: {  	_ =	shalt  }
0x84: {  	_ =	shalt  }
0x85: {  	_ =	shalt  }
0x86: {  	_ =	shalt  }
0x87: {  	_ =	shalt  }
.Lfunc_end0:
.L_simem_size_0:
called_computation_lowered:
.L_overlay_start_0:
0x88: {  	s2 =	sld [smem:$0x3FD9]  }
0x89: {  	s3 =	sld [smem:$0x3FFE];
	_ =	sdelay $0x1  }
0x8a: {  	s1 =	srdreg.scid  }
0x8b: {  	s0 =	sand.u32 $0x1, s1  }
0x8c: {  	s17 =	sshll.u32 s0, $0xA;
	s2 =	sadd.s32 s3, s2  }
0x8d: {  	s2 =	sadd.s32 s2, s17  }
0x8e: {  	[smem:$0x3FC6] =	sst s2  }
0x8f: {  	_ = 	snop  }
0x90: {  	s2 =	sld [smem:$0x3FD0];
	(tm) =	ssettm $0x1  }
0x91: {  	s18 =	sld [smem:$0x3FFB];
	_ =	sdelay $0x3  }
0x92: {  	_ =	strace s18  }
0x93: {  	s3 =	sld [smem:$0x3FFC];
	_ =	sdelay $0x3  }
0x94: {  	_ =	strace s3  }
0x95: {  	s3 =	sld [smem:$0x3FFD];
	_ =	sdelay $0x3  }
0x96: {  	_ =	strace s3  }
0x97: {  	_ =	strace $0x8FFFFFFF  }
0x98: {  	s19 =	sld [smem:$0x3FDB];
	_ =	sdelay $0x1  }
0x99: {  	s4 =	simm.s32 $_scs_section_size  }
0x9a: {  	s5 =	simm.s32 $_size__tile_overlayer_lowered;
	s6 =	simm.s32 $_tile_overlayer_lowered  }
0x9b: {  	s22 =	simm.s32 $0x1BFF;
	s21 =	sshll.u32 s6, $0x1;
	s3 =	sadd.s32 s4, s19  }
0x9c: {  	s7 =	simm.s32 $0x0;
	s20 =	sshll.u32 s5, $0x1;
	s5 =	sadd.s32 s21, s3  }
0x9d: {  	[timem:s7], [sflag:s22] =	dma.local [hbm:s5], s20  }
0x9e: {  	_ =	swait.ge [sflag:s22], s20  }
0x9f: {  	s4 =	ssub.s32 $0x0, s20;
	[sflag:s22] =	ssyncset.done $0x0  }
0xa0: {  	[sflag:s22] =	ssyncadd.s32 s4;
	_ =	sdelay $0x1  }
0xa1: {  	s23 =	simm.s32 $0x1B8B  }
0xa2: {  	_ =	swait.ge [sflag:s23], $0x1  }
0xa3: {  	[sflag:s23] =	ssyncset.done $0x0  }
0xa4: {  	s25 =	simm.s32 $0x1B8E;
	s24 =	sld [smem:$0x3FFE];
	[sflag:s23] =	ssyncadd.s32 $0xFFFFFFFF  }
0xa5: {  	s26 =	simm.s32 $execute0_lowered;
	[smem:$0x3FD2] =	sst s25  }
0xa6: {  	s5 =	sshll.u32 s26, $0x1;
	_ =	strace $0x80000046;
	[dreg:$0x1] =	wrdreg $0xFFFFFFFF  }
0xa7: {  	s28 =	simm.s32 $_size_execute0_lowered;
	s3 =	sadd.s32 s3, s5;
	[dreg:$0x0] =	wrdreg $0x0  }
0xa8: {  	s5 =	sshll.u32 s28, $0x1;
	[dreg:$0x2] =	wrdreg s3  }
0xa9: {  	[dreg:$0x3] =	wrdreg s5  }
0xaa: {  	[dreg:$0x4] =	wrdreg $0xC0  }
0xab: {  	_ =	task [dreg:s7], $0x5FFFF  }
0xac: {  	[dreg:$0x1] =	wrdreg $0xFFFFFFFF  }
0xad: {  	[dreg:$0x0] =	wrdreg $0x60  }
0xae: {  	[dreg:$0x2] =	wrdreg s24  }
0xaf: {  	[dreg:$0x3] =	wrdreg s2  }
0xb0: {  	[dreg:$0x4] =	wrdreg $0x9  }
0xb1: {  	_ =	task.clear_ibuf [dreg:s7], $0x5FFFF;
	_ =	strace $0x90000046  }
0xb2: {  	s29 =	simm.s32 $0x9;
	_ =	strace $0x80000048  }
0xb3: {  	_ =	swait.ge [sflag:s29], $0x1  }
0xb4: {  	[sflag:s29] =	ssyncadd.s32 $0xFFFFFFFF  }
0xb5: {  	_ =	strace $0x90000048  }
0xb6: {  	_ =	sfence  }
0xb7: {  	s30 =	sld [smem:$0x0];
	_ =	sdelay $0x2  }
0xb8: {  	s31 =	sshll.u32 s1, $0xD;
	s1 =	sshrl.u32 s1, $0x2  }
0xb9: {  	s3 =	sand.u32 $0x4000, s31;
	s1 =	sadd.s32 s1, s30  }
0xba: {  	s0 =	sor.u32 s3, s0;
	s1 =	sshll.u32 s1, $0x11  }
0xbb: {  	s0 =	sor.u32 s1, s0  }
0xbc: {  	s0 =	sadd.s32 $0x8F2B, s0  }
0xbd: {  	[sflag:s0] =	ssyncadd.remote.s32 $0x1  }
0xbe: {  	_ =	sfence.sel $0xFFFF  }
0xbf: {  	[dreg:$0x0] =	wrdreg $0xFFFFFFFF;
	(pc) =	sbr.abs _section_cstart, $3  }
0xc0: {  	[dreg:$0x1] =	wrdreg $0xFFFFFFFF  }
0xc1: {  	_ =	task.clear_ibuf [dreg:s7], $0x2FFFF;
	_ =	strace $0x9FFFFFFF  }
0xc2: {  	(tm) =	ssettm $0x7FFFFFFF  }
0xc3: {  	_ =	shalt  }
tec
execute0_lowered:
.L_overlay_start_1:
0x0: {  	(tag) =	ssettag $0x1  }
0x1: {  	s0 =	srdreg.scid;
	s11 =	stileid.u32  }
0x2: {  	s0 =	sand.u32 $0x1, s0;
	s1 =	sshll.u32 s11, $0x1  }
0x3: {  	s4 =	sor.u32 s0, s1  }
0x4: {  	s1 =	smul.u32 $0x3400, s4;
	_ =	sdelay $0x1  }
0x5: {  	v0 =	vlaneseq.u32;
	s2 =	sor.u32 $0x10, s1  }
0x6: {  	v30 =	vmul.u32 $0x34, v0;
	v3 =	vor.u32 s1, v0;
	s16 =	sor.u32 $0x20, s1;
	s17 =	sor.u32 $0x30, s1;
	v1 =	vor.u32 s2, v0  }
0x7: {  	s18 =	sor.u32 $0x40, s1;
	s19 =	sor.u32 $0x50, s1;
	v4 =	vmulhi.u32 $0x4EC4EC4F, v3;
	v5 =	vor.u32 s16, v0;
	v7 =	vor.u32 s17, v0  }
0x8: {  	s20 =	sor.u32 $0x60, s1;
	s21 =	sor.u32 $0x70, s1;
	v62 =	vor.u32 s18, v0;
	v13 =	vor.u32 s19, v0;
	v2 =	vmulhi.u32 $0x4EC4EC4F, v1  }
0x9: {  	s5 =	sor.u32 $0x80, s1;
	s22 =	sor.u32 $0x90, s1;
	v15 =	vor.u32 s20, v0;
	v34 =	vor.u32 s21, v0;
	v6 =	vmulhi.u32 $0x4EC4EC4F, v5  }
0xa: {  	s23 =	sor.u32 $0xA0, s1;
	s24 =	sor.u32 $0xB0, s1;
	v36 =	vor.u32 s5, v0;
	v39 =	vor.u32 s22, v0;
	v8 =	vmulhi.u32 $0x4EC4EC4F, v7  }
0xb: {  	s25 =	sor.u32 $0xC0, s1;
	s26 =	sor.u32 $0xD0, s1;
	v41 =	vor.u32 s23, v0;
	v44 =	vor.u32 s24, v0;
	v12 =	vmulhi.u32 $0x4EC4EC4F, v62  }
0xc: {  	s28 =	sor.u32 $0xE0, s1;
	s29 =	sor.u32 $0xF0, s1;
	v46 =	vor.u32 s25, v0;
	v49 =	vor.u32 s26, v0;
	v14 =	vmulhi.u32 $0x4EC4EC4F, v13  }
0xd: {  	s30 =	sor.u32 $0x110, s1;
	s31 =	sor.u32 $0x100, s1;
	v51 =	vor.u32 s28, v0;
	v54 =	vor.u32 s29, v0;
	v32 =	vmulhi.u32 $0x4EC4EC4F, v15  }
0xe: {  	s7 =	sor.u32 $0x140, s1;
	v56 =	vor.u32 s30, v0;
	v57 =	vor.u32 s31, v0;
	v35 =	vmulhi.u32 $0x4EC4EC4F, v34  }
0xf: {  	v10 =	vor.u32 s7, v0;
	v63 =	vand.u32 $0x3F, v7;
	v38 =	vmulhi.u32 $0x4EC4EC4F, v36  }
0x10: {  	v33 =	vand.u32 $0x5F, v13;
	v40 =	vmulhi.u32 $0x4EC4EC4F, v39;
	v2 =	vshrl.u32 v2, $0x3  }
0x11: {  	v37 =	vand.u32 $0x7F, v34;
	v42 =	vmulhi.u32 $0x4EC4EC4F, v41;
	v2 =	vmul.u32 $0x1A, v2  }
0x12: {  	v43 =	vand.u32 $0x9F, v39;
	v45 =	vmulhi.u32 $0x4EC4EC4F, v44;
	v47 =	vand.u32 $0xBF, v44  }
0x13: {  	v48 =	vmulhi.u32 $0x4EC4EC4F, v46;
	v2 =	vsub.s32 v1, v2;
	v1 =	vand.u32 $0x1F, v1  }
0x14: {  	v50 =	vmulhi.u32 $0x4EC4EC4F, v49;
	v4 =	vshrl.u32 v4, $0x3;
	v1 =	vmul.u32 $0x34, v1  }
0x15: {  	v4 =	vmul.u32 $0x1A, v4;
	v6 =	vshrl.u32 v6, $0x3;
	v2 =	vshll.u32 v2, $0x1  }
0x16: {  	v52 =	vmulhi.u32 $0x4EC4EC4F, v51;
	v6 =	vmul.u32 $0x1A, v6;
	v1 =	vadd.s32 v2, v1  }
0x17: {  	v31 =	vsub.s32 v3, v4;
	v3 =	vshrl.u32 v8, $0x3;
	[tilespmem:$0x1FEF0] =	vst v1;
	v1 =	vand.u32 $0x2F, v5  }
0x18: {  	v3 =	vmul.u32 $0x1A, v3;
	v2 =	vsub.s32 v5, v6;
	v1 =	vmul.u32 $0x34, v1  }
0x19: {  	v53 =	vand.u32 $0xDF, v49;
	v55 =	vmulhi.u32 $0x4EC4EC4F, v54;
	v2 =	vshll.u32 v2, $0x1  }
0x1a: {  	v3 =	vsub.s32 v7, v3;
	v5 =	vmul.u32 $0x34, v63;
	v1 =	vadd.s32 v2, v1  }
0x1b: {  	v58 =	vmulhi.u32 $0x4EC4EC4F, v57;
	v59 =	vand.u32 $0x1F, v56;
	[tilespmem:$0x1FF00] =	vst v1;
	v1 =	vshll.u32 v3, $0x1  }
0x1c: {  	v61 =	vmul.u32 $0x34, v59;
	v2 =	vshrl.u32 v12, $0x3;
	v1 =	vadd.s32 v1, v5  }
0x1d: {  	v4 =	vshrl.u32 v32, $0x3;
	[tilespmem:$0x1FF10] =	vst v1;
	v1 =	vmul.u32 $0x1A, v2;
	v2 =	vshrl.u32 v14, $0x3  }
0x1e: {  	v4 =	vmul.u32 $0x1A, v4;
	v3 =	vand.u32 $0x4F, v62;
	v2 =	vmul.u32 $0x1A, v2  }
0x1f: {  	v6 =	vmul.u32 $0x34, v33;
	v3 =	vmul.u32 $0x34, v3;
	v1 =	vsub.s32 v62, v1  }
0x20: {  	s6 =	sor.u32 $0x130, s1;
	v33 =	vand.u32 $0x4F, v10;
	v1 =	vshll.u32 v1, $0x1;
	v2 =	vsub.s32 v13, v2  }
0x21: {  	v63 =	vor.u32 s6, v0;
	v2 =	vshll.u32 v2, $0x1;
	v1 =	vadd.s32 v1, v3  }
0x22: {  	v9 =	vmulhi.u32 $0x4EC4EC4F, v63;
	v7 =	vand.u32 $0x3F, v63;
	[tilespmem:$0x1FF20] =	vst v1;
	v1 =	vadd.s32 v2, v6  }
0x23: {  	v7 =	vmul.u32 $0x34, v7;
	v3 =	vshrl.u32 v35, $0x3;
	[tilespmem:$0x1FF30] =	vst v1;
	v1 =	vand.u32 $0x6F, v15  }
0x24: {  	v2 =	vsub.s32 v15, v4;
	v3 =	vmul.u32 $0x1A, v3;
	v1 =	vmul.u32 $0x34, v1  }
0x25: {  	v5 =	vmul.u32 $0x34, v37;
	v14 =	vshrl.u32 v9, $0x3;
	v2 =	vshll.u32 v2, $0x1  }
0x26: {  	v9 =	vmul.u32 $0x34, v33;
	v3 =	vsub.s32 v34, v3;
	v1 =	vadd.s32 v2, v1  }
0x27: {  	v6 =	vmul.u32 $0x34, v43;
	v4 =	vshrl.u32 v42, $0x3;
	[tilespmem:$0x1FF40] =	vst v1;
	v1 =	vshll.u32 v3, $0x1  }
0x28: {  	s8 =	sor.u32 $0x150, s1;
	v4 =	vmul.u32 $0x1A, v4;
	v2 =	vshrl.u32 v38, $0x3;
	v1 =	vadd.s32 v1, v5  }
0x29: {  	s3 =	sor.u32 $0x120, s1;
	v15 =	vor.u32 s8, v0;
	[tilespmem:$0x1FF50] =	vst v1;
	v1 =	vmul.u32 $0x1A, v2;
	v2 =	vshrl.u32 v40, $0x3  }
0x2a: {  	s9 =	sor.u32 $0x160, s1;
	s10 =	sor.u32 $0x170, s1;
	v32 =	vmulhi.u32 $0x4EC4EC4F, v15;
	v3 =	vand.u32 $0x8F, v36;
	v2 =	vmul.u32 $0x1A, v2  }
0x2b: {  	s12 =	sor.u32 $0x180, s1;
	s13 =	sor.u32 $0x190, s1;
	s14 =	sor.u32 $0x1A0, s1;
	v34 =	vor.u32 s9, v0;
	v3 =	vmul.u32 $0x34, v3;
	v1 =	vsub.s32 v36, v1  }
0x2c: {  	s15 =	sor.u32 $0x1B0, s1;
	s17 =	sor.u32 $0x1C0, s1;
	s7 =	sshrl.u32 s1, $0x3;
	v35 =	vand.u32 $0x5F, v15;
	v1 =	vshll.u32 v1, $0x1;
	v2 =	vsub.s32 v39, v2  }
0x2d: {  	s20 =	sor.u32 $0x1E0, s1;
	s9 =	sor.u32 $0x1D0, s1;
	s1 =	sor.u32 $0x1F0, s1;
	v11 =	vmulhi.u32 $0x4EC4EC4F, v34;
	v2 =	vshll.u32 v2, $0x1;
	v1 =	vadd.s32 v1, v3  }
0x2e: {  	v37 =	vand.u32 $0x6F, v34;
	v59 =	vor.u32 s1, v0;
	[tilespmem:$0x1FF60] =	vst v1;
	v1 =	vadd.s32 v2, v6  }
0x2f: {  	v8 =	vshrl.u32 v32, $0x3;
	v3 =	vshrl.u32 v45, $0x3;
	[tilespmem:$0x1FF70] =	vst v1;
	v1 =	vand.u32 $0xAF, v41  }
0x30: {  	v2 =	vsub.s32 v41, v4;
	v3 =	vmul.u32 $0x1A, v3;
	v1 =	vmul.u32 $0x34, v1  }
0x31: {  	v8 =	vmul.u32 $0x1A, v8;
	v5 =	vmul.u32 $0x34, v47;
	v2 =	vshll.u32 v2, $0x1  }
0x32: {  	v36 =	vor.u32 s10, v0;
	v3 =	vsub.s32 v44, v3;
	v1 =	vadd.s32 v2, v1  }
0x33: {  	v38 =	vmulhi.u32 $0x4EC4EC4F, v36;
	v39 =	vor.u32 s12, v0;
	[tilespmem:$0x1FF80] =	vst v1;
	v1 =	vshll.u32 v3, $0x1  }
0x34: {  	v42 =	vand.u32 $0x7F, v36;
	v2 =	vshrl.u32 v48, $0x3;
	v1 =	vadd.s32 v1, v5  }
0x35: {  	v40 =	vmulhi.u32 $0x4EC4EC4F, v39;
	[tilespmem:$0x1FF90] =	vst v1;
	v1 =	vmul.u32 $0x1A, v2;
	v2 =	vshrl.u32 v50, $0x3  }
0x36: {  	v45 =	vand.u32 $0x8F, v39;
	v3 =	vand.u32 $0xCF, v46;
	v2 =	vmul.u32 $0x1A, v2  }
0x37: {  	v6 =	vmul.u32 $0x34, v53;
	v3 =	vmul.u32 $0x34, v3;
	v1 =	vsub.s32 v46, v1  }
0x38: {  	v4 =	vshrl.u32 v52, $0x3;
	v1 =	vshll.u32 v1, $0x1;
	v2 =	vsub.s32 v49, v2  }
0x39: {  	v4 =	vmul.u32 $0x1A, v4;
	v2 =	vshll.u32 v2, $0x1;
	v1 =	vadd.s32 v1, v3  }
0x3a: {  	v41 =	vor.u32 s13, v0;
	v43 =	vshrl.u32 v40, $0x3;
	[tilespmem:$0x1FFA0] =	vst v1;
	v1 =	vadd.s32 v2, v6  }
0x3b: {  	v44 =	vor.u32 s14, v0;
	v47 =	vand.u32 $0x9F, v41;
	[tilespmem:$0x1FFB0] =	vst v1;
	v1 =	vand.u32 $0xEF, v51  }
0x3c: {  	v48 =	vor.u32 s15, v0;
	v2 =	vsub.s32 v51, v4;
	v1 =	vmul.u32 $0x34, v1  }
0x3d: {  	v5 =	vmul.u32 $0x1A, v14;
	v3 =	vshrl.u32 v55, $0x3;
	v2 =	vshll.u32 v2, $0x1  }
0x3e: {  	v52 =	vand.u32 $0xBF, v48;
	v3 =	vmul.u32 $0x1A, v3;
	v1 =	vadd.s32 v2, v1  }
0x3f: {  	v50 =	vand.u32 $0xAF, v44;
	v5 =	vsub.s32 v63, v5;
	[tilespmem:$0x1FFC0] =	vst v1;
	v1 =	vand.u32 $0xFF, v54  }
0x40: {  	v3 =	vsub.s32 v54, v3;
	v2 =	vmulhi.u32 $0x4EC4EC4F, v56;
	v1 =	vmul.u32 $0x34, v1  }
0x41: {  	v5 =	vshll.u32 v5, $0x1;
	v46 =	vmulhi.u32 $0x4EC4EC4F, v44;
	v3 =	vshll.u32 v3, $0x1  }
0x42: {  	v18 =	vadd.s32 v5, v7;
	v2 =	vshrl.u32 v2, $0x3;
	v1 =	vadd.s32 v3, v1  }
0x43: {  	v7 =	vshrl.u32 v38, $0x3;
	[tilespmem:$0x1FFD0] =	vst v1;
	v1 =	vmul.u32 $0x1A, v2;
	v2 =	vor.u32 s3, v0  }
0x44: {  	v5 =	vmul.u32 $0x1A, v43;
	v3 =	vshrl.u32 v58, $0x3;
	v60 =	vmulhi.u32 $0x4EC4EC4F, v2  }
0x45: {  	v49 =	vmulhi.u32 $0x4EC4EC4F, v48;
	v3 =	vmul.u32 $0x1A, v3;
	v1 =	vsub.s32 v56, v1  }
0x46: {  	v7 =	vmul.u32 $0x1A, v7;
	v62 =	vshll.u32 v1, $0x1;
	v1 =	vshrl.u32 v60, $0x3  }
0x47: {  	v12 =	vmul.u32 $0x1A, v1;
	v1 =	vsub.s32 v57, v3;
	v3 =	vadd.s32 v62, v61  }
0x48: {  	v5 =	vsub.s32 v39, v5;
	v54 =	vor.u32 s9, v0;
	[tilespmem:$0x1FFE0] =	vst v3;
	v3 =	vmulhi.u32 $0x4EC4EC4F, v10  }
0x49: {  	v6 =	vmul.u32 $0x34, v37;
	v5 =	vshll.u32 v5, $0x1;
	v55 =	vmulhi.u32 $0x4EC4EC4F, v54  }
0x4a: {  	v13 =	vsub.s32 v2, v12;
	v2 =	vand.u32 $0x2F, v2;
	v3 =	vshrl.u32 v3, $0x3  }
0x4b: {  	v51 =	vor.u32 s17, v0;
	v2 =	vmul.u32 $0x34, v2;
	v3 =	vmul.u32 $0x1A, v3  }
0x4c: {  	v53 =	vmulhi.u32 $0x4EC4EC4F, v51;
	v58 =	vshrl.u32 v55, $0x3;
	v4 =	vshll.u32 v13, $0x1  }
0x4d: {  	v56 =	vor.u32 s20, v0;
	v2 =	vadd.s32 v4, v2;
	v3 =	vsub.s32 v10, v3  }
0x4e: {  	v4 =	vmul.u32 $0x34, v35;
	[tilespmem:$0x1FFF0] =	vst v2;
	v2 =	vshll.u32 v3, $0x1;
	v3 =	vshrl.u32 v11, $0x3  }
0x4f: {  	v19 =	vadd.s32 v2, v9;
	v2 =	vsub.s32 v15, v8;
	v3 =	vmul.u32 $0x1A, v3  }
0x50: {  	v60 =	vmulhi.u32 $0x4EC4EC4F, v59;
	v8 =	vshrl.u32 v46, $0x3;
	v2 =	vshll.u32 v2, $0x1  }
0x51: {  	v3 =	vsub.s32 v34, v3;
	v20 =	vadd.s32 v2, v4;
	v2 =	vmulhi.u32 $0x4EC4EC4F, v41  }
0x52: {  	v9 =	vmul.u32 $0x34, v47;
	v4 =	vmul.u32 $0x34, v42;
	v3 =	vshll.u32 v3, $0x1  }
0x53: {  	v21 =	vadd.s32 v3, v6;
	v3 =	vsub.s32 v36, v7;
	v2 =	vshrl.u32 v2, $0x3  }
0x54: {  	s22 =	smul.u32 $0x68000, s11;
	v7 =	vmul.u32 $0x34, v45;
	v3 =	vshll.u32 v3, $0x1;
	v2 =	vmul.u32 $0x1A, v2  }
0x55: {  	s24 =	smul.u32 $0x34000, s0;
	v8 =	vmul.u32 $0x1A, v8;
	v6 =	vmul.u32 $0x34, v52;
	v22 =	vadd.s32 v3, v4  }
0x56: {  	s16 =	rddreg [dreg:$0x1];
	s26 =	smul.u32 $0x6800, s11;
	v23 =	vadd.s32 v5, v7;
	v3 =	vshrl.u32 v49, $0x3;
	v2 =	vsub.s32 v41, v2  }
0x57: {  	s19 =	ssub.s32 $0x2, s0;
	s5 =	sshll.u32 s5, $0x4;
	s0 =	smul.u32 $0x3400, s0;
	v4 =	vmul.u32 $0x34, v50;
	v3 =	vmul.u32 $0x1A, v3;
	v2 =	vshll.u32 v2, $0x1  }
0x58: {  	s11 =	simm.s32 $0x3500;
	s2 =	simm.s32 $0x0;
	s6 =	simm.s32 $0x0;
	v7 =	vshrl.u32 v53, $0x3;
	v24 =	vadd.s32 v2, v9;
	v2 =	vsub.s32 v44, v8  }
0x59: {  	s25 =	sadd.s32 s16, s5;
	s30 =	sadd.s32 s22, s16;
	[smem:$0x7FF] =	sst s6;
	v7 =	vmul.u32 $0x1A, v7;
	v3 =	vsub.s32 v48, v3;
	v2 =	vshll.u32 v2, $0x1  }
0x5a: {  	s0 =	sadd.s32 s0, s26;
	s8 =	smul.u32 $0x34000, s4;
	s3 =	rddreg [dreg:$0x0];
	v3 =	vshll.u32 v3, $0x1;
	v25 =	vadd.s32 v2, v4;
	v2 =	vmulhi.u32 $0x4EC4EC4F, v56  }
0x5b: {  	s4 =	smul.u32 $0x1A0000, s4;
	s18 =	sadd.s32 s7, s3;
	s3 =	sadd.s32 $0x600, s3;
	v57 =	vand.u32 $0xCF, v51;
	v62 =	vand.u32 $0xEF, v56;
	v26 =	vadd.s32 v3, v6  }
0x5c: {  	s21 =	sadd.s32 $0x34600, s18;
	_ =	strace $0x80000047;
	[dreg:$0x4] =	wrdreg s3;
	v3 =	vsub.s32 v51, v7;
	v4 =	vmul.u32 $0x34, v57;
	v2 =	vshrl.u32 v2, $0x3  }
0x5d: {  	s23 =	sadd.s32 s16, s8;
	s4 =	sshrl.u32 s4, $0x3;
	[dreg:$0x5] =	wrdreg s21;
	v5 =	vmul.u32 $0x1A, v58;
	v3 =	vshll.u32 v3, $0x1;
	v2 =	vmul.u32 $0x1A, v2  }
0x5e: {  	s1 =	sadd.s32 s24, s30;
	s4 =	sadd.s32 s16, s4;
	v61 =	vand.u32 $0xDF, v54;
	[dreg:$0x6] =	wrdreg s23;
	v7 =	vmul.u32 $0x34, v62;
	v27 =	vadd.s32 v3, v4  }
0x5f: {  	s28 =	sadd.s32 $0x33000, s4;
	s10 =	sshrl.u32 s19, $0x1;
	[dreg:$0x7] =	wrdreg s25;
	v3 =	vsub.s32 v54, v5;
	v4 =	vshrl.u32 v60, $0x3;
	v2 =	vsub.s32 v56, v2  }
0x60: {  	s29 =	sadd.s32 $0x33800, s4;
	s7 =	ssub.s32 s19, s10;
	[dreg:$0x8] =	wrdreg s28;
	v5 =	vmul.u32 $0x34, v61;
	v4 =	vmul.u32 $0x1A, v4;
	v2 =	vshll.u32 v2, $0x1  }
0x61: {  	s8 =	simm.s32 $0x3480;
	s31 =	smax.u32 s7, $0x1;
	[dreg:$0x9] =	wrdreg s29;
	v3 =	vshll.u32 v3, $0x1;
	v29 =	vadd.s32 v2, v7;
	v2 =	vand.u32 $0xFF, v59  }
0x62: {  	s1 =	sadd.s32 $0x1800, s1;
	s12 =	simm.s32 $0x3400;
	[dreg:$0xa] =	wrdreg s31;
	v28 =	vadd.s32 v3, v5;
	v3 =	vsub.s32 v59, v4;
	v2 =	vmul.u32 $0x34, v2  }
0x63: {  	s13 =	simm.s32 $0x3600;
	s15 =	simm.s32 $0x2;
	v63 =	vshll.u32 v31, $0x1;
	v1 =	vshll.u32 v1, $0x1;
	[dreg:$0xb] =	wrdreg s1;
	v3 =	vshll.u32 v3, $0x1  }
0x64: {  	v31 =	vadd.s32 v30, v63;
	s9 =	simm.s32 $0x7600;
	s10 =	simm.s32 $0x1;
	v32 =	vadd.s32 v30, v1;
	[dreg:$0x3] =	wrdreg s0;
	v33 =	vadd.s32 v3, v2  }
.LBB2_1:
0x65: {  	[dreg:$0xc] =	wrdreg s2  }
0x66: {  	s3 =	simm.s32 $0x0;
	s0 =	rddreg [dreg:$0x5];
	s18 =	simm.s32 $0x9  }
0x67: {  	[tilespmem:s3], [sflag:$0x9] =	stream.linear.gather [hbm4b:s0+s3], $0x3400, $0x38;
	[tilespmem:$0x13600] =	vst v63  }
0x68: {  	_ =	swait.ge [sflag:s18], $0x3400  }
0x69: {  	[sflag:s18] =	ssyncset.done $0x0  }
0x6a: {  	[sflag:s18] =	ssyncadd.s32 $0xFFFFCC00  }
0x6b: {  	v1 =	vld [tilespmem:$0x0];
	_ =	sdelay $0x4  }
0x6c: {  	v2 =	vld [tilespmem:$0x10];
	v1 =	vadd.s32 v1, v31  }
0x6d: {  	[tilespmem:$0x3400] =	vst v1;
	v1 =	vld [tilespmem:$0x1FEF0];
	_ =	sdelay $0x4  }
0x6e: {  	v3 =	vld [tilespmem:$0x20];
	v1 =	vadd.s32 v2, v1  }
0x6f: {  	[tilespmem:$0x3410] =	vst v1;
	v1 =	vld [tilespmem:$0x1FF00];
	_ =	sdelay $0x4  }
0x70: {  	v4 =	vld [tilespmem:$0x30];
	v1 =	vadd.s32 v3, v1  }
0x71: {  	[tilespmem:$0x3420] =	vst v1;
	v1 =	vld [tilespmem:$0x1FF10];
	_ =	sdelay $0x4  }
0x72: {  	v5 =	vld [tilespmem:$0x40];
	v1 =	vadd.s32 v4, v1  }
0x73: {  	[tilespmem:$0x3430] =	vst v1;
	v1 =	vld [tilespmem:$0x1FF20];
	_ =	sdelay $0x4  }
0x74: {  	v6 =	vld [tilespmem:$0x50];
	v1 =	vadd.s32 v5, v1  }
0x75: {  	[tilespmem:$0x3440] =	vst v1;
	v1 =	vld [tilespmem:$0x1FF30];
	_ =	sdelay $0x4  }
0x76: {  	v2 =	vld [tilespmem:$0x60];
	v1 =	vadd.s32 v6, v1  }
0x77: {  	[tilespmem:$0x3450] =	vst v1;
	v1 =	vld [tilespmem:$0x1FF40];
	_ =	sdelay $0x4  }
0x78: {  	v3 =	vld [tilespmem:$0x70];
	v1 =	vadd.s32 v2, v1  }
0x79: {  	[tilespmem:$0x3460] =	vst v1;
	v1 =	vld [tilespmem:$0x1FF50];
	_ =	sdelay $0x4  }
0x7a: {  	v1 =	vadd.s32 v3, v1  }
0x7b: {  	s7 =	simm.s32 $0x80;
	s5 =	rddreg [dreg:$0x4];
	[tilespmem:$0x3470] =	vst v1  }
0x7c: {  	v61 =	vld [tilespmem:$0x1FF60];
	[tilespmem:s13], [sflag:$0x1] =	stream.indirect.gather [hbm4b:s5+s7], $0x80, s12, s7, $0xb8  }
0x7d: {  	v1 =	vld [tilespmem:$0x80];
	_ =	sdelay $0x4  }
0x7e: {  	v2 =	vld [tilespmem:$0x90];
	v1 =	vadd.s32 v1, v61  }
0x7f: {  	[tilespmem:$0x3480] =	vst v1;
	v1 =	vld [tilespmem:$0x1FF70];
	_ =	sdelay $0x4  }
0x80: {  	v3 =	vld [tilespmem:$0xA0];
	v1 =	vadd.s32 v2, v1  }
0x81: {  	[tilespmem:$0x3490] =	vst v1;
	v1 =	vld [tilespmem:$0x1FF80];
	_ =	sdelay $0x4  }
0x82: {  	v59 =	vld [tilespmem:$0xB0];
	v1 =	vadd.s32 v3, v1  }
0x83: {  	[tilespmem:$0x34A0] =	vst v1;
	v1 =	vld [tilespmem:$0x1FF90];
	_ =	sdelay $0x4  }
0x84: {  	v60 =	vld [tilespmem:$0xC0];
	v1 =	vadd.s32 v59, v1  }
0x85: {  	[tilespmem:$0x34B0] =	vst v1;
	v1 =	vld [tilespmem:$0x1FFA0];
	_ =	sdelay $0x4  }
0x86: {  	v62 =	vld [tilespmem:$0xD0];
	v1 =	vadd.s32 v60, v1  }
0x87: {  	[tilespmem:$0x34C0] =	vst v1;
	v1 =	vld [tilespmem:$0x1FFB0];
	_ =	sdelay $0x4  }
0x88: {  	v2 =	vld [tilespmem:$0xE0];
	v1 =	vadd.s32 v62, v1  }
0x89: {  	[tilespmem:$0x34D0] =	vst v1;
	v1 =	vld [tilespmem:$0x1FFC0];
	_ =	sdelay $0x4  }
0x8a: {  	v3 =	vld [tilespmem:$0xF0];
	v1 =	vadd.s32 v2, v1  }
0x8b: {  	[tilespmem:$0x34E0] =	vst v1;
	v1 =	vld [tilespmem:$0x1FFD0];
	_ =	sdelay $0x4  }
0x8c: {  	v1 =	vadd.s32 v3, v1  }
0x8d: {  	[tilespmem:$0x34F0] =	vst v1  }
0x8e: {  	[tilespmem:s9], [sflag:$0x2] =	stream.indirect.gather [hbm4b:s5+s7], $0x80, s8, s7, $0xb8;
	[tilespmem:$0x13600] =	vst v63  }
0x8f: {  	_ =	swait.ge [sflag:s10], $0x4000  }
0x90: {  	[sflag:s10] =	ssyncset.done $0x0  }
0x91: {  	s19 =	rddreg [dreg:$0x6];
	[sflag:s10] =	ssyncadd.s32 $0xFFFFC000  }
0x92: {  	[hbm4b:s19+s3] =	stream.linear.scatter [tilespmem:s13], [sflag:$0x5], $0x4000, $0x38;
	[tilespmem:$0x13600] =	vst v63  }
0x93: {  	v1 =	vld [tilespmem:$0x100];
	_ =	sdelay $0x4  }
0x94: {  	v2 =	vld [tilespmem:$0x110];
	v1 =	vadd.s32 v1, v32  }
0x95: {  	[tilespmem:$0x3500] =	vst v1;
	v1 =	vld [tilespmem:$0x1FFE0];
	_ =	sdelay $0x4  }
0x96: {  	v3 =	vld [tilespmem:$0x120];
	v1 =	vadd.s32 v2, v1  }
0x97: {  	[tilespmem:$0x3510] =	vst v1;
	v1 =	vld [tilespmem:$0x1FFF0]  }
0x98: {  	v63 =	vld [tilespmem:$0x130]  }
0x99: {  	v9 =	vld [tilespmem:$0x140]  }
0x9a: {  	v10 =	vld [tilespmem:$0x150]  }
0x9b: {  	v2 =	vld [tilespmem:$0x160]  }
0x9c: {  	v1 =	vadd.s32 v3, v1;
	v3 =	vld [tilespmem:$0x170]  }
0x9d: {  	[tilespmem:$0x3520] =	vst v1;
	v1 =	vadd.s32 v63, v18  }
0x9e: {  	[tilespmem:$0x3530] =	vst v1;
	v1 =	vadd.s32 v9, v19  }
0x9f: {  	[tilespmem:$0x3540] =	vst v1;
	v1 =	vadd.s32 v10, v20  }
0xa0: {  	[tilespmem:$0x3550] =	vst v1;
	v1 =	vadd.s32 v2, v21  }
0xa1: {  	[tilespmem:$0x3560] =	vst v1;
	v1 =	vadd.s32 v3, v22  }
0xa2: {  	s14 =	simm.s32 $0xB600;
	[tilespmem:$0x3570] =	vst v1  }
0xa3: {  	[tilespmem:s14], [sflag:$0x3] =	stream.indirect.gather [hbm4b:s5+s7], $0x80, s11, s7, $0xb8;
	[tilespmem:$0x13600] =	vst v63  }
0xa4: {  	_ =	swait.ge [sflag:s15], $0x4000  }
0xa5: {  	[sflag:s15] =	ssyncset.done $0x0  }
0xa6: {  	s20 =	rddreg [dreg:$0x7];
	[sflag:s15] =	ssyncadd.s32 $0xFFFFC000  }
0xa7: {  	[hbm4b:s20+s3] =	stream.linear.scatter [tilespmem:s9], [sflag:$0x6], $0x4000, $0x38;
	[tilespmem:$0x13600] =	vst v63  }
0xa8: {  	v1 =	vld [tilespmem:$0x180]  }
0xa9: {  	v2 =	vld [tilespmem:$0x190]  }
0xaa: {  	v3 =	vld [tilespmem:$0x1A0]  }
0xab: {  	v11 =	vld [tilespmem:$0x1B0]  }
0xac: {  	v12 =	vld [tilespmem:$0x1C0]  }
0xad: {  	v13 =	vld [tilespmem:$0x1D0];
	v1 =	vadd.s32 v1, v23  }
0xae: {  	[tilespmem:$0x3580] =	vst v1;
	v1 =	vadd.s32 v2, v24;
	v2 =	vld [tilespmem:$0x1E0]  }
0xaf: {  	[tilespmem:$0x3590] =	vst v1;
	v1 =	vadd.s32 v3, v25;
	v3 =	vld [tilespmem:$0x1F0]  }
0xb0: {  	[tilespmem:$0x35A0] =	vst v1;
	v1 =	vadd.s32 v11, v26  }
0xb1: {  	[tilespmem:$0x35B0] =	vst v1;
	v1 =	vadd.s32 v12, v27  }
0xb2: {  	[tilespmem:$0x35C0] =	vst v1;
	v1 =	vadd.s32 v13, v28  }
0xb3: {  	[tilespmem:$0x35D0] =	vst v1;
	v1 =	vadd.s32 v2, v29  }
0xb4: {  	[tilespmem:$0x35E0] =	vst v1;
	v1 =	vadd.s32 v3, v33  }
0xb5: {  	s21 =	simm.s32 $0x3580;
	s4 =	simm.s32 $0xF600;
	s22 =	simm.s32 $0x3;
	[tilespmem:$0x35F0] =	vst v1  }
0xb6: {  	[tilespmem:s4], [sflag:$0x4] =	stream.indirect.gather [hbm4b:s5+s7], $0x80, s21, s7, $0xb8;
	[tilespmem:$0x13600] =	vst v63  }
0xb7: {  	_ =	swait.ge [sflag:s22], $0x4000  }
0xb8: {  	[sflag:s22] =	ssyncset.done $0x0;
	s6 =	rddreg [dreg:$0xb]  }
0xb9: {  	s24 =	simm.s32 $0x5;
	[sflag:s22] =	ssyncadd.s32 $0xFFFFC000;
	s23 =	sadd.s32 $0xFFFFF800, s6  }
0xba: {  	[hbm4b:s23+s3] =	stream.linear.scatter [tilespmem:s14], [sflag:$0x7], $0x4000, $0x38;
	[tilespmem:$0x13600] =	vst v63  }
0xbb: {  	_ =	swait.ge [sflag:s24], $0x4000  }
0xbc: {  	s25 =	rddreg [dreg:$0x3]  }
0xbd: {  	s1 =	sadd.s32 $0x0, s25  }
0xbe: {  	s0 =	sadd.s32 $0x200, s1  }
0xbf: {  	v1 =	vor.u32 s0, v0  }
0xc0: {  	[sflag:s24] =	ssyncset.done $0x0;
	v2 =	vmulhi.u32 $0x4EC4EC4F, v1  }
0xc1: {  	[sflag:s24] =	ssyncadd.s32 $0xFFFFC000;
	s0 =	simm.s32 $0x3F0  }
0xc2: {  	v3 =	vld [tilespmem:s0+$0xFFFFFE10];
	v2 =	vshrl.u32 v2, $0x3  }
0xc3: {  	v2 =	vmul.u32 $0x1A, v2;
	_ =	sdelay $0x1  }
0xc4: {  	s26 =	sadd.s32 $0x210, s1;
	v1 =	vsub.s32 v1, v2  }
0xc5: {  	v2 =	vor.u32 s26, v0;
	v1 =	vshll.u32 v1, $0x1  }
0xc6: {  	v14 =	vmulhi.u32 $0x4EC4EC4F, v2;
	v1 =	vadd.s32 v3, v1  }
0xc7: {  	v1 =	vadd.s32 v30, v1  }
0xc8: {  	v3 =	vshrl.u32 v14, $0x3;
	[tilespmem:$0x3400] =	vst v1  }
0xc9: {  	v1 =	vmul.u32 $0x1A, v3;
	v3 =	vld [tilespmem:s0+$0xFFFFFE20]  }
0xca: {  	v15 =	vand.u32 $0x1F, v2  }
0xcb: {  	s28 =	sadd.s32 $0x220, s1;
	v1 =	vsub.s32 v2, v1;
	v2 =	vmul.u32 $0x34, v15  }
0xcc: {  	v34 =	vor.u32 s28, v0;
	v1 =	vshll.u32 v1, $0x1  }
0xcd: {  	v1 =	vadd.s32 v1, v2;
	v2 =	vmulhi.u32 $0x4EC4EC4F, v34  }
0xce: {  	v1 =	vadd.s32 v3, v1  }
0xcf: {  	v2 =	vshrl.u32 v2, $0x3;
	[tilespmem:$0x3410] =	vst v1  }
0xd0: {  	v1 =	vmul.u32 $0x1A, v2;
	v2 =	vld [tilespmem:s0+$0xFFFFFE30]  }
0xd1: {  	v3 =	vand.u32 $0x2F, v34  }
0xd2: {  	s29 =	sadd.s32 $0x230, s1;
	v3 =	vmul.u32 $0x34, v3;
	v1 =	vsub.s32 v34, v1  }
0xd3: {  	v35 =	vor.u32 s29, v0;
	v1 =	vshll.u32 v1, $0x1  }
0xd4: {  	v1 =	vadd.s32 v1, v3;
	v3 =	vmulhi.u32 $0x4EC4EC4F, v35  }
0xd5: {  	v1 =	vadd.s32 v2, v1  }
0xd6: {  	v2 =	vshrl.u32 v3, $0x3;
	[tilespmem:$0x3420] =	vst v1  }
0xd7: {  	v1 =	vmul.u32 $0x1A, v2;
	v2 =	vld [tilespmem:s0+$0xFFFFFE40]  }
0xd8: {  	v3 =	vand.u32 $0x3F, v35  }
0xd9: {  	s30 =	sadd.s32 $0x240, s1;
	v3 =	vmul.u32 $0x34, v3;
	v1 =	vsub.s32 v35, v1  }
0xda: {  	v36 =	vor.u32 s30, v0;
	v1 =	vshll.u32 v1, $0x1  }
0xdb: {  	v1 =	vadd.s32 v1, v3;
	v3 =	vmulhi.u32 $0x4EC4EC4F, v36  }
0xdc: {  	v1 =	vadd.s32 v2, v1  }
0xdd: {  	v2 =	vshrl.u32 v3, $0x3;
	[tilespmem:$0x3430] =	vst v1  }
0xde: {  	v1 =	vmul.u32 $0x1A, v2;
	v2 =	vld [tilespmem:s0+$0xFFFFFE50]  }
0xdf: {  	v3 =	vand.u32 $0x4F, v36  }
0xe0: {  	s16 =	sadd.s32 $0x250, s1;
	v3 =	vmul.u32 $0x34, v3;
	v1 =	vsub.s32 v36, v1  }
0xe1: {  	v37 =	vor.u32 s16, v0;
	v1 =	vshll.u32 v1, $0x1  }
0xe2: {  	v1 =	vadd.s32 v1, v3;
	v3 =	vmulhi.u32 $0x4EC4EC4F, v37  }
0xe3: {  	v1 =	vadd.s32 v2, v1  }
0xe4: {  	v2 =	vshrl.u32 v3, $0x3;
	[tilespmem:$0x3440] =	vst v1  }
0xe5: {  	v1 =	vmul.u32 $0x1A, v2;
	v2 =	vld [tilespmem:s0+$0xFFFFFE60]  }
0xe6: {  	v3 =	vand.u32 $0x5F, v37  }
0xe7: {  	s17 =	sadd.s32 $0x260, s1;
	v3 =	vmul.u32 $0x34, v3;
	v1 =	vsub.s32 v37, v1  }
0xe8: {  	v38 =	vor.u32 s17, v0;
	v1 =	vshll.u32 v1, $0x1  }
0xe9: {  	v1 =	vadd.s32 v1, v3;
	v3 =	vmulhi.u32 $0x4EC4EC4F, v38  }
0xea: {  	v1 =	vadd.s32 v2, v1  }
0xeb: {  	v2 =	vshrl.u32 v3, $0x3;
	[tilespmem:$0x3450] =	vst v1  }
0xec: {  	v1 =	vmul.u32 $0x1A, v2;
	v2 =	vld [tilespmem:s0+$0xFFFFFE70]  }
0xed: {  	v3 =	vand.u32 $0x6F, v38  }
0xee: {  	s18 =	sadd.s32 $0x270, s1;
	v3 =	vmul.u32 $0x34, v3;
	v1 =	vsub.s32 v38, v1  }
0xef: {  	v39 =	vor.u32 s18, v0;
	v1 =	vshll.u32 v1, $0x1  }
0xf0: {  	v1 =	vadd.s32 v1, v3;
	v3 =	vmulhi.u32 $0x4EC4EC4F, v39  }
0xf1: {  	v1 =	vadd.s32 v2, v1  }
0xf2: {  	v2 =	vshrl.u32 v3, $0x3;
	[tilespmem:$0x3460] =	vst v1  }
0xf3: {  	v1 =	vmul.u32 $0x1A, v2;
	v2 =	vld [tilespmem:s0+$0xFFFFFE80]  }
0xf4: {  	v3 =	vand.u32 $0x7F, v39  }
0xf5: {  	v3 =	vmul.u32 $0x34, v3;
	v1 =	vsub.s32 v39, v1  }
0xf6: {  	v1 =	vshll.u32 v1, $0x1  }
0xf7: {  	v1 =	vadd.s32 v1, v3  }
0xf8: {  	v1 =	vadd.s32 v2, v1  }
0xf9: {  	s19 =	simm.s32 $0x4;
	[tilespmem:$0x3470] =	vst v1  }
0xfa: {  	[tilespmem:s13], [sflag:$0x1] =	stream.indirect.gather [hbm4b:s5+s7], $0x80, s12, s7, $0xb8;
	[tilespmem:$0x13600] =	vst v63  }
0xfb: {  	_ =	swait.ge [sflag:s19], $0x4000  }
0xfc: {  	[sflag:s19] =	ssyncset.done $0x0  }
0xfd: {  	s21 =	simm.s32 $0x6;
	s20 =	sadd.s32 $0x280, s1;
	[sflag:s19] =	ssyncadd.s32 $0xFFFFC000  }
0xfe: {  	v1 =	vor.u32 s20, v0;
	[hbm4b:s6+s3] =	stream.linear.scatter [tilespmem:s4], [sflag:$0x8], $0x4000, $0x38;
	[tilespmem:$0x13600] =	vst v63  }
0xff: {  	v2 =	vmulhi.u32 $0x4EC4EC4F, v1;
	_ =	swait.ge [sflag:s21], $0x4000  }
0x100: {  	[sflag:s21] =	ssyncset.done $0x0  }
0x101: {  	v2 =	vshrl.u32 v2, $0x3;
	[sflag:s21] =	ssyncadd.s32 $0xFFFFC000  }
0x102: {  	v2 =	vmul.u32 $0x1A, v2;
	v3 =	vld [tilespmem:s0+$0xFFFFFE90]  }
0x103: {  	v40 =	vand.u32 $0x8F, v1  }
0x104: {  	s22 =	sadd.s32 $0x290, s1;
	v1 =	vsub.s32 v1, v2;
	v2 =	vmul.u32 $0x34, v40  }
0x105: {  	v41 =	vor.u32 s22, v0;
	v1 =	vshll.u32 v1, $0x1  }
0x106: {  	v1 =	vadd.s32 v1, v2;
	v2 =	vmulhi.u32 $0x4EC4EC4F, v41  }
0x107: {  	v1 =	vadd.s32 v3, v1  }
0x108: {  	v2 =	vshrl.u32 v2, $0x3;
	[tilespmem:$0x3480] =	vst v1  }
0x109: {  	v1 =	vmul.u32 $0x1A, v2;
	v2 =	vld [tilespmem:s0+$0xFFFFFEA0]  }
0x10a: {  	v3 =	vand.u32 $0x9F, v41  }
0x10b: {  	s23 =	sadd.s32 $0x2A0, s1;
	v3 =	vmul.u32 $0x34, v3;
	v1 =	vsub.s32 v41, v1  }
0x10c: {  	v42 =	vor.u32 s23, v0;
	v1 =	vshll.u32 v1, $0x1  }
0x10d: {  	v1 =	vadd.s32 v1, v3;
	v3 =	vmulhi.u32 $0x4EC4EC4F, v42  }
0x10e: {  	v1 =	vadd.s32 v2, v1  }
0x10f: {  	v2 =	vshrl.u32 v3, $0x3;
	[tilespmem:$0x3490] =	vst v1  }
0x110: {  	v1 =	vmul.u32 $0x1A, v2;
	v2 =	vld [tilespmem:s0+$0xFFFFFEB0]  }
0x111: {  	v3 =	vand.u32 $0xAF, v42  }
0x112: {  	s24 =	sadd.s32 $0x2B0, s1;
	v3 =	vmul.u32 $0x34, v3;
	v1 =	vsub.s32 v42, v1  }
0x113: {  	v43 =	vor.u32 s24, v0;
	v1 =	vshll.u32 v1, $0x1  }
0x114: {  	v1 =	vadd.s32 v1, v3;
	v3 =	vmulhi.u32 $0x4EC4EC4F, v43  }
0x115: {  	v1 =	vadd.s32 v2, v1  }
0x116: {  	v2 =	vshrl.u32 v3, $0x3;
	[tilespmem:$0x34A0] =	vst v1  }
0x117: {  	v1 =	vmul.u32 $0x1A, v2;
	v2 =	vld [tilespmem:s0+$0xFFFFFEC0]  }
0x118: {  	v3 =	vand.u32 $0xBF, v43  }
0x119: {  	s25 =	sadd.s32 $0x2C0, s1;
	v3 =	vmul.u32 $0x34, v3;
	v1 =	vsub.s32 v43, v1  }
0x11a: {  	v44 =	vor.u32 s25, v0;
	v1 =	vshll.u32 v1, $0x1  }
0x11b: {  	v1 =	vadd.s32 v1, v3;
	v3 =	vmulhi.u32 $0x4EC4EC4F, v44  }
0x11c: {  	v1 =	vadd.s32 v2, v1  }
0x11d: {  	v2 =	vshrl.u32 v3, $0x3;
	[tilespmem:$0x34B0] =	vst v1  }
0x11e: {  	v1 =	vmul.u32 $0x1A, v2;
	v2 =	vld [tilespmem:s0+$0xFFFFFED0]  }
0x11f: {  	v3 =	vand.u32 $0xCF, v44  }
0x120: {  	s26 =	sadd.s32 $0x2D0, s1;
	v3 =	vmul.u32 $0x34, v3;
	v1 =	vsub.s32 v44, v1  }
0x121: {  	v45 =	vor.u32 s26, v0;
	v1 =	vshll.u32 v1, $0x1  }
0x122: {  	v1 =	vadd.s32 v1, v3;
	v3 =	vmulhi.u32 $0x4EC4EC4F, v45  }
0x123: {  	v1 =	vadd.s32 v2, v1  }
0x124: {  	v2 =	vshrl.u32 v3, $0x3;
	[tilespmem:$0x34C0] =	vst v1  }
0x125: {  	v1 =	vmul.u32 $0x1A, v2;
	v2 =	vld [tilespmem:s0+$0xFFFFFEE0]  }
0x126: {  	v3 =	vand.u32 $0xDF, v45  }
0x127: {  	s28 =	sadd.s32 $0x2E0, s1;
	v3 =	vmul.u32 $0x34, v3;
	v1 =	vsub.s32 v45, v1  }
0x128: {  	v46 =	vor.u32 s28, v0;
	v1 =	vshll.u32 v1, $0x1  }
0x129: {  	v1 =	vadd.s32 v1, v3;
	v3 =	vmulhi.u32 $0x4EC4EC4F, v46  }
0x12a: {  	v1 =	vadd.s32 v2, v1  }
0x12b: {  	v2 =	vshrl.u32 v3, $0x3;
	[tilespmem:$0x34D0] =	vst v1  }
0x12c: {  	v1 =	vmul.u32 $0x1A, v2;
	v2 =	vld [tilespmem:s0+$0xFFFFFEF0]  }
0x12d: {  	v3 =	vand.u32 $0xEF, v46  }
0x12e: {  	s29 =	sadd.s32 $0x2F0, s1;
	v3 =	vmul.u32 $0x34, v3;
	v1 =	vsub.s32 v46, v1  }
0x12f: {  	v47 =	vor.u32 s29, v0;
	v1 =	vshll.u32 v1, $0x1  }
0x130: {  	v1 =	vadd.s32 v1, v3;
	v3 =	vmulhi.u32 $0x4EC4EC4F, v47  }
0x131: {  	v1 =	vadd.s32 v2, v1  }
0x132: {  	v2 =	vshrl.u32 v3, $0x3;
	[tilespmem:$0x34E0] =	vst v1  }
0x133: {  	v1 =	vmul.u32 $0x1A, v2;
	v2 =	vld [tilespmem:s0+$0xFFFFFF00]  }
0x134: {  	v3 =	vand.u32 $0xFF, v47  }
0x135: {  	v3 =	vmul.u32 $0x34, v3;
	v1 =	vsub.s32 v47, v1  }
0x136: {  	v1 =	vshll.u32 v1, $0x1  }
0x137: {  	v1 =	vadd.s32 v1, v3  }
0x138: {  	v1 =	vadd.s32 v2, v1  }
0x139: {  	[tilespmem:$0x34F0] =	vst v1  }
0x13a: {  	[tilespmem:s9], [sflag:$0x2] =	stream.indirect.gather [hbm4b:s5+s7], $0x80, s8, s7, $0xb8;
	[tilespmem:$0x13600] =	vst v63  }
0x13b: {  	_ =	swait.ge [sflag:s10], $0x4000  }
0x13c: {  	s30 =	sadd.s32 $0x300, s1;
	[sflag:s10] =	ssyncset.done $0x0  }
0x13d: {  	s8 =	sadd.s32 $0x800, s6;
	[sflag:s10] =	ssyncadd.s32 $0xFFFFC000;
	s10 =	simm.s32 $0x7  }
0x13e: {  	[hbm4b:s8+s3] =	stream.linear.scatter [tilespmem:s13], [sflag:$0x5], $0x4000, $0x38;
	[tilespmem:$0x13600] =	vst v63  }
0x13f: {  	v1 =	vor.u32 s30, v0;
	_ =	swait.ge [sflag:s10], $0x4000  }
0x140: {  	v2 =	vmulhi.u32 $0x4EC4EC4F, v1;
	[sflag:s10] =	ssyncset.done $0x0  }
0x141: {  	[sflag:s10] =	ssyncadd.s32 $0xFFFFC000  }
0x142: {  	v2 =	vshrl.u32 v2, $0x3;
	v3 =	vld [tilespmem:s0+$0xFFFFFF10]  }
0x143: {  	v2 =	vmul.u32 $0x1A, v2;
	_ =	sdelay $0x1  }
0x144: {  	s12 =	sadd.s32 $0x310, s1;
	v1 =	vsub.s32 v1, v2  }
0x145: {  	v2 =	vor.u32 s12, v0;
	v1 =	vshll.u32 v1, $0x1  }
0x146: {  	v48 =	vmulhi.u32 $0x4EC4EC4F, v2;
	v1 =	vadd.s32 v3, v1  }
0x147: {  	v1 =	vadd.s32 v30, v1  }
0x148: {  	v3 =	vshrl.u32 v48, $0x3;
	[tilespmem:$0x3500] =	vst v1  }
0x149: {  	v1 =	vmul.u32 $0x1A, v3;
	v3 =	vld [tilespmem:s0+$0xFFFFFF20]  }
0x14a: {  	v49 =	vand.u32 $0x1F, v2  }
0x14b: {  	s13 =	sadd.s32 $0x320, s1;
	v1 =	vsub.s32 v2, v1;
	v2 =	vmul.u32 $0x34, v49  }
0x14c: {  	v50 =	vor.u32 s13, v0;
	v1 =	vshll.u32 v1, $0x1  }
0x14d: {  	v1 =	vadd.s32 v1, v2;
	v2 =	vmulhi.u32 $0x4EC4EC4F, v50  }
0x14e: {  	v1 =	vadd.s32 v3, v1  }
0x14f: {  	v2 =	vshrl.u32 v2, $0x3;
	[tilespmem:$0x3510] =	vst v1  }
0x150: {  	v1 =	vmul.u32 $0x1A, v2;
	v2 =	vld [tilespmem:s0+$0xFFFFFF30]  }
0x151: {  	v3 =	vand.u32 $0x2F, v50  }
0x152: {  	s16 =	sadd.s32 $0x330, s1;
	v3 =	vmul.u32 $0x34, v3;
	v1 =	vsub.s32 v50, v1  }
0x153: {  	v51 =	vor.u32 s16, v0;
	v1 =	vshll.u32 v1, $0x1  }
0x154: {  	v1 =	vadd.s32 v1, v3;
	v3 =	vmulhi.u32 $0x4EC4EC4F, v51  }
0x155: {  	v1 =	vadd.s32 v2, v1  }
0x156: {  	v2 =	vshrl.u32 v3, $0x3;
	[tilespmem:$0x3520] =	vst v1  }
0x157: {  	v1 =	vmul.u32 $0x1A, v2;
	v2 =	vld [tilespmem:s0+$0xFFFFFF40]  }
0x158: {  	v3 =	vand.u32 $0x3F, v51  }
0x159: {  	s17 =	sadd.s32 $0x340, s1;
	v3 =	vmul.u32 $0x34, v3;
	v1 =	vsub.s32 v51, v1  }
0x15a: {  	v52 =	vor.u32 s17, v0;
	v1 =	vshll.u32 v1, $0x1  }
0x15b: {  	v1 =	vadd.s32 v1, v3;
	v3 =	vmulhi.u32 $0x4EC4EC4F, v52  }
0x15c: {  	v1 =	vadd.s32 v2, v1  }
0x15d: {  	v2 =	vshrl.u32 v3, $0x3;
	[tilespmem:$0x3530] =	vst v1  }
0x15e: {  	v1 =	vmul.u32 $0x1A, v2;
	v2 =	vld [tilespmem:s0+$0xFFFFFF50]  }
0x15f: {  	v3 =	vand.u32 $0x4F, v52  }
0x160: {  	s18 =	sadd.s32 $0x350, s1;
	v3 =	vmul.u32 $0x34, v3;
	v1 =	vsub.s32 v52, v1  }
0x161: {  	v53 =	vor.u32 s18, v0;
	v1 =	vshll.u32 v1, $0x1  }
0x162: {  	v1 =	vadd.s32 v1, v3;
	v3 =	vmulhi.u32 $0x4EC4EC4F, v53  }
0x163: {  	v1 =	vadd.s32 v2, v1  }
0x164: {  	v2 =	vshrl.u32 v3, $0x3;
	[tilespmem:$0x3540] =	vst v1  }
0x165: {  	v1 =	vmul.u32 $0x1A, v2;
	v2 =	vld [tilespmem:s0+$0xFFFFFF60]  }
0x166: {  	v3 =	vand.u32 $0x5F, v53  }
0x167: {  	s19 =	sadd.s32 $0x360, s1;
	v3 =	vmul.u32 $0x34, v3;
	v1 =	vsub.s32 v53, v1  }
0x168: {  	v54 =	vor.u32 s19, v0;
	v1 =	vshll.u32 v1, $0x1  }
0x169: {  	v1 =	vadd.s32 v1, v3;
	v3 =	vmulhi.u32 $0x4EC4EC4F, v54  }
0x16a: {  	v1 =	vadd.s32 v2, v1  }
0x16b: {  	v2 =	vshrl.u32 v3, $0x3;
	[tilespmem:$0x3550] =	vst v1  }
0x16c: {  	v1 =	vmul.u32 $0x1A, v2;
	v2 =	vld [tilespmem:s0+$0xFFFFFF70]  }
0x16d: {  	v3 =	vand.u32 $0x6F, v54  }
0x16e: {  	s20 =	sadd.s32 $0x370, s1;
	v3 =	vmul.u32 $0x34, v3;
	v1 =	vsub.s32 v54, v1  }
0x16f: {  	v55 =	vor.u32 s20, v0;
	v1 =	vshll.u32 v1, $0x1  }
0x170: {  	v1 =	vadd.s32 v1, v3;
	v3 =	vmulhi.u32 $0x4EC4EC4F, v55  }
0x171: {  	v1 =	vadd.s32 v2, v1  }
0x172: {  	v2 =	vshrl.u32 v3, $0x3;
	[tilespmem:$0x3560] =	vst v1  }
0x173: {  	v1 =	vmul.u32 $0x1A, v2;
	v2 =	vld [tilespmem:s0+$0xFFFFFF80]  }
0x174: {  	v3 =	vand.u32 $0x7F, v55  }
0x175: {  	v3 =	vmul.u32 $0x34, v3;
	v1 =	vsub.s32 v55, v1  }
0x176: {  	v1 =	vshll.u32 v1, $0x1  }
0x177: {  	v1 =	vadd.s32 v1, v3  }
0x178: {  	v1 =	vadd.s32 v2, v1  }
0x179: {  	[tilespmem:$0x3570] =	vst v1  }
0x17a: {  	[tilespmem:s14], [sflag:$0x3] =	stream.indirect.gather [hbm4b:s5+s7], $0x80, s11, s7, $0xb8;
	[tilespmem:$0x13600] =	vst v63  }
0x17b: {  	_ =	swait.ge [sflag:s15], $0x4000  }
0x17c: {  	s22 =	sadd.s32 $0x1000, s6;
	[sflag:s15] =	ssyncset.done $0x0  }
0x17d: {  	s23 =	simm.s32 $0x8;
	s21 =	sadd.s32 $0x380, s1;
	[sflag:s15] =	ssyncadd.s32 $0xFFFFC000  }
0x17e: {  	v1 =	vor.u32 s21, v0;
	[hbm4b:s22+s3] =	stream.linear.scatter [tilespmem:s9], [sflag:$0x6], $0x4000, $0x38;
	[tilespmem:$0x13600] =	vst v63  }
0x17f: {  	v2 =	vmulhi.u32 $0x4EC4EC4F, v1;
	_ =	swait.ge [sflag:s23], $0x4000  }
0x180: {  	[sflag:s23] =	ssyncset.done $0x0  }
0x181: {  	v2 =	vshrl.u32 v2, $0x3;
	[sflag:s23] =	ssyncadd.s32 $0xFFFFC000  }
0x182: {  	v2 =	vmul.u32 $0x1A, v2;
	v3 =	vld [tilespmem:s0+$0xFFFFFF90]  }
0x183: {  	v56 =	vand.u32 $0x8F, v1  }
0x184: {  	s24 =	sadd.s32 $0x390, s1;
	v1 =	vsub.s32 v1, v2;
	v2 =	vmul.u32 $0x34, v56  }
0x185: {  	v57 =	vor.u32 s24, v0;
	v1 =	vshll.u32 v1, $0x1  }
0x186: {  	v1 =	vadd.s32 v1, v2;
	v2 =	vmulhi.u32 $0x4EC4EC4F, v57  }
0x187: {  	v1 =	vadd.s32 v3, v1  }
0x188: {  	v2 =	vshrl.u32 v2, $0x3;
	[tilespmem:$0x3580] =	vst v1  }
0x189: {  	v1 =	vmul.u32 $0x1A, v2;
	v2 =	vld [tilespmem:s0+$0xFFFFFFA0]  }
0x18a: {  	v3 =	vand.u32 $0x9F, v57  }
0x18b: {  	s25 =	sadd.s32 $0x3A0, s1;
	v3 =	vmul.u32 $0x34, v3;
	v1 =	vsub.s32 v57, v1  }
0x18c: {  	v58 =	vor.u32 s25, v0;
	v1 =	vshll.u32 v1, $0x1  }
0x18d: {  	v1 =	vadd.s32 v1, v3;
	v3 =	vmulhi.u32 $0x4EC4EC4F, v58  }
0x18e: {  	v1 =	vadd.s32 v2, v1  }
0x18f: {  	v2 =	vshrl.u32 v3, $0x3;
	[tilespmem:$0x3590] =	vst v1  }
0x190: {  	v1 =	vmul.u32 $0x1A, v2;
	v2 =	vld [tilespmem:s0+$0xFFFFFFB0]  }
0x191: {  	v3 =	vand.u32 $0xAF, v58  }
0x192: {  	s26 =	sadd.s32 $0x3B0, s1;
	v3 =	vmul.u32 $0x34, v3;
	v1 =	vsub.s32 v58, v1  }
0x193: {  	v59 =	vor.u32 s26, v0;
	v1 =	vshll.u32 v1, $0x1  }
0x194: {  	v1 =	vadd.s32 v1, v3;
	v3 =	vmulhi.u32 $0x4EC4EC4F, v59  }
0x195: {  	v1 =	vadd.s32 v2, v1  }
0x196: {  	v2 =	vshrl.u32 v3, $0x3;
	[tilespmem:$0x35A0] =	vst v1  }
0x197: {  	v1 =	vmul.u32 $0x1A, v2;
	v2 =	vld [tilespmem:s0+$0xFFFFFFC0]  }
0x198: {  	v3 =	vand.u32 $0xBF, v59  }
0x199: {  	s28 =	sadd.s32 $0x3C0, s1;
	v3 =	vmul.u32 $0x34, v3;
	v1 =	vsub.s32 v59, v1  }
0x19a: {  	v60 =	vor.u32 s28, v0;
	v1 =	vshll.u32 v1, $0x1  }
0x19b: {  	v1 =	vadd.s32 v1, v3;
	v3 =	vmulhi.u32 $0x4EC4EC4F, v60  }
0x19c: {  	v1 =	vadd.s32 v2, v1  }
0x19d: {  	v2 =	vshrl.u32 v3, $0x3;
	[tilespmem:$0x35B0] =	vst v1  }
0x19e: {  	v1 =	vmul.u32 $0x1A, v2;
	v2 =	vld [tilespmem:s0+$0xFFFFFFD0]  }
0x19f: {  	v3 =	vand.u32 $0xCF, v60  }
0x1a0: {  	s29 =	sadd.s32 $0x3D0, s1;
	v3 =	vmul.u32 $0x34, v3;
	v1 =	vsub.s32 v60, v1  }
0x1a1: {  	v61 =	vor.u32 s29, v0;
	v1 =	vshll.u32 v1, $0x1  }
0x1a2: {  	v1 =	vadd.s32 v1, v3;
	v3 =	vmulhi.u32 $0x4EC4EC4F, v61  }
0x1a3: {  	v1 =	vadd.s32 v2, v1  }
0x1a4: {  	v2 =	vshrl.u32 v3, $0x3;
	[tilespmem:$0x35C0] =	vst v1  }
0x1a5: {  	v1 =	vmul.u32 $0x1A, v2;
	v2 =	vld [tilespmem:s0+$0xFFFFFFE0]  }
0x1a6: {  	v3 =	vand.u32 $0xDF, v61  }
0x1a7: {  	s30 =	sadd.s32 $0x3E0, s1;
	v3 =	vmul.u32 $0x34, v3;
	v1 =	vsub.s32 v61, v1  }
0x1a8: {  	v62 =	vor.u32 s30, v0;
	v1 =	vshll.u32 v1, $0x1  }
0x1a9: {  	v1 =	vadd.s32 v1, v3;
	v3 =	vmulhi.u32 $0x4EC4EC4F, v62  }
0x1aa: {  	v1 =	vadd.s32 v2, v1  }
0x1ab: {  	v2 =	vshrl.u32 v3, $0x3;
	[tilespmem:$0x35D0] =	vst v1  }
0x1ac: {  	v1 =	vmul.u32 $0x1A, v2;
	v2 =	vld [tilespmem:s0+$0xFFFFFFF0]  }
0x1ad: {  	v3 =	vand.u32 $0xEF, v62  }
0x1ae: {  	s1 =	sadd.s32 $0x3F0, s1;
	v3 =	vmul.u32 $0x34, v3;
	v1 =	vsub.s32 v62, v1  }
0x1af: {  	v63 =	vor.u32 s1, v0;
	v1 =	vshll.u32 v1, $0x1  }
0x1b0: {  	v1 =	vadd.s32 v1, v3;
	v3 =	vmulhi.u32 $0x4EC4EC4F, v63  }
0x1b1: {  	v1 =	vadd.s32 v2, v1  }
0x1b2: {  	v2 =	vshrl.u32 v3, $0x3;
	[tilespmem:$0x35E0] =	vst v1  }
0x1b3: {  	v1 =	vmul.u32 $0x1A, v2;
	v2 =	vld [tilespmem:s0+$0x0]  }
0x1b4: {  	v3 =	vand.u32 $0xFF, v63  }
0x1b5: {  	v3 =	vmul.u32 $0x34, v3;
	v1 =	vsub.s32 v63, v1  }
0x1b6: {  	v1 =	vshll.u32 v1, $0x1  }
0x1b7: {  	v1 =	vadd.s32 v1, v3  }
0x1b8: {  	v1 =	vadd.s32 v2, v1  }
0x1b9: {  	s31 =	simm.s32 $0x200;
	s1 =	sadd.s32 $0x2000, s6;
	s0 =	simm.s32 $0x5F0;
	[tilespmem:$0x35F0] =	vst v1  }
.LBB2_2:
0x1ba: {  	s3 =	rddreg [dreg:$0x4];
	s4 =	simm.s32 $0x80  }
0x1bb: {  	s2 =	simm.s32 $0x3580;
	s5 =	simm.s32 $0xF600;
	s10 =	simm.s32 $0x3  }
0x1bc: {  	[tilespmem:s5], [sflag:$0x4] =	stream.indirect.gather [hbm4b:s3+s4], $0x80, s2, s4, $0xb8;
	[tilespmem:$0x13600] =	vst v63  }
0x1bd: {  	_ =	swait.ge [sflag:s10], $0x4000  }
0x1be: {  	s11 =	sadd.s32 $0xFFFFF800, s1;
	s12 =	simm.s32 $0x0;
	[sflag:s10] =	ssyncset.done $0x0  }
0x1bf: {  	s6 =	simm.s32 $0xB600;
	s7 =	simm.s32 $0x5;
	[sflag:s10] =	ssyncadd.s32 $0xFFFFC000  }
0x1c0: {  	[hbm4b:s11+s12] =	stream.linear.scatter [tilespmem:s6], [sflag:$0x7], $0x4000, $0x38;
	[tilespmem:$0x13600] =	vst v63  }
0x1c1: {  	_ =	swait.ge [sflag:s7], $0x4000  }
0x1c2: {  	s9 =	smov.u32 s31;
	s13 =	rddreg [dreg:$0x3]  }
0x1c3: {  	s4 =	sadd.s32 s9, s13  }
0x1c4: {  	s2 =	sadd.s32 $0x200, s4  }
0x1c5: {  	v1 =	vor.u32 s2, v0  }
0x1c6: {  	[sflag:s7] =	ssyncset.done $0x0;
	v4 =	vmulhi.u32 $0x4EC4EC4F, v1  }
0x1c7: {  	[sflag:s7] =	ssyncadd.s32 $0xFFFFC000;
	s14 =	sadd.s32 $0x210, s4;
	s15 =	sadd.s32 $0x220, s4  }
0x1c8: {  	s16 =	sadd.s32 $0x230, s4;
	v10 =	vld [tilespmem:s0+$0xFFFFFE10];
	v2 =	vor.u32 s14, v0;
	v3 =	vor.u32 s15, v0;
	v4 =	vshrl.u32 v4, $0x3  }
0x1c9: {  	s17 =	sadd.s32 $0x240, s4;
	s12 =	sadd.s32 $0x260, s4;
	v8 =	vor.u32 s16, v0;
	v6 =	vmulhi.u32 $0x4EC4EC4F, v2;
	v4 =	vmul.u32 $0x1A, v4  }
0x1ca: {  	s29 =	sadd.s32 $0x270, s4;
	v9 =	vor.u32 s17, v0;
	v60 =	vor.u32 s12, v0;
	v11 =	vmulhi.u32 $0x4EC4EC4F, v3  }
0x1cb: {  	s28 =	sadd.s32 $0x280, s4;
	v36 =	vor.u32 s29, v0;
	v34 =	vmulhi.u32 $0x4EC4EC4F, v8;
	v1 =	vsub.s32 v1, v4  }
0x1cc: {  	s26 =	sadd.s32 $0x290, s4;
	v15 =	vor.u32 s28, v0;
	v35 =	vmulhi.u32 $0x4EC4EC4F, v9;
	v1 =	vshll.u32 v1, $0x1  }
0x1cd: {  	s25 =	sadd.s32 $0x2A0, s4;
	v41 =	vor.u32 s26, v0;
	v62 =	vmulhi.u32 $0x4EC4EC4F, v60;
	v1 =	vadd.s32 v10, v1  }
0x1ce: {  	v51 =	vor.u32 s25, v0;
	v14 =	vmulhi.u32 $0x4EC4EC4F, v36;
	v1 =	vadd.s32 v30, v1  }
0x1cf: {  	v5 =	vand.u32 $0x1F, v2;
	v45 =	vmulhi.u32 $0x4EC4EC4F, v15;
	v6 =	vshrl.u32 v6, $0x3;
	[tilespmem:$0x3400] =	vst v1  }
0x1d0: {  	s2 =	sadd.s32 $0x250, s4;
	v7 =	vand.u32 $0x2F, v3;
	v46 =	vmulhi.u32 $0x4EC4EC4F, v41;
	v6 =	vmul.u32 $0x1A, v6;
	v57 =	vld [tilespmem:s0+$0xFFFFFE20]  }
0x1d1: {  	v12 =	vand.u32 $0x3F, v8;
	v59 =	vor.u32 s2, v0;
	v53 =	vmulhi.u32 $0x4EC4EC4F, v51  }
0x1d2: {  	v42 =	vand.u32 $0xAF, v51;
	v5 =	vmul.u32 $0x34, v5;
	v2 =	vsub.s32 v2, v6  }
0x1d3: {  	v61 =	vmulhi.u32 $0x4EC4EC4F, v59;
	v37 =	vand.u32 $0x5F, v59;
	v2 =	vshll.u32 v2, $0x1  }
0x1d4: {  	v7 =	vmul.u32 $0x34, v7;
	v11 =	vshrl.u32 v11, $0x3;
	v2 =	vadd.s32 v2, v5  }
0x1d5: {  	s19 =	sadd.s32 $0x300, s4;
	v55 =	vshrl.u32 v34, $0x3;
	v34 =	vand.u32 $0x8F, v15;
	v2 =	vadd.s32 v57, v2  }
0x1d6: {  	v48 =	vshrl.u32 v46, $0x3;
	v46 =	vor.u32 s19, v0;
	v54 =	vmul.u32 $0x1A, v11;
	[tilespmem:$0x3410] =	vst v2  }
0x1d7: {  	s24 =	sadd.s32 $0x2C0, s4;
	v37 =	vmul.u32 $0x34, v37;
	v56 =	vmul.u32 $0x1A, v55;
	v50 =	vmul.u32 $0x1A, v48;
	v38 =	vld [tilespmem:s0+$0xFFFFFE30]  }
0x1d8: {  	s23 =	sadd.s32 $0x2B0, s4;
	v55 =	vor.u32 s24, v0;
	v34 =	vmul.u32 $0x34, v34;
	v3 =	vsub.s32 v3, v54  }
0x1d9: {  	s22 =	sadd.s32 $0x2F0, s4;
	v54 =	vor.u32 s23, v0;
	v4 =	vshll.u32 v3, $0x1;
	v3 =	vsub.s32 v8, v56  }
0x1da: {  	v8 =	vand.u32 $0x4F, v9;
	v48 =	vmulhi.u32 $0x4EC4EC4F, v54;
	v56 =	vor.u32 s22, v0  }
0x1db: {  	v10 =	vshrl.u32 v62, $0x3;
	v4 =	vadd.s32 v4, v7;
	v8 =	vmul.u32 $0x34, v8  }
0x1dc: {  	v13 =	vmul.u32 $0x1A, v10;
	v10 =	vshrl.u32 v14, $0x3;
	v4 =	vadd.s32 v38, v4  }
0x1dd: {  	v14 =	vmulhi.u32 $0x4EC4EC4F, v46;
	v1 =	vshll.u32 v3, $0x1;
	v3 =	vshrl.u32 v35, $0x3;
	[tilespmem:$0x3420] =	vst v4  }
0x1de: {  	v35 =	vshrl.u32 v61, $0x3;
	v44 =	vmul.u32 $0x1A, v10;
	v10 =	vshrl.u32 v45, $0x3;
	v52 =	vld [tilespmem:s0+$0xFFFFFE40]  }
0x1df: {  	v58 =	vmul.u32 $0x1A, v3;
	v3 =	vand.u32 $0x6F, v60;
	v43 =	vsub.s32 v60, v13  }
0x1e0: {  	v63 =	vmul.u32 $0x1A, v35;
	v6 =	vshll.u32 v43, $0x1;
	v43 =	vmul.u32 $0x34, v12  }
0x1e1: {  	v47 =	vmul.u32 $0x1A, v10;
	v60 =	vmulhi.u32 $0x4EC4EC4F, v56;
	v3 =	vmul.u32 $0x34, v3  }
0x1e2: {  	v9 =	vsub.s32 v9, v58;
	v1 =	vadd.s32 v1, v43;
	v4 =	vshrl.u32 v53, $0x3  }
0x1e3: {  	v5 =	vsub.s32 v59, v63;
	v4 =	vmul.u32 $0x1A, v4;
	v1 =	vadd.s32 v52, v1  }
0x1e4: {  	s14 =	sadd.s32 $0x310, s4;
	v49 =	vsub.s32 v15, v47;
	v58 =	vand.u32 $0xCF, v55;
	v13 =	vshrl.u32 v60, $0x3;
	[tilespmem:$0x3430] =	vst v1  }
0x1e5: {  	v15 =	vor.u32 s14, v0;
	v9 =	vshll.u32 v9, $0x1;
	v4 =	vsub.s32 v51, v4;
	v51 =	vld [tilespmem:s0+$0xFFFFFE50]  }
0x1e6: {  	s20 =	sadd.s32 $0x2E0, s4;
	v40 =	vshll.u32 v5, $0x1;
	v5 =	vsub.s32 v36, v44;
	v39 =	vshll.u32 v49, $0x1  }
0x1e7: {  	s16 =	sadd.s32 $0x320, s4;
	v43 =	vmulhi.u32 $0x4EC4EC4F, v55;
	v49 =	vshrl.u32 v48, $0x3;
	v44 =	vor.u32 s20, v0  }
0x1e8: {  	v48 =	vor.u32 s16, v0;
	v3 =	vadd.s32 v6, v3;
	v35 =	vshll.u32 v5, $0x1  }
0x1e9: {  	s18 =	sadd.s32 $0x340, s4;
	v5 =	vsub.s32 v41, v50;
	v8 =	vadd.s32 v9, v8;
	v9 =	vmul.u32 $0x1A, v13  }
0x1ea: {  	v37 =	vadd.s32 v40, v37;
	v13 =	vor.u32 s18, v0;
	v8 =	vadd.s32 v51, v8  }
0x1eb: {  	v34 =	vadd.s32 v39, v34;
	v45 =	vshll.u32 v5, $0x1;
	v5 =	vand.u32 $0xBF, v54;
	[tilespmem:$0x3440] =	vst v8  }
0x1ec: {  	s17 =	sadd.s32 $0x2D0, s4;
	v50 =	vshrl.u32 v43, $0x3;
	v2 =	vand.u32 $0x7F, v36;
	v1 =	vmul.u32 $0x1A, v49;
	v61 =	vld [tilespmem:s0+$0xFFFFFE60]  }
0x1ed: {  	v11 =	vshll.u32 v4, $0x1;
	v4 =	vmul.u32 $0x1A, v50;
	v52 =	vor.u32 s17, v0  }
0x1ee: {  	v36 =	vand.u32 $0x9F, v41;
	v53 =	vmulhi.u32 $0x4EC4EC4F, v52;
	v1 =	vsub.s32 v54, v1  }
0x1ef: {  	v41 =	vshrl.u32 v14, $0x3;
	v12 =	vshll.u32 v1, $0x1;
	v1 =	vsub.s32 v55, v4  }
0x1f0: {  	v2 =	vmul.u32 $0x34, v2;
	v7 =	vshll.u32 v1, $0x1;
	v1 =	vshrl.u32 v53, $0x3  }
0x1f1: {  	v54 =	vmulhi.u32 $0x4EC4EC4F, v44;
	v55 =	vmul.u32 $0x1A, v1;
	v37 =	vadd.s32 v61, v37  }
0x1f2: {  	v9 =	vsub.s32 v56, v9;
	v2 =	vadd.s32 v35, v2;
	v50 =	vand.u32 $0x2F, v48;
	[tilespmem:$0x3450] =	vst v37  }
0x1f3: {  	v4 =	vshrl.u32 v54, $0x3;
	v53 =	vmulhi.u32 $0x4EC4EC4F, v15;
	v57 =	vsub.s32 v52, v55;
	v55 =	vld [tilespmem:s0+$0xFFFFFE70]  }
0x1f4: {  	v63 =	vand.u32 $0xDF, v52;
	v54 =	vmulhi.u32 $0x4EC4EC4F, v48;
	v59 =	vmul.u32 $0x1A, v4  }
0x1f5: {  	v1 =	vand.u32 $0xEF, v44;
	v4 =	vand.u32 $0xFF, v56;
	v56 =	vand.u32 $0x1F, v15  }
0x1f6: {  	v40 =	vshrl.u32 v53, $0x3;
	v53 =	vand.u32 $0x4F, v13;
	v62 =	vsub.s32 v44, v59  }
0x1f7: {  	s21 =	sadd.s32 $0x330, s4;
	v52 =	vmul.u32 $0x1A, v41;
	v40 =	vmul.u32 $0x1A, v40;
	v10 =	vshll.u32 v57, $0x1  }
0x1f8: {  	v8 =	vshll.u32 v62, $0x1;
	v57 =	vor.u32 s21, v0;
	v3 =	vadd.s32 v55, v3  }
0x1f9: {  	s15 =	sadd.s32 $0x350, s4;
	v59 =	vsub.s32 v46, v52;
	v62 =	vmulhi.u32 $0x4EC4EC4F, v57;
	v40 =	vsub.s32 v15, v40;
	[tilespmem:$0x3460] =	vst v3  }
0x1fa: {  	s11 =	sadd.s32 $0x390, s4;
	v47 =	vand.u32 $0x3F, v57;
	v15 =	vor.u32 s15, v0;
	v6 =	vshll.u32 v40, $0x1;
	v52 =	vld [tilespmem:s0+$0xFFFFFE80]  }
0x1fb: {  	v40 =	vor.u32 s11, v0;
	v37 =	vshrl.u32 v54, $0x3;
	v54 =	vmulhi.u32 $0x4EC4EC4F, v15  }
0x1fc: {  	v43 =	vshrl.u32 v62, $0x3;
	v37 =	vmul.u32 $0x1A, v37;
	v3 =	vmulhi.u32 $0x4EC4EC4F, v13  }
0x1fd: {  	v14 =	vmul.u32 $0x1A, v43;
	v43 =	vand.u32 $0x5F, v15;
	v41 =	vshrl.u32 v54, $0x3  }
0x1fe: {  	s9 =	sadd.s32 $0x3A0, s4;
	v37 =	vsub.s32 v48, v37;
	v41 =	vmul.u32 $0x1A, v41;
	v3 =	vshrl.u32 v3, $0x3  }
0x1ff: {  	s13 =	sadd.s32 $0x360, s4;
	s30 =	sadd.s32 $0x370, s4;
	s12 =	simm.s32 $0x3400;
	v48 =	vor.u32 s9, v0;
	v3 =	vmul.u32 $0x1A, v3;
	v35 =	vadd.s32 v52, v2  }
0x200: {  	s19 =	simm.s32 $0x4;
	s18 =	simm.s32 $0x80;
	v60 =	vshll.u32 v37, $0x1;
	v37 =	vsub.s32 v57, v14;
	v55 =	vor.u32 s13, v0;
	s13 =	simm.s32 $0x3600;
	[tilespmem:$0x3470] =	vst v35  }
0x201: {  	v61 =	vshll.u32 v37, $0x1;
	v62 =	vmulhi.u32 $0x4EC4EC4F, v55;
	v3 =	vsub.s32 v13, v3;
	[tilespmem:s13], [sflag:$0x1] =	stream.indirect.gather [hbm4b:s3+s18], $0x80, s12, s18, $0xb8;
	[tilespmem:$0x13600] =	vst v63  }
0x202: {  	v13 =	vor.u32 s30, v0;
	v2 =	vshll.u32 v3, $0x1;
	v3 =	vsub.s32 v15, v41;
	_ =	swait.ge [sflag:s19], $0x4000  }
0x203: {  	s10 =	sadd.s32 $0x380, s4;
	s22 =	simm.s32 $0x6;
	v14 =	vmulhi.u32 $0x4EC4EC4F, v13;
	v57 =	vshll.u32 v3, $0x1;
	v3 =	vshrl.u32 v62, $0x3;
	[sflag:s19] =	ssyncset.done $0x0  }
0x204: {  	s20 =	simm.s32 $0x0;
	s21 =	simm.s32 $0xF600;
	v37 =	vand.u32 $0x9F, v40;
	v15 =	vor.u32 s10, v0;
	v3 =	vmul.u32 $0x1A, v3;
	[sflag:s19] =	ssyncadd.s32 $0xFFFFC000  }
0x205: {  	v44 =	vand.u32 $0x6F, v55;
	v52 =	vmulhi.u32 $0x4EC4EC4F, v15;
	v49 =	vshrl.u32 v14, $0x3;
	[hbm4b:s1+s20] =	stream.linear.scatter [tilespmem:s21], [sflag:$0x8], $0x4000, $0x38;
	[tilespmem:$0x13600] =	vst v63  }
0x206: {  	v54 =	vmul.u32 $0x1A, v49;
	v3 =	vsub.s32 v55, v3;
	v55 =	vmulhi.u32 $0x4EC4EC4F, v40;
	_ =	swait.ge [sflag:s22], $0x4000  }
0x207: {  	v51 =	vand.u32 $0x7F, v13;
	v41 =	vshrl.u32 v52, $0x3;
	v49 =	vmulhi.u32 $0x4EC4EC4F, v48;
	[sflag:s22] =	ssyncset.done $0x0  }
0x208: {  	v41 =	vmul.u32 $0x1A, v41;
	v46 =	vsub.s32 v13, v54;
	v13 =	vshrl.u32 v55, $0x3;
	[sflag:s22] =	ssyncadd.s32 $0xFFFFC000  }
0x209: {  	s8 =	sadd.s32 $0x3B0, s4;
	v35 =	vand.u32 $0x8F, v15;
	v62 =	vshll.u32 v46, $0x1;
	v46 =	vmul.u32 $0x1A, v13;
	v13 =	vld [tilespmem:s0+$0xFFFFFE90]  }
0x20a: {  	v38 =	vsub.s32 v15, v41;
	v55 =	vor.u32 s8, v0;
	v15 =	vshrl.u32 v49, $0x3  }
0x20b: {  	s7 =	sadd.s32 $0x3C0, s4;
	v52 =	vmulhi.u32 $0x4EC4EC4F, v55;
	v14 =	vsub.s32 v40, v46;
	v40 =	vmul.u32 $0x1A, v15  }
0x20c: {  	v41 =	vand.u32 $0xAF, v48;
	v49 =	vshll.u32 v14, $0x1;
	v14 =	vor.u32 s7, v0  }
0x20d: {  	v46 =	vshrl.u32 v52, $0x3;
	v40 =	vsub.s32 v48, v40;
	v48 =	vmulhi.u32 $0x4EC4EC4F, v14  }
0x20e: {  	v46 =	vmul.u32 $0x1A, v46;
	v13 =	vadd.s32 v13, v34  }
0x20f: {  	v36 =	vmul.u32 $0x34, v36;
	v54 =	vshll.u32 v38, $0x1;
	v15 =	vshrl.u32 v48, $0x3;
	[tilespmem:$0x3480] =	vst v13  }
0x210: {  	s6 =	sadd.s32 $0x3D0, s4;
	v38 =	vand.u32 $0xBF, v55;
	v55 =	vsub.s32 v55, v46;
	v48 =	vmul.u32 $0x1A, v15;
	v15 =	vld [tilespmem:s0+$0xFFFFFEA0]  }
0x211: {  	s5 =	sadd.s32 $0x3E0, s4;
	v46 =	vshll.u32 v55, $0x1;
	v55 =	vor.u32 s6, v0  }
0x212: {  	v17 =	vor.u32 s5, v0;
	v36 =	vadd.s32 v45, v36;
	v16 =	vmulhi.u32 $0x4EC4EC4F, v55  }
0x213: {  	s4 =	sadd.s32 $0x3F0, s4;
	v39 =	vand.u32 $0xCF, v14;
	v13 =	vsub.s32 v14, v48;
	v14 =	vmulhi.u32 $0x4EC4EC4F, v17  }
0x214: {  	v48 =	vshll.u32 v13, $0x1;
	v13 =	vshrl.u32 v16, $0x3;
	v16 =	vor.u32 s4, v0  }
0x215: {  	v13 =	vmul.u32 $0x1A, v13;
	v14 =	vshrl.u32 v14, $0x3;
	v15 =	vadd.s32 v15, v36  }
0x216: {  	v45 =	vmulhi.u32 $0x4EC4EC4F, v16;
	v14 =	vmul.u32 $0x1A, v14;
	[tilespmem:$0x3490] =	vst v15  }
0x217: {  	v52 =	vshll.u32 v40, $0x1;
	v40 =	vand.u32 $0xDF, v55;
	v13 =	vsub.s32 v55, v13;
	v15 =	vld [tilespmem:s0+$0xFFFFFEB0]  }
0x218: {  	v55 =	vshll.u32 v13, $0x1;
	v13 =	vsub.s32 v17, v14;
	v14 =	vshrl.u32 v45, $0x3  }
0x219: {  	v45 =	vshll.u32 v13, $0x1;
	v13 =	vmul.u32 $0x1A, v14;
	v14 =	vmul.u32 $0x34, v42;
	_ =	sdelay $0x1  }
0x21a: {  	v11 =	vadd.s32 v11, v14  }
0x21b: {  	v11 =	vadd.s32 v15, v11  }
0x21c: {  	[tilespmem:$0x34A0] =	vst v11  }
0x21d: {  	v11 =	vld [tilespmem:s0+$0xFFFFFEC0];
	_ =	sdelay $0x1  }
0x21e: {  	v5 =	vmul.u32 $0x34, v5;
	_ =	sdelay $0x1  }
0x21f: {  	v5 =	vadd.s32 v12, v5  }
0x220: {  	v5 =	vadd.s32 v11, v5  }
0x221: {  	[tilespmem:$0x34B0] =	vst v5  }
0x222: {  	v5 =	vld [tilespmem:s0+$0xFFFFFED0]  }
0x223: {  	v13 =	vsub.s32 v16, v13  }
0x224: {  	v42 =	vshll.u32 v13, $0x1;
	v13 =	vmul.u32 $0x34, v58;
	_ =	sdelay $0x1  }
0x225: {  	v7 =	vadd.s32 v7, v13  }
0x226: {  	v5 =	vadd.s32 v5, v7  }
0x227: {  	[tilespmem:$0x34C0] =	vst v5  }
0x228: {  	v5 =	vld [tilespmem:s0+$0xFFFFFEE0];
	_ =	sdelay $0x1  }
0x229: {  	v14 =	vmul.u32 $0x34, v63;
	_ =	sdelay $0x1  }
0x22a: {  	v7 =	vadd.s32 v10, v14  }
0x22b: {  	v5 =	vadd.s32 v5, v7  }
0x22c: {  	[tilespmem:$0x34D0] =	vst v5  }
0x22d: {  	v5 =	vld [tilespmem:s0+$0xFFFFFEF0];
	_ =	sdelay $0x1  }
0x22e: {  	v1 =	vmul.u32 $0x34, v1;
	_ =	sdelay $0x1  }
0x22f: {  	v1 =	vadd.s32 v8, v1  }
0x230: {  	v1 =	vadd.s32 v5, v1  }
0x231: {  	[tilespmem:$0x34E0] =	vst v1  }
0x232: {  	v1 =	vld [tilespmem:s0+$0xFFFFFF00];
	_ =	sdelay $0x1  }
0x233: {  	v4 =	vmul.u32 $0x34, v4  }
0x234: {  	v9 =	vshll.u32 v9, $0x1  }
0x235: {  	v4 =	vadd.s32 v9, v4  }
0x236: {  	v1 =	vadd.s32 v1, v4  }
0x237: {  	s9 =	simm.s32 $0x7600;
	s10 =	simm.s32 $0x1;
	s8 =	simm.s32 $0x3480;
	[tilespmem:$0x34F0] =	vst v1  }
0x238: {  	[tilespmem:s9], [sflag:$0x2] =	stream.indirect.gather [hbm4b:s3+s18], $0x80, s8, s18, $0xb8;
	[tilespmem:$0x13600] =	vst v63  }
0x239: {  	_ =	swait.ge [sflag:s10], $0x4000  }
0x23a: {  	[sflag:s10] =	ssyncset.done $0x0  }
0x23b: {  	s26 =	simm.s32 $0x7;
	s24 =	sadd.s32 $0x800, s1;
	[sflag:s10] =	ssyncadd.s32 $0xFFFFC000  }
0x23c: {  	[hbm4b:s24+s20] =	stream.linear.scatter [tilespmem:s13], [sflag:$0x5], $0x4000, $0x38;
	[tilespmem:$0x13600] =	vst v63  }
0x23d: {  	_ =	swait.ge [sflag:s26], $0x4000  }
0x23e: {  	[sflag:s26] =	ssyncset.done $0x0  }
0x23f: {  	[sflag:s26] =	ssyncadd.s32 $0xFFFFC000  }
0x240: {  	v1 =	vld [tilespmem:s0+$0xFFFFFF10];
	_ =	sdelay $0x3  }
0x241: {  	v15 =	vshll.u32 v59, $0x1  }
0x242: {  	v1 =	vadd.s32 v1, v15  }
0x243: {  	v1 =	vadd.s32 v30, v1  }
0x244: {  	[tilespmem:$0x3500] =	vst v1  }
0x245: {  	v1 =	vld [tilespmem:s0+$0xFFFFFF20];
	_ =	sdelay $0x1  }
0x246: {  	v58 =	vmul.u32 $0x34, v56;
	_ =	sdelay $0x1  }
0x247: {  	v4 =	vadd.s32 v6, v58  }
0x248: {  	v1 =	vadd.s32 v1, v4  }
0x249: {  	[tilespmem:$0x3510] =	vst v1  }
0x24a: {  	v1 =	vld [tilespmem:s0+$0xFFFFFF30];
	_ =	sdelay $0x1  }
0x24b: {  	v59 =	vmul.u32 $0x34, v50;
	_ =	sdelay $0x1  }
0x24c: {  	v4 =	vadd.s32 v60, v59  }
0x24d: {  	v1 =	vadd.s32 v1, v4  }
0x24e: {  	[tilespmem:$0x3520] =	vst v1  }
0x24f: {  	v1 =	vld [tilespmem:s0+$0xFFFFFF40];
	_ =	sdelay $0x1  }
0x250: {  	v60 =	vmul.u32 $0x34, v47;
	_ =	sdelay $0x1  }
0x251: {  	v4 =	vadd.s32 v61, v60  }
0x252: {  	v1 =	vadd.s32 v1, v4  }
0x253: {  	[tilespmem:$0x3530] =	vst v1  }
0x254: {  	v1 =	vld [tilespmem:s0+$0xFFFFFF50];
	_ =	sdelay $0x1  }
0x255: {  	v63 =	vmul.u32 $0x34, v53;
	_ =	sdelay $0x1  }
0x256: {  	v2 =	vadd.s32 v2, v63  }
0x257: {  	v1 =	vadd.s32 v1, v2  }
0x258: {  	[tilespmem:$0x3540] =	vst v1  }
0x259: {  	v1 =	vld [tilespmem:s0+$0xFFFFFF60];
	_ =	sdelay $0x1  }
0x25a: {  	v2 =	vmul.u32 $0x34, v43;
	_ =	sdelay $0x1  }
0x25b: {  	v2 =	vadd.s32 v57, v2  }
0x25c: {  	v1 =	vadd.s32 v1, v2  }
0x25d: {  	[tilespmem:$0x3550] =	vst v1  }
0x25e: {  	v1 =	vld [tilespmem:s0+$0xFFFFFF70];
	_ =	sdelay $0x1  }
0x25f: {  	v2 =	vmul.u32 $0x34, v44  }
0x260: {  	v3 =	vshll.u32 v3, $0x1  }
0x261: {  	v2 =	vadd.s32 v3, v2  }
0x262: {  	v1 =	vadd.s32 v1, v2  }
0x263: {  	[tilespmem:$0x3560] =	vst v1  }
0x264: {  	v1 =	vld [tilespmem:s0+$0xFFFFFF80];
	_ =	sdelay $0x1  }
0x265: {  	v2 =	vmul.u32 $0x34, v51;
	_ =	sdelay $0x1  }
0x266: {  	v2 =	vadd.s32 v62, v2  }
0x267: {  	s28 =	simm.s32 $0xB600;
	v1 =	vadd.s32 v1, v2  }
0x268: {  	s23 =	simm.s32 $0x80;
	s15 =	simm.s32 $0x2;
	s11 =	simm.s32 $0x3500;
	[tilespmem:$0x3570] =	vst v1  }
0x269: {  	[tilespmem:s28], [sflag:$0x3] =	stream.indirect.gather [hbm4b:s3+s23], $0x80, s11, s23, $0xb8;
	[tilespmem:$0x13600] =	vst v63  }
0x26a: {  	_ =	swait.ge [sflag:s15], $0x4000  }
0x26b: {  	s25 =	simm.s32 $0x0;
	[sflag:s15] =	ssyncset.done $0x0  }
0x26c: {  	s29 =	sadd.s32 $0x1000, s1;
	s30 =	simm.s32 $0x8;
	[sflag:s15] =	ssyncadd.s32 $0xFFFFC000  }
0x26d: {  	[hbm4b:s29+s25] =	stream.linear.scatter [tilespmem:s9], [sflag:$0x6], $0x4000, $0x38;
	[tilespmem:$0x13600] =	vst v63  }
0x26e: {  	_ =	swait.ge [sflag:s30], $0x4000  }
0x26f: {  	[sflag:s30] =	ssyncset.done $0x0  }
0x270: {  	[sflag:s30] =	ssyncadd.s32 $0xFFFFC000  }
0x271: {  	v1 =	vld [tilespmem:s0+$0xFFFFFF90];
	_ =	sdelay $0x1  }
0x272: {  	v2 =	vmul.u32 $0x34, v35;
	_ =	sdelay $0x1  }
0x273: {  	v2 =	vadd.s32 v54, v2  }
0x274: {  	v1 =	vadd.s32 v1, v2  }
0x275: {  	[tilespmem:$0x3580] =	vst v1  }
0x276: {  	v1 =	vld [tilespmem:s0+$0xFFFFFFA0];
	_ =	sdelay $0x1  }
0x277: {  	v2 =	vmul.u32 $0x34, v37;
	_ =	sdelay $0x1  }
0x278: {  	v2 =	vadd.s32 v49, v2  }
0x279: {  	v1 =	vadd.s32 v1, v2  }
0x27a: {  	[tilespmem:$0x3590] =	vst v1  }
0x27b: {  	v1 =	vld [tilespmem:s0+$0xFFFFFFB0];
	_ =	sdelay $0x1  }
0x27c: {  	v2 =	vmul.u32 $0x34, v41;
	_ =	sdelay $0x1  }
0x27d: {  	v2 =	vadd.s32 v52, v2  }
0x27e: {  	v1 =	vadd.s32 v1, v2  }
0x27f: {  	[tilespmem:$0x35A0] =	vst v1  }
0x280: {  	v1 =	vld [tilespmem:s0+$0xFFFFFFC0];
	_ =	sdelay $0x1  }
0x281: {  	v2 =	vmul.u32 $0x34, v38;
	_ =	sdelay $0x1  }
0x282: {  	v2 =	vadd.s32 v46, v2  }
0x283: {  	v1 =	vadd.s32 v1, v2  }
0x284: {  	[tilespmem:$0x35B0] =	vst v1  }
0x285: {  	v1 =	vld [tilespmem:s0+$0xFFFFFFD0];
	_ =	sdelay $0x1  }
0x286: {  	v2 =	vmul.u32 $0x34, v39;
	_ =	sdelay $0x1  }
0x287: {  	v2 =	vadd.s32 v48, v2  }
0x288: {  	v1 =	vadd.s32 v1, v2  }
0x289: {  	[tilespmem:$0x35C0] =	vst v1  }
0x28a: {  	v1 =	vld [tilespmem:s0+$0xFFFFFFE0];
	_ =	sdelay $0x1  }
0x28b: {  	v2 =	vmul.u32 $0x34, v40;
	_ =	sdelay $0x1  }
0x28c: {  	v2 =	vadd.s32 v55, v2  }
0x28d: {  	v1 =	vadd.s32 v1, v2  }
0x28e: {  	[tilespmem:$0x35D0] =	vst v1  }
0x28f: {  	v1 =	vld [tilespmem:s0+$0xFFFFFFF0]  }
0x290: {  	v34 =	vand.u32 $0xEF, v17  }
0x291: {  	v2 =	vmul.u32 $0x34, v34;
	_ =	sdelay $0x1  }
0x292: {  	v2 =	vadd.s32 v45, v2  }
0x293: {  	v1 =	vadd.s32 v1, v2  }
0x294: {  	[tilespmem:$0x35E0] =	vst v1  }
0x295: {  	v1 =	vld [tilespmem:s0+$0x0]  }
0x296: {  	p0 =	sne.s32 s31, $0x3000;
	v36 =	vand.u32 $0xFF, v16  }
.Ltmp0:
0x297: {  	v2 =	vmul.u32 $0x34, v36;
	(pc) =	sbr.rel @p0 .LBB2_2-.Ltmp0, $4  }
0x298: {  	_ = 	snop  }
0x299: {  	v2 =	vadd.s32 v42, v2  }
0x29a: {  	s31 =	sadd.s32 $0x200, s31;
	s5 =	simm.s32 $0xB600;
	v1 =	vadd.s32 v1, v2  }
0x29b: {  	s1 =	sadd.s32 $0x2000, s1;
	s4 =	simm.s32 $0x80;
	s0 =	sadd.s32 $0x200, s0;
	[tilespmem:$0x35F0] =	vst v1  }
0x29c: {  	s0 =	rddreg [dreg:$0x4]  }
0x29d: {  	s1 =	simm.s32 $0x3580;
	s2 =	simm.s32 $0xF600;
	s20 =	simm.s32 $0x3  }
0x29e: {  	[tilespmem:s2], [sflag:$0x4] =	stream.indirect.gather [hbm4b:s0+s4], $0x80, s1, s4, $0xb8;
	[tilespmem:$0x13600] =	vst v63  }
0x29f: {  	_ =	swait.ge [sflag:s20], $0x4000  }
0x2a0: {  	s21 =	simm.s32 $0x0;
	[sflag:s20] =	ssyncset.done $0x0  }
0x2a1: {  	s23 =	simm.s32 $0x4;
	s22 =	rddreg [dreg:$0x8];
	[sflag:s20] =	ssyncadd.s32 $0xFFFFC000  }
0x2a2: {  	[hbm4b:s22+s21] =	stream.linear.scatter [tilespmem:s5], [sflag:$0x7], $0x4000, $0x38;
	[tilespmem:$0x13600] =	vst v63  }
0x2a3: {  	_ =	swait.ge [sflag:s23], $0x4000  }
0x2a4: {  	[sflag:s23] =	ssyncset.done $0x0  }
0x2a5: {  	s25 =	simm.s32 $0x5;
	s24 =	rddreg [dreg:$0x9];
	[sflag:s23] =	ssyncadd.s32 $0xFFFFC000  }
0x2a6: {  	[hbm4b:s24+s21] =	stream.linear.scatter [tilespmem:s2], [sflag:$0x8], $0x4000, $0x38;
	[tilespmem:$0x13600] =	vst v63  }
0x2a7: {  	_ =	swait.ge [sflag:s25], $0x4000  }
0x2a8: {  	[sflag:s25] =	ssyncset.done $0x0  }
0x2a9: {  	s26 =	simm.s32 $0x6;
	[sflag:s25] =	ssyncadd.s32 $0xFFFFC000  }
0x2aa: {  	_ =	swait.ge [sflag:s26], $0x4000  }
0x2ab: {  	[sflag:s26] =	ssyncset.done $0x0  }
0x2ac: {  	s28 =	simm.s32 $0x7;
	[sflag:s26] =	ssyncadd.s32 $0xFFFFC000  }
0x2ad: {  	_ =	swait.ge [sflag:s28], $0x4000  }
0x2ae: {  	[sflag:s28] =	ssyncset.done $0x0  }
0x2af: {  	s29 =	simm.s32 $0x8;
	[sflag:s28] =	ssyncadd.s32 $0xFFFFC000  }
0x2b0: {  	_ =	swait.ge [sflag:s29], $0x4000  }
0x2b1: {  	s30 =	rddreg [dreg:$0xc]  }
0x2b2: {  	s31 =	rddreg [dreg:$0xa];
	s2 =	sadd.s32 $0x1, s30  }
0x2b3: {  	p0 =	sne.s32 s2, s31  }
.Ltmp1:
0x2b4: {  	_ = 	snop;
	(pc) =	sbr.rel @p0 .LBB2_1-.Ltmp1, $3  }
0x2b5: {  	_ =	sdelay $0x1  }
0x2b6: {  	[sflag:s29] =	ssyncset.done $0x0  }
0x2b7: {  	[sflag:s29] =	ssyncadd.s32 $0xFFFFC000  }
0x2b8: {  	_ =	sfence.sel $0x180000  }
0x2b9: {  	[bflag:$0x0] =	sbarrier.arrive $0xFFFF  }
0x2ba: {  	_ =	strace $0x90000047  }
0x2bb: {  	s0 =	stileid.u32;
	[bflag:$0x2] =	sbarrier.arrive $0xFFFF  }
0x2bc: {  	p0 =	sne.s32 s0, $0x0;
	s0 =	rddreg [dreg:$0x2]  }
0x2bd: {  	s0 =	sadd.s32 @!p0 $0x100000, s0  }
0x2be: {  	[sflag:s0] =	ssyncadd.tile.s32 @!p0 $0x1;
	_ =	shalt  }
.Lfunc_end2:
_tile_overlayer_lowered:
.L_overlay_start_2:
0x2bf: {  	(tag) =	ssettag $0x2  }
0x2c0: {  	s0 =	rddreg [dreg:$0x0];
	s2 =	stileid.u32  }
0x2c1: {  	s1 =	rddreg [dreg:$0x1];
	p0 =	sne.s32 s2, $0x0  }
0x2c2: {  	s3 =	rddreg [dreg:$0x2];
	[bflag:$0x3] =	sbarrier.arrive $0xFFFF;
	s2 =	simm.s32 @!p0 $0x1C09  }
0x2c3: {  	[timem:s3], [sflag:s2] =	dma.local @!p0 [hbm:s0], s1  }
0x2c4: {  	s0 =	simm.s32 @!p0 $0x9  }
0x2c5: {  	_ =	swait.ge @!p0 [sflag:s0], s1  }
0x2c6: {  	s1 =	ssub.s32 @!p0 $0x0, s1;
	[sflag:s0] =	ssyncset.done @!p0 $0x0  }
0x2c7: {  	[sflag:s0] =	ssyncadd.s32 @!p0 s1  }
0x2c8: {  	[bflag:$0x3] =	sbarrier.arrive $0xFFFF  }
0x2c9: {  	_ =	shalt  }

</sc_bundles>
